<compile_context>
chip_gen: v7x
topology: tpu7x:2x2x1
jax: 0.10.2.dev20260603
libtpu: 0.0.44.dev20260713+nightly
codegen_flags: <defaults>
</compile_context>

<pallas_src>
import functools

import jax
import jax.numpy as jnp
from jax import lax
from jax.experimental import pallas as pl
from jax.experimental.pallas import tpu as pltpu
from jax.experimental.pallas import tpu_sc as plsc

N = 1024
NSL = N // 16
SENT = 1 << 20


def _prologue_body(logits_ref, u_ref, adj_ref, gl_ref, explog_ref, deg_ref,
                   bits_ref, itc_ref):
    l = logits_ref[...]
    u = u_ref[...]
    gn = -jnp.log(-jnp.log(u + 1e-20) + 1e-20)
    gl_ref[...] = l + gn
    explog_ref[...] = jnp.exp(l)
    a = adj_ref[...]
    deg_ref[...] = jnp.sum(a, axis=1, keepdims=True)
    acc = jnp.zeros((32, N), jnp.int32)
    for b in range(32):
        acc = acc | (lax.slice(a, (b * 32, 0), (b * 32 + 32, N)) << b)
    bits_ref[...] = acc
    srl = lax.shift_right_logical
    x = acc - (srl(acc, 1) & 0x55555555)
    x = (x & 0x33333333) + (srl(x, 2) & 0x33333333)
    x = (x + srl(x, 4)) & 0x0F0F0F0F
    cnt = srl(x * 0x01010101, 24)
    itc_ref[...] = jnp.max(cnt, axis=0, keepdims=True)


_prologue = pl.pallas_call(
    _prologue_body,
    out_shape=(
        jax.ShapeDtypeStruct((8, 128), jnp.float32),
        jax.ShapeDtypeStruct((8, 128), jnp.float32),
        jax.ShapeDtypeStruct((N, 1), jnp.int32),
        jax.ShapeDtypeStruct((32, N), jnp.int32),
        jax.ShapeDtypeStruct((1, N), jnp.int32),
    ),
)


def _epilogue_body(logits_ref, sp_ref, out_ref):
    l = logits_ref[...]
    s = jnp.sum(sp_ref[...], axis=1, keepdims=True)
    out_ref[...] = 0.0 - jnp.log(s * jnp.exp(-l) + 1e-10)


_epilogue = pl.pallas_call(
    _epilogue_body,
    out_shape=jax.ShapeDtypeStruct((N, 1), jnp.float32),
)


def _make_sc_kernel():
    mesh = plsc.VectorSubcoreMesh(core_axis_name="c", subcore_axis_name="s")

    @functools.partial(
        pl.kernel,
        mesh=mesh,
        out_type=jax.ShapeDtypeStruct((N * 16,), jnp.float32),
        compiler_params=pltpu.CompilerParams(needs_layout_passes=False),
        scratch_types=[
            pltpu.VMEM((N,), jnp.float32),
            pltpu.VMEM((64,), jnp.float32),
            pltpu.VMEM((64,), jnp.float32),
            pltpu.VMEM((N,), jnp.int32),
            pltpu.VMEM((32, N), jnp.int32),
            pltpu.VMEM((N,), jnp.float32),
            pltpu.VMEM((N,), jnp.float32),
            pltpu.VMEM((N,), jnp.int32),
            pltpu.VMEM((N * 16,), jnp.float32),
        ],
    )
    def sc_kernel(gl_hbm, explog_hbm, deg_hbm, bits_hbm, itc_hbm, sp_hbm,
                  mval_v, bmax_v, bsum_v, deg_v, bits_v, gl_v,
                  explog_v, itc_v, sp_v):
        c = lax.axis_index("c")
        sub = lax.axis_index("s")

        def _perm(v, idx):
            return v.at[idx].get(mode="promise_in_bounds")

        def _splat(x):
            return x if getattr(x, "shape", ()) == (16,) else jnp.full(
                (16,), x, jnp.int32)

        def _bcast_last(v):
            return _perm(v, jnp.full((16,), 15, jnp.int32))

        @pl.when(jnp.logical_and(c == 0, sub == 0))
        def _():
            pltpu.sync_copy(gl_hbm, gl_v)
            pltpu.sync_copy(explog_hbm, explog_v)
            pltpu.sync_copy(deg_hbm, deg_v)
            pltpu.sync_copy(bits_hbm, bits_v)
            pltpu.sync_copy(itc_hbm, itc_v)
            iota = lax.broadcasted_iota(jnp.int32, (16,), 0)
            neg_inf = jnp.full((16,), -jnp.inf, jnp.float32)
            zeros_f = jnp.zeros((16,), jnp.float32)
            lane0 = iota == 0

            for k in range(NSL):
                sl = pl.ds(k * 16, 16)
                elig = deg_v[sl] == 0
                mval_v[sl] = jnp.where(elig, gl_v[sl], neg_inf)
            for v in range(4):
                bm = neg_inf
                bs = zeros_f
                for t in range(16):
                    sl = pl.ds(t * 64 + v * 16, 16)
                    mv = mval_v[sl]
                    bm = jnp.maximum(bm, mv)
                    bs = bs + jnp.where(mv > neg_inf, explog_v[sl], zeros_f)
                bmax_v[pl.ds(v * 16, 16)] = bm
                bsum_v[pl.ds(v * 16, 16)] = bs

            def step(_, carry):
                b0 = bmax_v[pl.ds(0, 16)]
                b1 = bmax_v[pl.ds(16, 16)]
                b2 = bmax_v[pl.ds(32, 16)]
                b3 = bmax_v[pl.ds(48, 16)]
                m01 = b1 > b0
                v01 = jnp.where(m01, b1, b0)
                i01 = jnp.where(m01, 1, 0)
                m23 = b3 > b2
                v23 = jnp.where(m23, b3, b2)
                i23 = jnp.where(m23, 3, 2)
                mf = v23 > v01
                bb = jnp.where(mf, v23, v01)
                bid = jnp.where(mf, i23, i01)
                ss = ((bsum_v[pl.ds(0, 16)] + bsum_v[pl.ds(16, 16)])
                      + (bsum_v[pl.ds(32, 16)] + bsum_v[pl.ds(48, 16)]))
                r = _bcast_last(plsc.cummax(bb))
                lane = _splat(plsc.all_reduce_ffs(bb == r))
                vid = _perm(bid, lane)
                blk = vid * 16 + lane

                idxb = blk + 64 * iota
                bvals = plsc.load_gather(mval_v, [idxb])
                t = _splat(plsc.all_reduce_ffs(bvals == r))
                mi_v = blk + 64 * t

                plsc.store_scatter(sp_v, [mi_v * 16 + iota], ss)
                plsc.store_scatter(mval_v, [mi_v], neg_inf, mask=lane0)
                bv2 = jnp.where(iota == t, neg_inf, bvals)
                nbm = _bcast_last(plsc.cummax(bv2))
                plsc.store_scatter(bmax_v, [blk], nbm, mask=lane0)
                eg = plsc.load_gather(explog_v, [mi_v])
                plsc.addupdate_scatter(bsum_v, [blk], -eg, mask=lane0)

                w0 = plsc.load_gather(bits_v, [iota, mi_v])
                w1 = plsc.load_gather(bits_v, [iota + 16, mi_v])
                trip = jnp.max(plsc.load_gather(itc_v, [mi_v]))

                def adj_iter(wc):
                    nw = []
                    for wv, rowidx in ((wc[0], iota), (wc[1], iota + 16)):
                        act = wv != 0
                        y = wv & (-wv)
                        f = y.astype(jnp.float32)
                        e = ((lax.bitcast_convert_type(f, jnp.int32) >> 23)
                             & 255) - 127
                        i = jnp.where(act, e * 32 + rowidx, 0)
                        blkv = i & 63
                        g = plsc.load_gather(gl_v, [i], mask=act)
                        ee = plsc.load_gather(explog_v, [i], mask=act)
                        bm = plsc.load_gather(bmax_v, [blkv], mask=act)
                        od = plsc.load_gather(deg_v, [i], mask=act)
                        nd = od - 1
                        plsc.store_scatter(deg_v, [i], nd, mask=act)
                        trans = jnp.logical_and(act, nd == 0)
                        plsc.store_scatter(mval_v, [i], g, mask=trans)
                        plsc.store_scatter(bmax_v, [blkv], jnp.maximum(bm, g),
                                           mask=trans)
                        plsc.addupdate_scatter(bsum_v, [blkv], ee, mask=trans)
                        nw.append(wv & (wv - 1))
                    return tuple(nw)

                wc = adj_iter((w0, w1))

                def wcond(c):
                    return c[2] > 1

                def wbody(c):
                    nw = adj_iter((c[0], c[1]))
                    return (nw[0], nw[1], c[2] - 1)

                lax.while_loop(wcond, wbody, (wc[0], wc[1], trip))
                return carry

            lax.fori_loop(0, N, step, 0)
            pltpu.sync_copy(sp_v, sp_hbm)

    return sc_kernel


_sc_kernel = _make_sc_kernel()


def kernel(logits, adj_mat):
    u = jax.random.uniform(jax.random.key(42), logits.shape,
                           dtype=logits.dtype)
    l2 = logits.reshape(8, 128)
    gl2, explog2, deg2, bits, itc = _prologue(l2, u.reshape(8, 128), adj_mat)
    gl = gl2.reshape(N)
    sp = _sc_kernel(gl, explog2.reshape(N), deg2.reshape(N), bits,
                    itc.reshape(N))
    lp = _epilogue(logits.reshape(N, 1), sp.reshape(N, 16))
    return (lp.reshape(N), gl)

# --- scband reference (transcript-rebuilt; emitter-appended) ---
"""Pipeline reference for scband-gumbel-topo-sort-adj-68367289418256 (READ-ONLY COPY).

The authoritative reference and input builder live on the scoring server;
editing this copy changes nothing except your own understanding.
"""

import jax, jax.numpy as jnp
import numpy as np

N = 1024


def setup_inputs(seed: int = 0) -> dict:
    key = jax.random.key(seed)
    k1, k2 = jax.random.split(key)
    logits = jax.random.normal(k1, (N,), dtype=jnp.float32)
    # sparse upper-triangular adjacency -> guaranteed DAG so zero-in-degree
    # nodes exist at every step (matches the intended use of the module)
    adj = (jax.random.uniform(k2, (N, N)) < 0.01).astype(jnp.int32)
    adj = jnp.triu(adj, k=1)
    return {"logits": logits, "adj_mat": adj}


def _topo_integrated_mask(gumbel_logits, adj0):
    n = gumbel_logits.shape[0]

    def body(i, carry):
        adj, unsel, integ = carry
        zerodin = (adj.sum(axis=1) == 0) & unsel
        masked = jnp.where(zerodin, gumbel_logits, -jnp.inf)
        mi = jnp.argmax(masked)
        unsel = unsel.at[mi].set(False)
        adj = adj.at[mi, :].set(0)
        adj = adj.at[:, mi].set(0)
        integ = integ.at[mi].set(zerodin)
        return (adj, unsel, integ)

    init = (adj0,
            jnp.ones((n,), dtype=bool),
            jnp.zeros((n, n), dtype=bool))
    _, _, integ = jax.lax.fori_loop(0, n, body, init)
    return integ


def reference(logits, adj_mat):
    node_num = logits.shape[0]
    adj = adj_mat[:node_num, :node_num]
    # gumbel noise sampled internally (torch.rand equivalent) with fixed key
    ku = jax.random.key(42)
    u = jax.random.uniform(ku, logits.shape, dtype=logits.dtype)
    gumbel_noise = -jnp.log(-jnp.log(u + 1e-20) + 1e-20)
    gumbel_logits = logits + gumbel_noise
    integrated_mask = _topo_integrated_mask(
        jax.lax.stop_gradient(gumbel_logits), adj)
    logits_expand_r = jnp.broadcast_to(logits[None, :], (node_num, node_num))
    logits_expand_c = jnp.broadcast_to(logits[:, None], (node_num, node_num))
    rd = jnp.exp(logits_expand_r - logits_expand_c) * integrated_mask
    log_prob = 0 - jnp.log(rd.sum(axis=1) + 1e-10)
    return (log_prob, gumbel_logits)

if __name__ == "__main__":
    import jax
    _d = setup_inputs()
    print(jax.jit(kernel)(*tuple(_d.values())))

</pallas_src>

<mosaic_0001>
#map = affine_map<(d0, d1) -> (0)>
#map1 = affine_map<(d0, d1) -> (0, 0)>
module attributes {stable_mosaic.version = 14 : i64} {
  func.func @sc_kernel(%arg0: i32, %arg1: i32, %arg2: memref<1024xf32, #tpu.memory_space<hbm>>, %arg3: memref<1024xf32, #tpu.memory_space<hbm>>, %arg4: memref<1024xi32, #tpu.memory_space<hbm>>, %arg5: memref<32x1024xi32, #tpu.memory_space<hbm>>, %arg6: memref<1024xi32, #tpu.memory_space<hbm>>, %arg7: memref<16384xf32, #tpu.memory_space<hbm>>, %arg8: memref<1024xf32, #tpu.memory_space<vmem>>, %arg9: memref<64xf32, #tpu.memory_space<vmem>>, %arg10: memref<64xf32, #tpu.memory_space<vmem>>, %arg11: memref<1024xi32, #tpu.memory_space<vmem>>, %arg12: memref<32x1024xi32, #tpu.memory_space<vmem>>, %arg13: memref<1024xf32, #tpu.memory_space<vmem>>, %arg14: memref<1024xf32, #tpu.memory_space<vmem>>, %arg15: memref<1024xi32, #tpu.memory_space<vmem>>, %arg16: memref<16384xf32, #tpu.memory_space<vmem>>) attributes {dimension_semantics = [#tpu.dimension_semantics<core_parallel>, #tpu.dimension_semantics<subcore_parallel>], iteration_bounds = array<i64: 2, 16>, scalar_prefetch = 0 : i64, scratch_operands = 9 : i64, tpu.core_type = #tpu.core_type<sc_vector_subcore>, window_params = [{transform_indices = #map}, {transform_indices = #map}, {transform_indices = #map}, {transform_indices = #map1}, {transform_indices = #map}, {transform_indices = #map}]} {
    %eq3A = arith.constant 0 : i32
    %eq3A_0 = arith.cmpi eq, %arg0, %eq3A : i32
    %eq3A_1 = arith.constant 0 : i32
    %eq3A_2 = arith.cmpi eq, %arg1, %eq3A_1 : i32
    %and3A = arith.andi %eq3A_0, %eq3A_2 : i1
    %convert_element_type3A = arith.extui %and3A : i1 to i32
    %cond3A = arith.constant 0 : i32
    %cond3A_3 = arith.cmpi ne, %convert_element_type3A, %cond3A : i32
    scf.if %cond3A_3 {
      "tpu.region"() ({
        %run_scoped3A = tpu.sem_alloc : memref<!tpu.dma_semaphore, #tpu.memory_space<semaphore_mem>>
        tpu.enqueue_dma source(%arg2 : memref<1024xf32, #tpu.memory_space<hbm>>) target(%arg13 : memref<1024xf32, #tpu.memory_space<vmem>>) target_semaphore(%run_scoped3A : memref<!tpu.dma_semaphore, #tpu.memory_space<semaphore_mem>>)
        tpu.wait_dma2 semaphore(%run_scoped3A : memref<!tpu.dma_semaphore, #tpu.memory_space<semaphore_mem>>) src(%arg2 : memref<1024xf32, #tpu.memory_space<hbm>>) dst(%arg13 : memref<1024xf32, #tpu.memory_space<vmem>>)
        tpu.yield
      }) : () -> ()
      "tpu.region"() ({
        %run_scoped3A = tpu.sem_alloc : memref<!tpu.dma_semaphore, #tpu.memory_space<semaphore_mem>>
        tpu.enqueue_dma source(%arg3 : memref<1024xf32, #tpu.memory_space<hbm>>) target(%arg14 : memref<1024xf32, #tpu.memory_space<vmem>>) target_semaphore(%run_scoped3A : memref<!tpu.dma_semaphore, #tpu.memory_space<semaphore_mem>>)
        tpu.wait_dma2 semaphore(%run_scoped3A : memref<!tpu.dma_semaphore, #tpu.memory_space<semaphore_mem>>) src(%arg3 : memref<1024xf32, #tpu.memory_space<hbm>>) dst(%arg14 : memref<1024xf32, #tpu.memory_space<vmem>>)
        tpu.yield
      }) : () -> ()
      "tpu.region"() ({
        %run_scoped3A = tpu.sem_alloc : memref<!tpu.dma_semaphore, #tpu.memory_space<semaphore_mem>>
        tpu.enqueue_dma source(%arg4 : memref<1024xi32, #tpu.memory_space<hbm>>) target(%arg11 : memref<1024xi32, #tpu.memory_space<vmem>>) target_semaphore(%run_scoped3A : memref<!tpu.dma_semaphore, #tpu.memory_space<semaphore_mem>>)
        tpu.wait_dma2 semaphore(%run_scoped3A : memref<!tpu.dma_semaphore, #tpu.memory_space<semaphore_mem>>) src(%arg4 : memref<1024xi32, #tpu.memory_space<hbm>>) dst(%arg11 : memref<1024xi32, #tpu.memory_space<vmem>>)
        tpu.yield
      }) : () -> ()
      "tpu.region"() ({
        %run_scoped3A = tpu.sem_alloc : memref<!tpu.dma_semaphore, #tpu.memory_space<semaphore_mem>>
        tpu.enqueue_dma source(%arg5 : memref<32x1024xi32, #tpu.memory_space<hbm>>) target(%arg12 : memref<32x1024xi32, #tpu.memory_space<vmem>>) target_semaphore(%run_scoped3A : memref<!tpu.dma_semaphore, #tpu.memory_space<semaphore_mem>>)
        tpu.wait_dma2 semaphore(%run_scoped3A : memref<!tpu.dma_semaphore, #tpu.memory_space<semaphore_mem>>) src(%arg5 : memref<32x1024xi32, #tpu.memory_space<hbm>>) dst(%arg12 : memref<32x1024xi32, #tpu.memory_space<vmem>>)
        tpu.yield
      }) : () -> ()
      "tpu.region"() ({
        %run_scoped3A = tpu.sem_alloc : memref<!tpu.dma_semaphore, #tpu.memory_space<semaphore_mem>>
        tpu.enqueue_dma source(%arg6 : memref<1024xi32, #tpu.memory_space<hbm>>) target(%arg15 : memref<1024xi32, #tpu.memory_space<vmem>>) target_semaphore(%run_scoped3A : memref<!tpu.dma_semaphore, #tpu.memory_space<semaphore_mem>>)
        tpu.wait_dma2 semaphore(%run_scoped3A : memref<!tpu.dma_semaphore, #tpu.memory_space<semaphore_mem>>) src(%arg6 : memref<1024xi32, #tpu.memory_space<hbm>>) dst(%arg15 : memref<1024xi32, #tpu.memory_space<vmem>>)
        tpu.yield
      }) : () -> ()
      %iota3A = tpu.iota {dimensions = array<i32: 0>} : vector<16xi32>
      %broadcast_in_dim3A = arith.constant 0xFF800000 : f32
      %broadcast_in_dim3A_4 = vector.broadcast %broadcast_in_dim3A : f32 to vector<16xf32>
      %broadcast_in_dim3A_5 = arith.constant 0.000000e+00 : f32
      %broadcast_in_dim3A_6 = vector.broadcast %broadcast_in_dim3A_5 : f32 to vector<16xf32>
      %eq3A_7 = arith.constant 0 : i32
      %eq3A_8 = vector.broadcast %eq3A_7 : i32 to vector<16xi32>
      %eq3A_9 = arith.cmpi eq, %iota3A, %eq3A_8 : vector<16xi32>
      %get3A = arith.constant 0 : index
      %get3A_10 = tpu.vector_load %arg11[%get3A] {strides = array<i32>} : memref<1024xi32, #tpu.memory_space<vmem>>, vector<16xi32>,
      %eq3A_11 = arith.constant 0 : i32
      %eq3A_12 = vector.broadcast %eq3A_11 : i32 to vector<16xi32>
      %eq3A_13 = arith.cmpi eq, %get3A_10, %eq3A_12 : vector<16xi32>
      %get3A_14 = arith.constant 0 : index
      %get3A_15 = tpu.vector_load %arg13[%get3A_14] {strides = array<i32>} : memref<1024xf32, #tpu.memory_space<vmem>>, vector<16xf32>,
      %select_n3A = arith.select %eq3A_13, %get3A_15, %broadcast_in_dim3A_4 : vector<16xi1>, vector<16xf32>
      %swap3A = arith.constant 0 : index
      %swap3A_16 = tpu.vector_load %arg8[%swap3A] {strides = array<i32>} : memref<1024xf32, #tpu.memory_space<vmem>>, vector<16xf32>,
      tpu.vector_store %arg8[%swap3A], %select_n3A {strides = array<i32>} : memref<1024xf32, #tpu.memory_space<vmem>>, vector<16xf32>,
      %get3A_17 = arith.constant 16 : index
      %get3A_18 = tpu.vector_load %arg11[%get3A_17] {strides = array<i32>} : memref<1024xi32, #tpu.memory_space<vmem>>, vector<16xi32>,
      %eq3A_19 = arith.constant 0 : i32
      %eq3A_20 = vector.broadcast %eq3A_19 : i32 to vector<16xi32>
      %eq3A_21 = arith.cmpi eq, %get3A_18, %eq3A_20 : vector<16xi32>
      %get3A_22 = arith.constant 16 : index
      %get3A_23 = tpu.vector_load %arg13[%get3A_22] {strides = array<i32>} : memref<1024xf32, #tpu.memory_space<vmem>>, vector<16xf32>,
      %select_n3A_24 = arith.select %eq3A_21, %get3A_23, %broadcast_in_dim3A_4 : vector<16xi1>, vector<16xf32>
      %swap3A_25 = arith.constant 16 : index
      %swap3A_26 = tpu.vector_load %arg8[%swap3A_25] {strides = array<i32>} : memref<1024xf32, #tpu.memory_space<vmem>>, vector<16xf32>,
      tpu.vector_store %arg8[%swap3A_25], %select_n3A_24 {strides = array<i32>} : memref<1024xf32, #tpu.memory_space<vmem>>, vector<16xf32>,
      %get3A_27 = arith.constant 32 : index
      %get3A_28 = tpu.vector_load %arg11[%get3A_27] {strides = array<i32>} : memref<1024xi32, #tpu.memory_space<vmem>>, vector<16xi32>,
      %eq3A_29 = arith.constant 0 : i32
      %eq3A_30 = vector.broadcast %eq3A_29 : i32 to vector<16xi32>
      %eq3A_31 = arith.cmpi eq, %get3A_28, %eq3A_30 : vector<16xi32>
      %get3A_32 = arith.constant 32 : index
      %get3A_33 = tpu.vector_load %arg13[%get3A_32] {strides = array<i32>} : memref<1024xf32, #tpu.memory_space<vmem>>, vector<16xf32>,
      %select_n3A_34 = arith.select %eq3A_31, %get3A_33, %broadcast_in_dim3A_4 : vector<16xi1>, vector<16xf32>
      %swap3A_35 = arith.constant 32 : index
      %swap3A_36 = tpu.vector_load %arg8[%swap3A_35] {strides = array<i32>} : memref<1024xf32, #tpu.memory_space<vmem>>, vector<16xf32>,
      tpu.vector_store %arg8[%swap3A_35], %select_n3A_34 {strides = array<i32>} : memref<1024xf32, #tpu.memory_space<vmem>>, vector<16xf32>,
      %get3A_37 = arith.constant 48 : index
      %get3A_38 = tpu.vector_load %arg11[%get3A_37] {strides = array<i32>} : memref<1024xi32, #tpu.memory_space<vmem>>, vector<16xi32>,
      %eq3A_39 = arith.constant 0 : i32
      %eq3A_40 = vector.broadcast %eq3A_39 : i32 to vector<16xi32>
      %eq3A_41 = arith.cmpi eq, %get3A_38, %eq3A_40 : vector<16xi32>
      %get3A_42 = arith.constant 48 : index
      %get3A_43 = tpu.vector_load %arg13[%get3A_42] {strides = array<i32>} : memref<1024xf32, #tpu.memory_space<vmem>>, vector<16xf32>,
      %select_n3A_44 = arith.select %eq3A_41, %get3A_43, %broadcast_in_dim3A_4 : vector<16xi1>, vector<16xf32>
      %swap3A_45 = arith.constant 48 : index
      %swap3A_46 = tpu.vector_load %arg8[%swap3A_45] {strides = array<i32>} : memref<1024xf32, #tpu.memory_space<vmem>>, vector<16xf32>,
      tpu.vector_store %arg8[%swap3A_45], %select_n3A_44 {strides = array<i32>} : memref<1024xf32, #tpu.memory_space<vmem>>, vector<16xf32>,
      %get3A_47 = arith.constant 64 : index
      %get3A_48 = tpu.vector_load %arg11[%get3A_47] {strides = array<i32>} : memref<1024xi32, #tpu.memory_space<vmem>>, vector<16xi32>,
      %eq3A_49 = arith.constant 0 : i32
      %eq3A_50 = vector.broadcast %eq3A_49 : i32 to vector<16xi32>
      %eq3A_51 = arith.cmpi eq, %get3A_48, %eq3A_50 : vector<16xi32>
      %get3A_52 = arith.constant 64 : index
      %get3A_53 = tpu.vector_load %arg13[%get3A_52] {strides = array<i32>} : memref<1024xf32, #tpu.memory_space<vmem>>, vector<16xf32>,
      %select_n3A_54 = arith.select %eq3A_51, %get3A_53, %broadcast_in_dim3A_4 : vector<16xi1>, vector<16xf32>
      %swap3A_55 = arith.constant 64 : index
      %swap3A_56 = tpu.vector_load %arg8[%swap3A_55] {strides = array<i32>} : memref<1024xf32, #tpu.memory_space<vmem>>, vector<16xf32>,
      tpu.vector_store %arg8[%swap3A_55], %select_n3A_54 {strides = array<i32>} : memref<1024xf32, #tpu.memory_space<vmem>>, vector<16xf32>,
      %get3A_57 = arith.constant 80 : index
      %get3A_58 = tpu.vector_load %arg11[%get3A_57] {strides = array<i32>} : memref<1024xi32, #tpu.memory_space<vmem>>, vector<16xi32>,
      %eq3A_59 = arith.constant 0 : i32
      %eq3A_60 = vector.broadcast %eq3A_59 : i32 to vector<16xi32>
      %eq3A_61 = arith.cmpi eq, %get3A_58, %eq3A_60 : vector<16xi32>
      %get3A_62 = arith.constant 80 : index
      %get3A_63 = tpu.vector_load %arg13[%get3A_62] {strides = array<i32>} : memref<1024xf32, #tpu.memory_space<vmem>>, vector<16xf32>,
      %select_n3A_64 = arith.select %eq3A_61, %get3A_63, %broadcast_in_dim3A_4 : vector<16xi1>, vector<16xf32>
      %swap3A_65 = arith.constant 80 : index
      %swap3A_66 = tpu.vector_load %arg8[%swap3A_65] {strides = array<i32>} : memref<1024xf32, #tpu.memory_space<vmem>>, vector<16xf32>,
      tpu.vector_store %arg8[%swap3A_65], %select_n3A_64 {strides = array<i32>} : memref<1024xf32, #tpu.memory_space<vmem>>, vector<16xf32>,
      %get3A_67 = arith.constant 96 : index
      %get3A_68 = tpu.vector_load %arg11[%get3A_67] {strides = array<i32>} : memref<1024xi32, #tpu.memory_space<vmem>>, vector<16xi32>,
      %eq3A_69 = arith.constant 0 : i32
      %eq3A_70 = vector.broadcast %eq3A_69 : i32 to vector<16xi32>
      %eq3A_71 = arith.cmpi eq, %get3A_68, %eq3A_70 : vector<16xi32>
      %get3A_72 = arith.constant 96 : index
      %get3A_73 = tpu.vector_load %arg13[%get3A_72] {strides = array<i32>} : memref<1024xf32, #tpu.memory_space<vmem>>, vector<16xf32>,
      %select_n3A_74 = arith.select %eq3A_71, %get3A_73, %broadcast_in_dim3A_4 : vector<16xi1>, vector<16xf32>
      %swap3A_75 = arith.constant 96 : index
      %swap3A_76 = tpu.vector_load %arg8[%swap3A_75] {strides = array<i32>} : memref<1024xf32, #tpu.memory_space<vmem>>, vector<16xf32>,
      tpu.vector_store %arg8[%swap3A_75], %select_n3A_74 {strides = array<i32>} : memref<1024xf32, #tpu.memory_space<vmem>>, vector<16xf32>,
      %get3A_77 = arith.constant 112 : index
      %get3A_78 = tpu.vector_load %arg11[%get3A_77] {strides = array<i32>} : memref<1024xi32, #tpu.memory_space<vmem>>, vector<16xi32>,
      %eq3A_79 = arith.constant 0 : i32
      %eq3A_80 = vector.broadcast %eq3A_79 : i32 to vector<16xi32>
      %eq3A_81 = arith.cmpi eq, %get3A_78, %eq3A_80 : vector<16xi32>
      %get3A_82 = arith.constant 112 : index
      %get3A_83 = tpu.vector_load %arg13[%get3A_82] {strides = array<i32>} : memref<1024xf32, #tpu.memory_space<vmem>>, vector<16xf32>,
      %select_n3A_84 = arith.select %eq3A_81, %get3A_83, %broadcast_in_dim3A_4 : vector<16xi1>, vector<16xf32>
      %swap3A_85 = arith.constant 112 : index
      %swap3A_86 = tpu.vector_load %arg8[%swap3A_85] {strides = array<i32>} : memref<1024xf32, #tpu.memory_space<vmem>>, vector<16xf32>,
      tpu.vector_store %arg8[%swap3A_85], %select_n3A_84 {strides = array<i32>} : memref<1024xf32, #tpu.memory_space<vmem>>, vector<16xf32>,
      %get3A_87 = arith.constant 128 : index
      %get3A_88 = tpu.vector_load %arg11[%get3A_87] {strides = array<i32>} : memref<1024xi32, #tpu.memory_space<vmem>>, vector<16xi32>,
      %eq3A_89 = arith.constant 0 : i32
      %eq3A_90 = vector.broadcast %eq3A_89 : i32 to vector<16xi32>
      %eq3A_91 = arith.cmpi eq, %get3A_88, %eq3A_90 : vector<16xi32>
      %get3A_92 = arith.constant 128 : index
      %get3A_93 = tpu.vector_load %arg13[%get3A_92] {strides = array<i32>} : memref<1024xf32, #tpu.memory_space<vmem>>, vector<16xf32>,
      %select_n3A_94 = arith.select %eq3A_91, %get3A_93, %broadcast_in_dim3A_4 : vector<16xi1>, vector<16xf32>
      %swap3A_95 = arith.constant 128 : index
      %swap3A_96 = tpu.vector_load %arg8[%swap3A_95] {strides = array<i32>} : memref<1024xf32, #tpu.memory_space<vmem>>, vector<16xf32>,
      tpu.vector_store %arg8[%swap3A_95], %select_n3A_94 {strides = array<i32>} : memref<1024xf32, #tpu.memory_space<vmem>>, vector<16xf32>,
      %get3A_97 = arith.constant 144 : index
      %get3A_98 = tpu.vector_load %arg11[%get3A_97] {strides = array<i32>} : memref<1024xi32, #tpu.memory_space<vmem>>, vector<16xi32>,
      %eq3A_99 = arith.constant 0 : i32
      %eq3A_100 = vector.broadcast %eq3A_99 : i32 to vector<16xi32>
      %eq3A_101 = arith.cmpi eq, %get3A_98, %eq3A_100 : vector<16xi32>
      %get3A_102 = arith.constant 144 : index
      %get3A_103 = tpu.vector_load %arg13[%get3A_102] {strides = array<i32>} : memref<1024xf32, #tpu.memory_space<vmem>>, vector<16xf32>,
      %select_n3A_104 = arith.select %eq3A_101, %get3A_103, %broadcast_in_dim3A_4 : vector<16xi1>, vector<16xf32>
      %swap3A_105 = arith.constant 144 : index
      %swap3A_106 = tpu.vector_load %arg8[%swap3A_105] {strides = array<i32>} : memref<1024xf32, #tpu.memory_space<vmem>>, vector<16xf32>,
      tpu.vector_store %arg8[%swap3A_105], %select_n3A_104 {strides = array<i32>} : memref<1024xf32, #tpu.memory_space<vmem>>, vector<16xf32>,
      %get3A_107 = arith.constant 160 : index
      %get3A_108 = tpu.vector_load %arg11[%get3A_107] {strides = array<i32>} : memref<1024xi32, #tpu.memory_space<vmem>>, vector<16xi32>,
      %eq3A_109 = arith.constant 0 : i32
      %eq3A_110 = vector.broadcast %eq3A_109 : i32 to vector<16xi32>
      %eq3A_111 = arith.cmpi eq, %get3A_108, %eq3A_110 : vector<16xi32>
      %get3A_112 = arith.constant 160 : index
      %get3A_113 = tpu.vector_load %arg13[%get3A_112] {strides = array<i32>} : memref<1024xf32, #tpu.memory_space<vmem>>, vector<16xf32>,
      %select_n3A_114 = arith.select %eq3A_111, %get3A_113, %broadcast_in_dim3A_4 : vector<16xi1>, vector<16xf32>
      %swap3A_115 = arith.constant 160 : index
      %swap3A_116 = tpu.vector_load %arg8[%swap3A_115] {strides = array<i32>} : memref<1024xf32, #tpu.memory_space<vmem>>, vector<16xf32>,
      tpu.vector_store %arg8[%swap3A_115], %select_n3A_114 {strides = array<i32>} : memref<1024xf32, #tpu.memory_space<vmem>>, vector<16xf32>,
      %get3A_117 = arith.constant 176 : index
      %get3A_118 = tpu.vector_load %arg11[%get3A_117] {strides = array<i32>} : memref<1024xi32, #tpu.memory_space<vmem>>, vector<16xi32>,
      %eq3A_119 = arith.constant 0 : i32
      %eq3A_120 = vector.broadcast %eq3A_119 : i32 to vector<16xi32>
      %eq3A_121 = arith.cmpi eq, %get3A_118, %eq3A_120 : vector<16xi32>
      %get3A_122 = arith.constant 176 : index
      %get3A_123 = tpu.vector_load %arg13[%get3A_122] {strides = array<i32>} : memref<1024xf32, #tpu.memory_space<vmem>>, vector<16xf32>,
      %select_n3A_124 = arith.select %eq3A_121, %get3A_123, %broadcast_in_dim3A_4 : vector<16xi1>, vector<16xf32>
      %swap3A_125 = arith.constant 176 : index
      %swap3A_126 = tpu.vector_load %arg8[%swap3A_125] {strides = array<i32>} : memref<1024xf32, #tpu.memory_space<vmem>>, vector<16xf32>,
      tpu.vector_store %arg8[%swap3A_125], %select_n3A_124 {strides = array<i32>} : memref<1024xf32, #tpu.memory_space<vmem>>, vector<16xf32>,
      %get3A_127 = arith.constant 192 : index
      %get3A_128 = tpu.vector_load %arg11[%get3A_127] {strides = array<i32>} : memref<1024xi32, #tpu.memory_space<vmem>>, vector<16xi32>,
      %eq3A_129 = arith.constant 0 : i32
      %eq3A_130 = vector.broadcast %eq3A_129 : i32 to vector<16xi32>
      %eq3A_131 = arith.cmpi eq, %get3A_128, %eq3A_130 : vector<16xi32>
      %get3A_132 = arith.constant 192 : index
      %get3A_133 = tpu.vector_load %arg13[%get3A_132] {strides = array<i32>} : memref<1024xf32, #tpu.memory_space<vmem>>, vector<16xf32>,
      %select_n3A_134 = arith.select %eq3A_131, %get3A_133, %broadcast_in_dim3A_4 : vector<16xi1>, vector<16xf32>
      %swap3A_135 = arith.constant 192 : index
      %swap3A_136 = tpu.vector_load %arg8[%swap3A_135] {strides = array<i32>} : memref<1024xf32, #tpu.memory_space<vmem>>, vector<16xf32>,
      tpu.vector_store %arg8[%swap3A_135], %select_n3A_134 {strides = array<i32>} : memref<1024xf32, #tpu.memory_space<vmem>>, vector<16xf32>,
      %get3A_137 = arith.constant 208 : index
      %get3A_138 = tpu.vector_load %arg11[%get3A_137] {strides = array<i32>} : memref<1024xi32, #tpu.memory_space<vmem>>, vector<16xi32>,
      %eq3A_139 = arith.constant 0 : i32
      %eq3A_140 = vector.broadcast %eq3A_139 : i32 to vector<16xi32>
      %eq3A_141 = arith.cmpi eq, %get3A_138, %eq3A_140 : vector<16xi32>
      %get3A_142 = arith.constant 208 : index
      %get3A_143 = tpu.vector_load %arg13[%get3A_142] {strides = array<i32>} : memref<1024xf32, #tpu.memory_space<vmem>>, vector<16xf32>,
      %select_n3A_144 = arith.select %eq3A_141, %get3A_143, %broadcast_in_dim3A_4 : vector<16xi1>, vector<16xf32>
      %swap3A_145 = arith.constant 208 : index
      %swap3A_146 = tpu.vector_load %arg8[%swap3A_145] {strides = array<i32>} : memref<1024xf32, #tpu.memory_space<vmem>>, vector<16xf32>,
      tpu.vector_store %arg8[%swap3A_145], %select_n3A_144 {strides = array<i32>} : memref<1024xf32, #tpu.memory_space<vmem>>, vector<16xf32>,
      %get3A_147 = arith.constant 224 : index
      %get3A_148 = tpu.vector_load %arg11[%get3A_147] {strides = array<i32>} : memref<1024xi32, #tpu.memory_space<vmem>>, vector<16xi32>,
      %eq3A_149 = arith.constant 0 : i32
      %eq3A_150 = vector.broadcast %eq3A_149 : i32 to vector<16xi32>
      %eq3A_151 = arith.cmpi eq, %get3A_148, %eq3A_150 : vector<16xi32>
      %get3A_152 = arith.constant 224 : index
      %get3A_153 = tpu.vector_load %arg13[%get3A_152] {strides = array<i32>} : memref<1024xf32, #tpu.memory_space<vmem>>, vector<16xf32>,
      %select_n3A_154 = arith.select %eq3A_151, %get3A_153, %broadcast_in_dim3A_4 : vector<16xi1>, vector<16xf32>
      %swap3A_155 = arith.constant 224 : index
      %swap3A_156 = tpu.vector_load %arg8[%swap3A_155] {strides = array<i32>} : memref<1024xf32, #tpu.memory_space<vmem>>, vector<16xf32>,
      tpu.vector_store %arg8[%swap3A_155], %select_n3A_154 {strides = array<i32>} : memref<1024xf32, #tpu.memory_space<vmem>>, vector<16xf32>,
      %get3A_157 = arith.constant 240 : index
      %get3A_158 = tpu.vector_load %arg11[%get3A_157] {strides = array<i32>} : memref<1024xi32, #tpu.memory_space<vmem>>, vector<16xi32>,
      %eq3A_159 = arith.constant 0 : i32
      %eq3A_160 = vector.broadcast %eq3A_159 : i32 to vector<16xi32>
      %eq3A_161 = arith.cmpi eq, %get3A_158, %eq3A_160 : vector<16xi32>
      %get3A_162 = arith.constant 240 : index
      %get3A_163 = tpu.vector_load %arg13[%get3A_162] {strides = array<i32>} : memref<1024xf32, #tpu.memory_space<vmem>>, vector<16xf32>,
      %select_n3A_164 = arith.select %eq3A_161, %get3A_163, %broadcast_in_dim3A_4 : vector<16xi1>, vector<16xf32>
      %swap3A_165 = arith.constant 240 : index
      %swap3A_166 = tpu.vector_load %arg8[%swap3A_165] {strides = array<i32>} : memref<1024xf32, #tpu.memory_space<vmem>>, vector<16xf32>,
      tpu.vector_store %arg8[%swap3A_165], %select_n3A_164 {strides = array<i32>} : memref<1024xf32, #tpu.memory_space<vmem>>, vector<16xf32>,
      %get3A_167 = arith.constant 256 : index
      %get3A_168 = tpu.vector_load %arg11[%get3A_167] {strides = array<i32>} : memref<1024xi32, #tpu.memory_space<vmem>>, vector<16xi32>,
      %eq3A_169 = arith.constant 0 : i32
      %eq3A_170 = vector.broadcast %eq3A_169 : i32 to vector<16xi32>
      %eq3A_171 = arith.cmpi eq, %get3A_168, %eq3A_170 : vector<16xi32>
      %get3A_172 = arith.constant 256 : index
      %get3A_173 = tpu.vector_load %arg13[%get3A_172] {strides = array<i32>} : memref<1024xf32, #tpu.memory_space<vmem>>, vector<16xf32>,
      %select_n3A_174 = arith.select %eq3A_171, %get3A_173, %broadcast_in_dim3A_4 : vector<16xi1>, vector<16xf32>
      %swap3A_175 = arith.constant 256 : index
      %swap3A_176 = tpu.vector_load %arg8[%swap3A_175] {strides = array<i32>} : memref<1024xf32, #tpu.memory_space<vmem>>, vector<16xf32>,
      tpu.vector_store %arg8[%swap3A_175], %select_n3A_174 {strides = array<i32>} : memref<1024xf32, #tpu.memory_space<vmem>>, vector<16xf32>,
      %get3A_177 = arith.constant 272 : index
      %get3A_178 = tpu.vector_load %arg11[%get3A_177] {strides = array<i32>} : memref<1024xi32, #tpu.memory_space<vmem>>, vector<16xi32>,
      %eq3A_179 = arith.constant 0 : i32
      %eq3A_180 = vector.broadcast %eq3A_179 : i32 to vector<16xi32>
      %eq3A_181 = arith.cmpi eq, %get3A_178, %eq3A_180 : vector<16xi32>
      %get3A_182 = arith.constant 272 : index
      %get3A_183 = tpu.vector_load %arg13[%get3A_182] {strides = array<i32>} : memref<1024xf32, #tpu.memory_space<vmem>>, vector<16xf32>,
      %select_n3A_184 = arith.select %eq3A_181, %get3A_183, %broadcast_in_dim3A_4 : vector<16xi1>, vector<16xf32>
      %swap3A_185 = arith.constant 272 : index
      %swap3A_186 = tpu.vector_load %arg8[%swap3A_185] {strides = array<i32>} : memref<1024xf32, #tpu.memory_space<vmem>>, vector<16xf32>,
      tpu.vector_store %arg8[%swap3A_185], %select_n3A_184 {strides = array<i32>} : memref<1024xf32, #tpu.memory_space<vmem>>, vector<16xf32>,
      %get3A_187 = arith.constant 288 : index
      %get3A_188 = tpu.vector_load %arg11[%get3A_187] {strides = array<i32>} : memref<1024xi32, #tpu.memory_space<vmem>>, vector<16xi32>,
      %eq3A_189 = arith.constant 0 : i32
      %eq3A_190 = vector.broadcast %eq3A_189 : i32 to vector<16xi32>
      %eq3A_191 = arith.cmpi eq, %get3A_188, %eq3A_190 : vector<16xi32>
      %get3A_192 = arith.constant 288 : index
      %get3A_193 = tpu.vector_load %arg13[%get3A_192] {strides = array<i32>} : memref<1024xf32, #tpu.memory_space<vmem>>, vector<16xf32>,
      %select_n3A_194 = arith.select %eq3A_191, %get3A_193, %broadcast_in_dim3A_4 : vector<16xi1>, vector<16xf32>
      %swap3A_195 = arith.constant 288 : index
      %swap3A_196 = tpu.vector_load %arg8[%swap3A_195] {strides = array<i32>} : memref<1024xf32, #tpu.memory_space<vmem>>, vector<16xf32>,
      tpu.vector_store %arg8[%swap3A_195], %select_n3A_194 {strides = array<i32>} : memref<1024xf32, #tpu.memory_space<vmem>>, vector<16xf32>,
      %get3A_197 = arith.constant 304 : index
      %get3A_198 = tpu.vector_load %arg11[%get3A_197] {strides = array<i32>} : memref<1024xi32, #tpu.memory_space<vmem>>, vector<16xi32>,
      %eq3A_199 = arith.constant 0 : i32
      %eq3A_200 = vector.broadcast %eq3A_199 : i32 to vector<16xi32>
      %eq3A_201 = arith.cmpi eq, %get3A_198, %eq3A_200 : vector<16xi32>
      %get3A_202 = arith.constant 304 : index
      %get3A_203 = tpu.vector_load %arg13[%get3A_202] {strides = array<i32>} : memref<1024xf32, #tpu.memory_space<vmem>>, vector<16xf32>,
      %select_n3A_204 = arith.select %eq3A_201, %get3A_203, %broadcast_in_dim3A_4 : vector<16xi1>, vector<16xf32>
      %swap3A_205 = arith.constant 304 : index
      %swap3A_206 = tpu.vector_load %arg8[%swap3A_205] {strides = array<i32>} : memref<1024xf32, #tpu.memory_space<vmem>>, vector<16xf32>,
      tpu.vector_store %arg8[%swap3A_205], %select_n3A_204 {strides = array<i32>} : memref<1024xf32, #tpu.memory_space<vmem>>, vector<16xf32>,
      %get3A_207 = arith.constant 320 : index
      %get3A_208 = tpu.vector_load %arg11[%get3A_207] {strides = array<i32>} : memref<1024xi32, #tpu.memory_space<vmem>>, vector<16xi32>,
      %eq3A_209 = arith.constant 0 : i32
      %eq3A_210 = vector.broadcast %eq3A_209 : i32 to vector<16xi32>
      %eq3A_211 = arith.cmpi eq, %get3A_208, %eq3A_210 : vector<16xi32>
      %get3A_212 = arith.constant 320 : index
      %get3A_213 = tpu.vector_load %arg13[%get3A_212] {strides = array<i32>} : memref<1024xf32, #tpu.memory_space<vmem>>, vector<16xf32>,
      %select_n3A_214 = arith.select %eq3A_211, %get3A_213, %broadcast_in_dim3A_4 : vector<16xi1>, vector<16xf32>
      %swap3A_215 = arith.constant 320 : index
      %swap3A_216 = tpu.vector_load %arg8[%swap3A_215] {strides = array<i32>} : memref<1024xf32, #tpu.memory_space<vmem>>, vector<16xf32>,
      tpu.vector_store %arg8[%swap3A_215], %select_n3A_214 {strides = array<i32>} : memref<1024xf32, #tpu.memory_space<vmem>>, vector<16xf32>,
      %get3A_217 = arith.constant 336 : index
      %get3A_218 = tpu.vector_load %arg11[%get3A_217] {strides = array<i32>} : memref<1024xi32, #tpu.memory_space<vmem>>, vector<16xi32>,
      %eq3A_219 = arith.constant 0 : i32
      %eq3A_220 = vector.broadcast %eq3A_219 : i32 to vector<16xi32>
      %eq3A_221 = arith.cmpi eq, %get3A_218, %eq3A_220 : vector<16xi32>
      %get3A_222 = arith.constant 336 : index
      %get3A_223 = tpu.vector_load %arg13[%get3A_222] {strides = array<i32>} : memref<1024xf32, #tpu.memory_space<vmem>>, vector<16xf32>,
      %select_n3A_224 = arith.select %eq3A_221, %get3A_223, %broadcast_in_dim3A_4 : vector<16xi1>, vector<16xf32>
      %swap3A_225 = arith.constant 336 : index
      %swap3A_226 = tpu.vector_load %arg8[%swap3A_225] {strides = array<i32>} : memref<1024xf32, #tpu.memory_space<vmem>>, vector<16xf32>,
      tpu.vector_store %arg8[%swap3A_225], %select_n3A_224 {strides = array<i32>} : memref<1024xf32, #tpu.memory_space<vmem>>, vector<16xf32>,
      %get3A_227 = arith.constant 352 : index
      %get3A_228 = tpu.vector_load %arg11[%get3A_227] {strides = array<i32>} : memref<1024xi32, #tpu.memory_space<vmem>>, vector<16xi32>,
      %eq3A_229 = arith.constant 0 : i32
      %eq3A_230 = vector.broadcast %eq3A_229 : i32 to vector<16xi32>
      %eq3A_231 = arith.cmpi eq, %get3A_228, %eq3A_230 : vector<16xi32>
      %get3A_232 = arith.constant 352 : index
      %get3A_233 = tpu.vector_load %arg13[%get3A_232] {strides = array<i32>} : memref<1024xf32, #tpu.memory_space<vmem>>, vector<16xf32>,
      %select_n3A_234 = arith.select %eq3A_231, %get3A_233, %broadcast_in_dim3A_4 : vector<16xi1>, vector<16xf32>
      %swap3A_235 = arith.constant 352 : index
      %swap3A_236 = tpu.vector_load %arg8[%swap3A_235] {strides = array<i32>} : memref<1024xf32, #tpu.memory_space<vmem>>, vector<16xf32>,
      tpu.vector_store %arg8[%swap3A_235], %select_n3A_234 {strides = array<i32>} : memref<1024xf32, #tpu.memory_space<vmem>>, vector<16xf32>,
      %get3A_237 = arith.constant 368 : index
      %get3A_238 = tpu.vector_load %arg11[%get3A_237] {strides = array<i32>} : memref<1024xi32, #tpu.memory_space<vmem>>, vector<16xi32>,
      %eq3A_239 = arith.constant 0 : i32
      %eq3A_240 = vector.broadcast %eq3A_239 : i32 to vector<16xi32>
      %eq3A_241 = arith.cmpi eq, %get3A_238, %eq3A_240 : vector<16xi32>
      %get3A_242 = arith.constant 368 : index
      %get3A_243 = tpu.vector_load %arg13[%get3A_242] {strides = array<i32>} : memref<1024xf32, #tpu.memory_space<vmem>>, vector<16xf32>,
      %select_n3A_244 = arith.select %eq3A_241, %get3A_243, %broadcast_in_dim3A_4 : vector<16xi1>, vector<16xf32>
      %swap3A_245 = arith.constant 368 : index
      %swap3A_246 = tpu.vector_load %arg8[%swap3A_245] {strides = array<i32>} : memref<1024xf32, #tpu.memory_space<vmem>>, vector<16xf32>,
      tpu.vector_store %arg8[%swap3A_245], %select_n3A_244 {strides = array<i32>} : memref<1024xf32, #tpu.memory_space<vmem>>, vector<16xf32>,
      %get3A_247 = arith.constant 384 : index
      %get3A_248 = tpu.vector_load %arg11[%get3A_247] {strides = array<i32>} : memref<1024xi32, #tpu.memory_space<vmem>>, vector<16xi32>,
      %eq3A_249 = arith.constant 0 : i32
      %eq3A_250 = vector.broadcast %eq3A_249 : i32 to vector<16xi32>
      %eq3A_251 = arith.cmpi eq, %get3A_248, %eq3A_250 : vector<16xi32>
      %get3A_252 = arith.constant 384 : index
      %get3A_253 = tpu.vector_load %arg13[%get3A_252] {strides = array<i32>} : memref<1024xf32, #tpu.memory_space<vmem>>, vector<16xf32>,
      %select_n3A_254 = arith.select %eq3A_251, %get3A_253, %broadcast_in_dim3A_4 : vector<16xi1>, vector<16xf32>
      %swap3A_255 = arith.constant 384 : index
      %swap3A_256 = tpu.vector_load %arg8[%swap3A_255] {strides = array<i32>} : memref<1024xf32, #tpu.memory_space<vmem>>, vector<16xf32>,
      tpu.vector_store %arg8[%swap3A_255], %select_n3A_254 {strides = array<i32>} : memref<1024xf32, #tpu.memory_space<vmem>>, vector<16xf32>,
      %get3A_257 = arith.constant 400 : index
      %get3A_258 = tpu.vector_load %arg11[%get3A_257] {strides = array<i32>} : memref<1024xi32, #tpu.memory_space<vmem>>, vector<16xi32>,
      %eq3A_259 = arith.constant 0 : i32
      %eq3A_260 = vector.broadcast %eq3A_259 : i32 to vector<16xi32>
      %eq3A_261 = arith.cmpi eq, %get3A_258, %eq3A_260 : vector<16xi32>
      %get3A_262 = arith.constant 400 : index
      %get3A_263 = tpu.vector_load %arg13[%get3A_262] {strides = array<i32>} : memref<1024xf32, #tpu.memory_space<vmem>>, vector<16xf32>,
      %select_n3A_264 = arith.select %eq3A_261, %get3A_263, %broadcast_in_dim3A_4 : vector<16xi1>, vector<16xf32>
      %swap3A_265 = arith.constant 400 : index
      %swap3A_266 = tpu.vector_load %arg8[%swap3A_265] {strides = array<i32>} : memref<1024xf32, #tpu.memory_space<vmem>>, vector<16xf32>,
      tpu.vector_store %arg8[%swap3A_265], %select_n3A_264 {strides = array<i32>} : memref<1024xf32, #tpu.memory_space<vmem>>, vector<16xf32>,
      %get3A_267 = arith.constant 416 : index
      %get3A_268 = tpu.vector_load %arg11[%get3A_267] {strides = array<i32>} : memref<1024xi32, #tpu.memory_space<vmem>>, vector<16xi32>,
      %eq3A_269 = arith.constant 0 : i32
      %eq3A_270 = vector.broadcast %eq3A_269 : i32 to vector<16xi32>
      %eq3A_271 = arith.cmpi eq, %get3A_268, %eq3A_270 : vector<16xi32>
      %get3A_272 = arith.constant 416 : index
      %get3A_273 = tpu.vector_load %arg13[%get3A_272] {strides = array<i32>} : memref<1024xf32, #tpu.memory_space<vmem>>, vector<16xf32>,
      %select_n3A_274 = arith.select %eq3A_271, %get3A_273, %broadcast_in_dim3A_4 : vector<16xi1>, vector<16xf32>
      %swap3A_275 = arith.constant 416 : index
      %swap3A_276 = tpu.vector_load %arg8[%swap3A_275] {strides = array<i32>} : memref<1024xf32, #tpu.memory_space<vmem>>, vector<16xf32>,
      tpu.vector_store %arg8[%swap3A_275], %select_n3A_274 {strides = array<i32>} : memref<1024xf32, #tpu.memory_space<vmem>>, vector<16xf32>,
      %get3A_277 = arith.constant 432 : index
      %get3A_278 = tpu.vector_load %arg11[%get3A_277] {strides = array<i32>} : memref<1024xi32, #tpu.memory_space<vmem>>, vector<16xi32>,
      %eq3A_279 = arith.constant 0 : i32
      %eq3A_280 = vector.broadcast %eq3A_279 : i32 to vector<16xi32>
      %eq3A_281 = arith.cmpi eq, %get3A_278, %eq3A_280 : vector<16xi32>
      %get3A_282 = arith.constant 432 : index
      %get3A_283 = tpu.vector_load %arg13[%get3A_282] {strides = array<i32>} : memref<1024xf32, #tpu.memory_space<vmem>>, vector<16xf32>,
      %select_n3A_284 = arith.select %eq3A_281, %get3A_283, %broadcast_in_dim3A_4 : vector<16xi1>, vector<16xf32>
      %swap3A_285 = arith.constant 432 : index
      %swap3A_286 = tpu.vector_load %arg8[%swap3A_285] {strides = array<i32>} : memref<1024xf32, #tpu.memory_space<vmem>>, vector<16xf32>,
      tpu.vector_store %arg8[%swap3A_285], %select_n3A_284 {strides = array<i32>} : memref<1024xf32, #tpu.memory_space<vmem>>, vector<16xf32>,
      %get3A_287 = arith.constant 448 : index
      %get3A_288 = tpu.vector_load %arg11[%get3A_287] {strides = array<i32>} : memref<1024xi32, #tpu.memory_space<vmem>>, vector<16xi32>,
      %eq3A_289 = arith.constant 0 : i32
      %eq3A_290 = vector.broadcast %eq3A_289 : i32 to vector<16xi32>
      %eq3A_291 = arith.cmpi eq, %get3A_288, %eq3A_290 : vector<16xi32>
      %get3A_292 = arith.constant 448 : index
      %get3A_293 = tpu.vector_load %arg13[%get3A_292] {strides = array<i32>} : memref<1024xf32, #tpu.memory_space<vmem>>, vector<16xf32>,
      %select_n3A_294 = arith.select %eq3A_291, %get3A_293, %broadcast_in_dim3A_4 : vector<16xi1>, vector<16xf32>
      %swap3A_295 = arith.constant 448 : index
      %swap3A_296 = tpu.vector_load %arg8[%swap3A_295] {strides = array<i32>} : memref<1024xf32, #tpu.memory_space<vmem>>, vector<16xf32>,
      tpu.vector_store %arg8[%swap3A_295], %select_n3A_294 {strides = array<i32>} : memref<1024xf32, #tpu.memory_space<vmem>>, vector<16xf32>,
      %get3A_297 = arith.constant 464 : index
      %get3A_298 = tpu.vector_load %arg11[%get3A_297] {strides = array<i32>} : memref<1024xi32, #tpu.memory_space<vmem>>, vector<16xi32>,
      %eq3A_299 = arith.constant 0 : i32
      %eq3A_300 = vector.broadcast %eq3A_299 : i32 to vector<16xi32>
      %eq3A_301 = arith.cmpi eq, %get3A_298, %eq3A_300 : vector<16xi32>
      %get3A_302 = arith.constant 464 : index
      %get3A_303 = tpu.vector_load %arg13[%get3A_302] {strides = array<i32>} : memref<1024xf32, #tpu.memory_space<vmem>>, vector<16xf32>,
      %select_n3A_304 = arith.select %eq3A_301, %get3A_303, %broadcast_in_dim3A_4 : vector<16xi1>, vector<16xf32>
      %swap3A_305 = arith.constant 464 : index
      %swap3A_306 = tpu.vector_load %arg8[%swap3A_305] {strides = array<i32>} : memref<1024xf32, #tpu.memory_space<vmem>>, vector<16xf32>,
      tpu.vector_store %arg8[%swap3A_305], %select_n3A_304 {strides = array<i32>} : memref<1024xf32, #tpu.memory_space<vmem>>, vector<16xf32>,
      %get3A_307 = arith.constant 480 : index
      %get3A_308 = tpu.vector_load %arg11[%get3A_307] {strides = array<i32>} : memref<1024xi32, #tpu.memory_space<vmem>>, vector<16xi32>,
      %eq3A_309 = arith.constant 0 : i32
      %eq3A_310 = vector.broadcast %eq3A_309 : i32 to vector<16xi32>
      %eq3A_311 = arith.cmpi eq, %get3A_308, %eq3A_310 : vector<16xi32>
      %get3A_312 = arith.constant 480 : index
      %get3A_313 = tpu.vector_load %arg13[%get3A_312] {strides = array<i32>} : memref<1024xf32, #tpu.memory_space<vmem>>, vector<16xf32>,
      %select_n3A_314 = arith.select %eq3A_311, %get3A_313, %broadcast_in_dim3A_4 : vector<16xi1>, vector<16xf32>
      %swap3A_315 = arith.constant 480 : index
      %swap3A_316 = tpu.vector_load %arg8[%swap3A_315] {strides = array<i32>} : memref<1024xf32, #tpu.memory_space<vmem>>, vector<16xf32>,
      tpu.vector_store %arg8[%swap3A_315], %select_n3A_314 {strides = array<i32>} : memref<1024xf32, #tpu.memory_space<vmem>>, vector<16xf32>,
      %get3A_317 = arith.constant 496 : index
      %get3A_318 = tpu.vector_load %arg11[%get3A_317] {strides = array<i32>} : memref<1024xi32, #tpu.memory_space<vmem>>, vector<16xi32>,
      %eq3A_319 = arith.constant 0 : i32
      %eq3A_320 = vector.broadcast %eq3A_319 : i32 to vector<16xi32>
      %eq3A_321 = arith.cmpi eq, %get3A_318, %eq3A_320 : vector<16xi32>
      %get3A_322 = arith.constant 496 : index
      %get3A_323 = tpu.vector_load %arg13[%get3A_322] {strides = array<i32>} : memref<1024xf32, #tpu.memory_space<vmem>>, vector<16xf32>,
      %select_n3A_324 = arith.select %eq3A_321, %get3A_323, %broadcast_in_dim3A_4 : vector<16xi1>, vector<16xf32>
      %swap3A_325 = arith.constant 496 : index
      %swap3A_326 = tpu.vector_load %arg8[%swap3A_325] {strides = array<i32>} : memref<1024xf32, #tpu.memory_space<vmem>>, vector<16xf32>,
      tpu.vector_store %arg8[%swap3A_325], %select_n3A_324 {strides = array<i32>} : memref<1024xf32, #tpu.memory_space<vmem>>, vector<16xf32>,
      %get3A_327 = arith.constant 512 : index
      %get3A_328 = tpu.vector_load %arg11[%get3A_327] {strides = array<i32>} : memref<1024xi32, #tpu.memory_space<vmem>>, vector<16xi32>,
      %eq3A_329 = arith.constant 0 : i32
      %eq3A_330 = vector.broadcast %eq3A_329 : i32 to vector<16xi32>
      %eq3A_331 = arith.cmpi eq, %get3A_328, %eq3A_330 : vector<16xi32>
      %get3A_332 = arith.constant 512 : index
      %get3A_333 = tpu.vector_load %arg13[%get3A_332] {strides = array<i32>} : memref<1024xf32, #tpu.memory_space<vmem>>, vector<16xf32>,
      %select_n3A_334 = arith.select %eq3A_331, %get3A_333, %broadcast_in_dim3A_4 : vector<16xi1>, vector<16xf32>
      %swap3A_335 = arith.constant 512 : index
      %swap3A_336 = tpu.vector_load %arg8[%swap3A_335] {strides = array<i32>} : memref<1024xf32, #tpu.memory_space<vmem>>, vector<16xf32>,
      tpu.vector_store %arg8[%swap3A_335], %select_n3A_334 {strides = array<i32>} : memref<1024xf32, #tpu.memory_space<vmem>>, vector<16xf32>,
      %get3A_337 = arith.constant 528 : index
      %get3A_338 = tpu.vector_load %arg11[%get3A_337] {strides = array<i32>} : memref<1024xi32, #tpu.memory_space<vmem>>, vector<16xi32>,
      %eq3A_339 = arith.constant 0 : i32
      %eq3A_340 = vector.broadcast %eq3A_339 : i32 to vector<16xi32>
      %eq3A_341 = arith.cmpi eq, %get3A_338, %eq3A_340 : vector<16xi32>
      %get3A_342 = arith.constant 528 : index
      %get3A_343 = tpu.vector_load %arg13[%get3A_342] {strides = array<i32>} : memref<1024xf32, #tpu.memory_space<vmem>>, vector<16xf32>,
      %select_n3A_344 = arith.select %eq3A_341, %get3A_343, %broadcast_in_dim3A_4 : vector<16xi1>, vector<16xf32>
      %swap3A_345 = arith.constant 528 : index
      %swap3A_346 = tpu.vector_load %arg8[%swap3A_345] {strides = array<i32>} : memref<1024xf32, #tpu.memory_space<vmem>>, vector<16xf32>,
      tpu.vector_store %arg8[%swap3A_345], %select_n3A_344 {strides = array<i32>} : memref<1024xf32, #tpu.memory_space<vmem>>, vector<16xf32>,
      %get3A_347 = arith.constant 544 : index
      %get3A_348 = tpu.vector_load %arg11[%get3A_347] {strides = array<i32>} : memref<1024xi32, #tpu.memory_space<vmem>>, vector<16xi32>,
      %eq3A_349 = arith.constant 0 : i32
      %eq3A_350 = vector.broadcast %eq3A_349 : i32 to vector<16xi32>
      %eq3A_351 = arith.cmpi eq, %get3A_348, %eq3A_350 : vector<16xi32>
      %get3A_352 = arith.constant 544 : index
      %get3A_353 = tpu.vector_load %arg13[%get3A_352] {strides = array<i32>} : memref<1024xf32, #tpu.memory_space<vmem>>, vector<16xf32>,
      %select_n3A_354 = arith.select %eq3A_351, %get3A_353, %broadcast_in_dim3A_4 : vector<16xi1>, vector<16xf32>
      %swap3A_355 = arith.constant 544 : index
      %swap3A_356 = tpu.vector_load %arg8[%swap3A_355] {strides = array<i32>} : memref<1024xf32, #tpu.memory_space<vmem>>, vector<16xf32>,
      tpu.vector_store %arg8[%swap3A_355], %select_n3A_354 {strides = array<i32>} : memref<1024xf32, #tpu.memory_space<vmem>>, vector<16xf32>,
      %get3A_357 = arith.constant 560 : index
      %get3A_358 = tpu.vector_load %arg11[%get3A_357] {strides = array<i32>} : memref<1024xi32, #tpu.memory_space<vmem>>, vector<16xi32>,
      %eq3A_359 = arith.constant 0 : i32
      %eq3A_360 = vector.broadcast %eq3A_359 : i32 to vector<16xi32>
      %eq3A_361 = arith.cmpi eq, %get3A_358, %eq3A_360 : vector<16xi32>
      %get3A_362 = arith.constant 560 : index
      %get3A_363 = tpu.vector_load %arg13[%get3A_362] {strides = array<i32>} : memref<1024xf32, #tpu.memory_space<vmem>>, vector<16xf32>,
      %select_n3A_364 = arith.select %eq3A_361, %get3A_363, %broadcast_in_dim3A_4 : vector<16xi1>, vector<16xf32>
      %swap3A_365 = arith.constant 560 : index
      %swap3A_366 = tpu.vector_load %arg8[%swap3A_365] {strides = array<i32>} : memref<1024xf32, #tpu.memory_space<vmem>>, vector<16xf32>,
      tpu.vector_store %arg8[%swap3A_365], %select_n3A_364 {strides = array<i32>} : memref<1024xf32, #tpu.memory_space<vmem>>, vector<16xf32>,
      %get3A_367 = arith.constant 576 : index
      %get3A_368 = tpu.vector_load %arg11[%get3A_367] {strides = array<i32>} : memref<1024xi32, #tpu.memory_space<vmem>>, vector<16xi32>,
      %eq3A_369 = arith.constant 0 : i32
      %eq3A_370 = vector.broadcast %eq3A_369 : i32 to vector<16xi32>
      %eq3A_371 = arith.cmpi eq, %get3A_368, %eq3A_370 : vector<16xi32>
      %get3A_372 = arith.constant 576 : index
      %get3A_373 = tpu.vector_load %arg13[%get3A_372] {strides = array<i32>} : memref<1024xf32, #tpu.memory_space<vmem>>, vector<16xf32>,
      %select_n3A_374 = arith.select %eq3A_371, %get3A_373, %broadcast_in_dim3A_4 : vector<16xi1>, vector<16xf32>
      %swap3A_375 = arith.constant 576 : index
      %swap3A_376 = tpu.vector_load %arg8[%swap3A_375] {strides = array<i32>} : memref<1024xf32, #tpu.memory_space<vmem>>, vector<16xf32>,
      tpu.vector_store %arg8[%swap3A_375], %select_n3A_374 {strides = array<i32>} : memref<1024xf32, #tpu.memory_space<vmem>>, vector<16xf32>,
      %get3A_377 = arith.constant 592 : index
      %get3A_378 = tpu.vector_load %arg11[%get3A_377] {strides = array<i32>} : memref<1024xi32, #tpu.memory_space<vmem>>, vector<16xi32>,
      %eq3A_379 = arith.constant 0 : i32
      %eq3A_380 = vector.broadcast %eq3A_379 : i32 to vector<16xi32>
      %eq3A_381 = arith.cmpi eq, %get3A_378, %eq3A_380 : vector<16xi32>
      %get3A_382 = arith.constant 592 : index
      %get3A_383 = tpu.vector_load %arg13[%get3A_382] {strides = array<i32>} : memref<1024xf32, #tpu.memory_space<vmem>>, vector<16xf32>,
      %select_n3A_384 = arith.select %eq3A_381, %get3A_383, %broadcast_in_dim3A_4 : vector<16xi1>, vector<16xf32>
      %swap3A_385 = arith.constant 592 : index
      %swap3A_386 = tpu.vector_load %arg8[%swap3A_385] {strides = array<i32>} : memref<1024xf32, #tpu.memory_space<vmem>>, vector<16xf32>,
      tpu.vector_store %arg8[%swap3A_385], %select_n3A_384 {strides = array<i32>} : memref<1024xf32, #tpu.memory_space<vmem>>, vector<16xf32>,
      %get3A_387 = arith.constant 608 : index
      %get3A_388 = tpu.vector_load %arg11[%get3A_387] {strides = array<i32>} : memref<1024xi32, #tpu.memory_space<vmem>>, vector<16xi32>,
      %eq3A_389 = arith.constant 0 : i32
      %eq3A_390 = vector.broadcast %eq3A_389 : i32 to vector<16xi32>
      %eq3A_391 = arith.cmpi eq, %get3A_388, %eq3A_390 : vector<16xi32>
      %get3A_392 = arith.constant 608 : index
      %get3A_393 = tpu.vector_load %arg13[%get3A_392] {strides = array<i32>} : memref<1024xf32, #tpu.memory_space<vmem>>, vector<16xf32>,
      %select_n3A_394 = arith.select %eq3A_391, %get3A_393, %broadcast_in_dim3A_4 : vector<16xi1>, vector<16xf32>
      %swap3A_395 = arith.constant 608 : index
      %swap3A_396 = tpu.vector_load %arg8[%swap3A_395] {strides = array<i32>} : memref<1024xf32, #tpu.memory_space<vmem>>, vector<16xf32>,
      tpu.vector_store %arg8[%swap3A_395], %select_n3A_394 {strides = array<i32>} : memref<1024xf32, #tpu.memory_space<vmem>>, vector<16xf32>,
      %get3A_397 = arith.constant 624 : index
      %get3A_398 = tpu.vector_load %arg11[%get3A_397] {strides = array<i32>} : memref<1024xi32, #tpu.memory_space<vmem>>, vector<16xi32>,
      %eq3A_399 = arith.constant 0 : i32
      %eq3A_400 = vector.broadcast %eq3A_399 : i32 to vector<16xi32>
      %eq3A_401 = arith.cmpi eq, %get3A_398, %eq3A_400 : vector<16xi32>
      %get3A_402 = arith.constant 624 : index
      %get3A_403 = tpu.vector_load %arg13[%get3A_402] {strides = array<i32>} : memref<1024xf32, #tpu.memory_space<vmem>>, vector<16xf32>,
      %select_n3A_404 = arith.select %eq3A_401, %get3A_403, %broadcast_in_dim3A_4 : vector<16xi1>, vector<16xf32>
      %swap3A_405 = arith.constant 624 : index
      %swap3A_406 = tpu.vector_load %arg8[%swap3A_405] {strides = array<i32>} : memref<1024xf32, #tpu.memory_space<vmem>>, vector<16xf32>,
      tpu.vector_store %arg8[%swap3A_405], %select_n3A_404 {strides = array<i32>} : memref<1024xf32, #tpu.memory_space<vmem>>, vector<16xf32>,
      %get3A_407 = arith.constant 640 : index
      %get3A_408 = tpu.vector_load %arg11[%get3A_407] {strides = array<i32>} : memref<1024xi32, #tpu.memory_space<vmem>>, vector<16xi32>,
      %eq3A_409 = arith.constant 0 : i32
      %eq3A_410 = vector.broadcast %eq3A_409 : i32 to vector<16xi32>
      %eq3A_411 = arith.cmpi eq, %get3A_408, %eq3A_410 : vector<16xi32>
      %get3A_412 = arith.constant 640 : index
      %get3A_413 = tpu.vector_load %arg13[%get3A_412] {strides = array<i32>} : memref<1024xf32, #tpu.memory_space<vmem>>, vector<16xf32>,
      %select_n3A_414 = arith.select %eq3A_411, %get3A_413, %broadcast_in_dim3A_4 : vector<16xi1>, vector<16xf32>
      %swap3A_415 = arith.constant 640 : index
      %swap3A_416 = tpu.vector_load %arg8[%swap3A_415] {strides = array<i32>} : memref<1024xf32, #tpu.memory_space<vmem>>, vector<16xf32>,
      tpu.vector_store %arg8[%swap3A_415], %select_n3A_414 {strides = array<i32>} : memref<1024xf32, #tpu.memory_space<vmem>>, vector<16xf32>,
      %get3A_417 = arith.constant 656 : index
      %get3A_418 = tpu.vector_load %arg11[%get3A_417] {strides = array<i32>} : memref<1024xi32, #tpu.memory_space<vmem>>, vector<16xi32>,
      %eq3A_419 = arith.constant 0 : i32
      %eq3A_420 = vector.broadcast %eq3A_419 : i32 to vector<16xi32>
      %eq3A_421 = arith.cmpi eq, %get3A_418, %eq3A_420 : vector<16xi32>
      %get3A_422 = arith.constant 656 : index
      %get3A_423 = tpu.vector_load %arg13[%get3A_422] {strides = array<i32>} : memref<1024xf32, #tpu.memory_space<vmem>>, vector<16xf32>,
      %select_n3A_424 = arith.select %eq3A_421, %get3A_423, %broadcast_in_dim3A_4 : vector<16xi1>, vector<16xf32>
      %swap3A_425 = arith.constant 656 : index
      %swap3A_426 = tpu.vector_load %arg8[%swap3A_425] {strides = array<i32>} : memref<1024xf32, #tpu.memory_space<vmem>>, vector<16xf32>,
      tpu.vector_store %arg8[%swap3A_425], %select_n3A_424 {strides = array<i32>} : memref<1024xf32, #tpu.memory_space<vmem>>, vector<16xf32>,
      %get3A_427 = arith.constant 672 : index
      %get3A_428 = tpu.vector_load %arg11[%get3A_427] {strides = array<i32>} : memref<1024xi32, #tpu.memory_space<vmem>>, vector<16xi32>,
      %eq3A_429 = arith.constant 0 : i32
      %eq3A_430 = vector.broadcast %eq3A_429 : i32 to vector<16xi32>
      %eq3A_431 = arith.cmpi eq, %get3A_428, %eq3A_430 : vector<16xi32>
      %get3A_432 = arith.constant 672 : index
      %get3A_433 = tpu.vector_load %arg13[%get3A_432] {strides = array<i32>} : memref<1024xf32, #tpu.memory_space<vmem>>, vector<16xf32>,
      %select_n3A_434 = arith.select %eq3A_431, %get3A_433, %broadcast_in_dim3A_4 : vector<16xi1>, vector<16xf32>
      %swap3A_435 = arith.constant 672 : index
      %swap3A_436 = tpu.vector_load %arg8[%swap3A_435] {strides = array<i32>} : memref<1024xf32, #tpu.memory_space<vmem>>, vector<16xf32>,
      tpu.vector_store %arg8[%swap3A_435], %select_n3A_434 {strides = array<i32>} : memref<1024xf32, #tpu.memory_space<vmem>>, vector<16xf32>,
      %get3A_437 = arith.constant 688 : index
      %get3A_438 = tpu.vector_load %arg11[%get3A_437] {strides = array<i32>} : memref<1024xi32, #tpu.memory_space<vmem>>, vector<16xi32>,
      %eq3A_439 = arith.constant 0 : i32
      %eq3A_440 = vector.broadcast %eq3A_439 : i32 to vector<16xi32>
      %eq3A_441 = arith.cmpi eq, %get3A_438, %eq3A_440 : vector<16xi32>
      %get3A_442 = arith.constant 688 : index
      %get3A_443 = tpu.vector_load %arg13[%get3A_442] {strides = array<i32>} : memref<1024xf32, #tpu.memory_space<vmem>>, vector<16xf32>,
      %select_n3A_444 = arith.select %eq3A_441, %get3A_443, %broadcast_in_dim3A_4 : vector<16xi1>, vector<16xf32>
      %swap3A_445 = arith.constant 688 : index
      %swap3A_446 = tpu.vector_load %arg8[%swap3A_445] {strides = array<i32>} : memref<1024xf32, #tpu.memory_space<vmem>>, vector<16xf32>,
      tpu.vector_store %arg8[%swap3A_445], %select_n3A_444 {strides = array<i32>} : memref<1024xf32, #tpu.memory_space<vmem>>, vector<16xf32>,
      %get3A_447 = arith.constant 704 : index
      %get3A_448 = tpu.vector_load %arg11[%get3A_447] {strides = array<i32>} : memref<1024xi32, #tpu.memory_space<vmem>>, vector<16xi32>,
      %eq3A_449 = arith.constant 0 : i32
      %eq3A_450 = vector.broadcast %eq3A_449 : i32 to vector<16xi32>
      %eq3A_451 = arith.cmpi eq, %get3A_448, %eq3A_450 : vector<16xi32>
      %get3A_452 = arith.constant 704 : index
      %get3A_453 = tpu.vector_load %arg13[%get3A_452] {strides = array<i32>} : memref<1024xf32, #tpu.memory_space<vmem>>, vector<16xf32>,
      %select_n3A_454 = arith.select %eq3A_451, %get3A_453, %broadcast_in_dim3A_4 : vector<16xi1>, vector<16xf32>
      %swap3A_455 = arith.constant 704 : index
      %swap3A_456 = tpu.vector_load %arg8[%swap3A_455] {strides = array<i32>} : memref<1024xf32, #tpu.memory_space<vmem>>, vector<16xf32>,
      tpu.vector_store %arg8[%swap3A_455], %select_n3A_454 {strides = array<i32>} : memref<1024xf32, #tpu.memory_space<vmem>>, vector<16xf32>,
      %get3A_457 = arith.constant 720 : index
      %get3A_458 = tpu.vector_load %arg11[%get3A_457] {strides = array<i32>} : memref<1024xi32, #tpu.memory_space<vmem>>, vector<16xi32>,
      %eq3A_459 = arith.constant 0 : i32
      %eq3A_460 = vector.broadcast %eq3A_459 : i32 to vector<16xi32>
      %eq3A_461 = arith.cmpi eq, %get3A_458, %eq3A_460 : vector<16xi32>
      %get3A_462 = arith.constant 720 : index
      %get3A_463 = tpu.vector_load %arg13[%get3A_462] {strides = array<i32>} : memref<1024xf32, #tpu.memory_space<vmem>>, vector<16xf32>,
      %select_n3A_464 = arith.select %eq3A_461, %get3A_463, %broadcast_in_dim3A_4 : vector<16xi1>, vector<16xf32>
      %swap3A_465 = arith.constant 720 : index
      %swap3A_466 = tpu.vector_load %arg8[%swap3A_465] {strides = array<i32>} : memref<1024xf32, #tpu.memory_space<vmem>>, vector<16xf32>,
      tpu.vector_store %arg8[%swap3A_465], %select_n3A_464 {strides = array<i32>} : memref<1024xf32, #tpu.memory_space<vmem>>, vector<16xf32>,
      %get3A_467 = arith.constant 736 : index
      %get3A_468 = tpu.vector_load %arg11[%get3A_467] {strides = array<i32>} : memref<1024xi32, #tpu.memory_space<vmem>>, vector<16xi32>,
      %eq3A_469 = arith.constant 0 : i32
      %eq3A_470 = vector.broadcast %eq3A_469 : i32 to vector<16xi32>
      %eq3A_471 = arith.cmpi eq, %get3A_468, %eq3A_470 : vector<16xi32>
      %get3A_472 = arith.constant 736 : index
      %get3A_473 = tpu.vector_load %arg13[%get3A_472] {strides = array<i32>} : memref<1024xf32, #tpu.memory_space<vmem>>, vector<16xf32>,
      %select_n3A_474 = arith.select %eq3A_471, %get3A_473, %broadcast_in_dim3A_4 : vector<16xi1>, vector<16xf32>
      %swap3A_475 = arith.constant 736 : index
      %swap3A_476 = tpu.vector_load %arg8[%swap3A_475] {strides = array<i32>} : memref<1024xf32, #tpu.memory_space<vmem>>, vector<16xf32>,
      tpu.vector_store %arg8[%swap3A_475], %select_n3A_474 {strides = array<i32>} : memref<1024xf32, #tpu.memory_space<vmem>>, vector<16xf32>,
      %get3A_477 = arith.constant 752 : index
      %get3A_478 = tpu.vector_load %arg11[%get3A_477] {strides = array<i32>} : memref<1024xi32, #tpu.memory_space<vmem>>, vector<16xi32>,
      %eq3A_479 = arith.constant 0 : i32
      %eq3A_480 = vector.broadcast %eq3A_479 : i32 to vector<16xi32>
      %eq3A_481 = arith.cmpi eq, %get3A_478, %eq3A_480 : vector<16xi32>
      %get3A_482 = arith.constant 752 : index
      %get3A_483 = tpu.vector_load %arg13[%get3A_482] {strides = array<i32>} : memref<1024xf32, #tpu.memory_space<vmem>>, vector<16xf32>,
      %select_n3A_484 = arith.select %eq3A_481, %get3A_483, %broadcast_in_dim3A_4 : vector<16xi1>, vector<16xf32>
      %swap3A_485 = arith.constant 752 : index
      %swap3A_486 = tpu.vector_load %arg8[%swap3A_485] {strides = array<i32>} : memref<1024xf32, #tpu.memory_space<vmem>>, vector<16xf32>,
      tpu.vector_store %arg8[%swap3A_485], %select_n3A_484 {strides = array<i32>} : memref<1024xf32, #tpu.memory_space<vmem>>, vector<16xf32>,
      %get3A_487 = arith.constant 768 : index
      %get3A_488 = tpu.vector_load %arg11[%get3A_487] {strides = array<i32>} : memref<1024xi32, #tpu.memory_space<vmem>>, vector<16xi32>,
      %eq3A_489 = arith.constant 0 : i32
      %eq3A_490 = vector.broadcast %eq3A_489 : i32 to vector<16xi32>
      %eq3A_491 = arith.cmpi eq, %get3A_488, %eq3A_490 : vector<16xi32>
      %get3A_492 = arith.constant 768 : index
      %get3A_493 = tpu.vector_load %arg13[%get3A_492] {strides = array<i32>} : memref<1024xf32, #tpu.memory_space<vmem>>, vector<16xf32>,
      %select_n3A_494 = arith.select %eq3A_491, %get3A_493, %broadcast_in_dim3A_4 : vector<16xi1>, vector<16xf32>
      %swap3A_495 = arith.constant 768 : index
      %swap3A_496 = tpu.vector_load %arg8[%swap3A_495] {strides = array<i32>} : memref<1024xf32, #tpu.memory_space<vmem>>, vector<16xf32>,
      tpu.vector_store %arg8[%swap3A_495], %select_n3A_494 {strides = array<i32>} : memref<1024xf32, #tpu.memory_space<vmem>>, vector<16xf32>,
      %get3A_497 = arith.constant 784 : index
      %get3A_498 = tpu.vector_load %arg11[%get3A_497] {strides = array<i32>} : memref<1024xi32, #tpu.memory_space<vmem>>, vector<16xi32>,
      %eq3A_499 = arith.constant 0 : i32
      %eq3A_500 = vector.broadcast %eq3A_499 : i32 to vector<16xi32>
      %eq3A_501 = arith.cmpi eq, %get3A_498, %eq3A_500 : vector<16xi32>
      %get3A_502 = arith.constant 784 : index
      %get3A_503 = tpu.vector_load %arg13[%get3A_502] {strides = array<i32>} : memref<1024xf32, #tpu.memory_space<vmem>>, vector<16xf32>,
      %select_n3A_504 = arith.select %eq3A_501, %get3A_503, %broadcast_in_dim3A_4 : vector<16xi1>, vector<16xf32>
      %swap3A_505 = arith.constant 784 : index
      %swap3A_506 = tpu.vector_load %arg8[%swap3A_505] {strides = array<i32>} : memref<1024xf32, #tpu.memory_space<vmem>>, vector<16xf32>,
      tpu.vector_store %arg8[%swap3A_505], %select_n3A_504 {strides = array<i32>} : memref<1024xf32, #tpu.memory_space<vmem>>, vector<16xf32>,
      %get3A_507 = arith.constant 800 : index
      %get3A_508 = tpu.vector_load %arg11[%get3A_507] {strides = array<i32>} : memref<1024xi32, #tpu.memory_space<vmem>>, vector<16xi32>,
      %eq3A_509 = arith.constant 0 : i32
      %eq3A_510 = vector.broadcast %eq3A_509 : i32 to vector<16xi32>
      %eq3A_511 = arith.cmpi eq, %get3A_508, %eq3A_510 : vector<16xi32>
      %get3A_512 = arith.constant 800 : index
      %get3A_513 = tpu.vector_load %arg13[%get3A_512] {strides = array<i32>} : memref<1024xf32, #tpu.memory_space<vmem>>, vector<16xf32>,
      %select_n3A_514 = arith.select %eq3A_511, %get3A_513, %broadcast_in_dim3A_4 : vector<16xi1>, vector<16xf32>
      %swap3A_515 = arith.constant 800 : index
      %swap3A_516 = tpu.vector_load %arg8[%swap3A_515] {strides = array<i32>} : memref<1024xf32, #tpu.memory_space<vmem>>, vector<16xf32>,
      tpu.vector_store %arg8[%swap3A_515], %select_n3A_514 {strides = array<i32>} : memref<1024xf32, #tpu.memory_space<vmem>>, vector<16xf32>,
      %get3A_517 = arith.constant 816 : index
      %get3A_518 = tpu.vector_load %arg11[%get3A_517] {strides = array<i32>} : memref<1024xi32, #tpu.memory_space<vmem>>, vector<16xi32>,
      %eq3A_519 = arith.constant 0 : i32
      %eq3A_520 = vector.broadcast %eq3A_519 : i32 to vector<16xi32>
      %eq3A_521 = arith.cmpi eq, %get3A_518, %eq3A_520 : vector<16xi32>
      %get3A_522 = arith.constant 816 : index
      %get3A_523 = tpu.vector_load %arg13[%get3A_522] {strides = array<i32>} : memref<1024xf32, #tpu.memory_space<vmem>>, vector<16xf32>,
      %select_n3A_524 = arith.select %eq3A_521, %get3A_523, %broadcast_in_dim3A_4 : vector<16xi1>, vector<16xf32>
      %swap3A_525 = arith.constant 816 : index
      %swap3A_526 = tpu.vector_load %arg8[%swap3A_525] {strides = array<i32>} : memref<1024xf32, #tpu.memory_space<vmem>>, vector<16xf32>,
      tpu.vector_store %arg8[%swap3A_525], %select_n3A_524 {strides = array<i32>} : memref<1024xf32, #tpu.memory_space<vmem>>, vector<16xf32>,
      %get3A_527 = arith.constant 832 : index
      %get3A_528 = tpu.vector_load %arg11[%get3A_527] {strides = array<i32>} : memref<1024xi32, #tpu.memory_space<vmem>>, vector<16xi32>,
      %eq3A_529 = arith.constant 0 : i32
      %eq3A_530 = vector.broadcast %eq3A_529 : i32 to vector<16xi32>
      %eq3A_531 = arith.cmpi eq, %get3A_528, %eq3A_530 : vector<16xi32>
      %get3A_532 = arith.constant 832 : index
      %get3A_533 = tpu.vector_load %arg13[%get3A_532] {strides = array<i32>} : memref<1024xf32, #tpu.memory_space<vmem>>, vector<16xf32>,
      %select_n3A_534 = arith.select %eq3A_531, %get3A_533, %broadcast_in_dim3A_4 : vector<16xi1>, vector<16xf32>
      %swap3A_535 = arith.constant 832 : index
      %swap3A_536 = tpu.vector_load %arg8[%swap3A_535] {strides = array<i32>} : memref<1024xf32, #tpu.memory_space<vmem>>, vector<16xf32>,
      tpu.vector_store %arg8[%swap3A_535], %select_n3A_534 {strides = array<i32>} : memref<1024xf32, #tpu.memory_space<vmem>>, vector<16xf32>,
      %get3A_537 = arith.constant 848 : index
      %get3A_538 = tpu.vector_load %arg11[%get3A_537] {strides = array<i32>} : memref<1024xi32, #tpu.memory_space<vmem>>, vector<16xi32>,
      %eq3A_539 = arith.constant 0 : i32
      %eq3A_540 = vector.broadcast %eq3A_539 : i32 to vector<16xi32>
      %eq3A_541 = arith.cmpi eq, %get3A_538, %eq3A_540 : vector<16xi32>
      %get3A_542 = arith.constant 848 : index
      %get3A_543 = tpu.vector_load %arg13[%get3A_542] {strides = array<i32>} : memref<1024xf32, #tpu.memory_space<vmem>>, vector<16xf32>,
      %select_n3A_544 = arith.select %eq3A_541, %get3A_543, %broadcast_in_dim3A_4 : vector<16xi1>, vector<16xf32>
      %swap3A_545 = arith.constant 848 : index
      %swap3A_546 = tpu.vector_load %arg8[%swap3A_545] {strides = array<i32>} : memref<1024xf32, #tpu.memory_space<vmem>>, vector<16xf32>,
      tpu.vector_store %arg8[%swap3A_545], %select_n3A_544 {strides = array<i32>} : memref<1024xf32, #tpu.memory_space<vmem>>, vector<16xf32>,
      %get3A_547 = arith.constant 864 : index
      %get3A_548 = tpu.vector_load %arg11[%get3A_547] {strides = array<i32>} : memref<1024xi32, #tpu.memory_space<vmem>>, vector<16xi32>,
      %eq3A_549 = arith.constant 0 : i32
      %eq3A_550 = vector.broadcast %eq3A_549 : i32 to vector<16xi32>
      %eq3A_551 = arith.cmpi eq, %get3A_548, %eq3A_550 : vector<16xi32>
      %get3A_552 = arith.constant 864 : index
      %get3A_553 = tpu.vector_load %arg13[%get3A_552] {strides = array<i32>} : memref<1024xf32, #tpu.memory_space<vmem>>, vector<16xf32>,
      %select_n3A_554 = arith.select %eq3A_551, %get3A_553, %broadcast_in_dim3A_4 : vector<16xi1>, vector<16xf32>
      %swap3A_555 = arith.constant 864 : index
      %swap3A_556 = tpu.vector_load %arg8[%swap3A_555] {strides = array<i32>} : memref<1024xf32, #tpu.memory_space<vmem>>, vector<16xf32>,
      tpu.vector_store %arg8[%swap3A_555], %select_n3A_554 {strides = array<i32>} : memref<1024xf32, #tpu.memory_space<vmem>>, vector<16xf32>,
      %get3A_557 = arith.constant 880 : index
      %get3A_558 = tpu.vector_load %arg11[%get3A_557] {strides = array<i32>} : memref<1024xi32, #tpu.memory_space<vmem>>, vector<16xi32>,
      %eq3A_559 = arith.constant 0 : i32
      %eq3A_560 = vector.broadcast %eq3A_559 : i32 to vector<16xi32>
      %eq3A_561 = arith.cmpi eq, %get3A_558, %eq3A_560 : vector<16xi32>
      %get3A_562 = arith.constant 880 : index
      %get3A_563 = tpu.vector_load %arg13[%get3A_562] {strides = array<i32>} : memref<1024xf32, #tpu.memory_space<vmem>>, vector<16xf32>,
      %select_n3A_564 = arith.select %eq3A_561, %get3A_563, %broadcast_in_dim3A_4 : vector<16xi1>, vector<16xf32>
      %swap3A_565 = arith.constant 880 : index
      %swap3A_566 = tpu.vector_load %arg8[%swap3A_565] {strides = array<i32>} : memref<1024xf32, #tpu.memory_space<vmem>>, vector<16xf32>,
      tpu.vector_store %arg8[%swap3A_565], %select_n3A_564 {strides = array<i32>} : memref<1024xf32, #tpu.memory_space<vmem>>, vector<16xf32>,
      %get3A_567 = arith.constant 896 : index
      %get3A_568 = tpu.vector_load %arg11[%get3A_567] {strides = array<i32>} : memref<1024xi32, #tpu.memory_space<vmem>>, vector<16xi32>,
      %eq3A_569 = arith.constant 0 : i32
      %eq3A_570 = vector.broadcast %eq3A_569 : i32 to vector<16xi32>
      %eq3A_571 = arith.cmpi eq, %get3A_568, %eq3A_570 : vector<16xi32>
      %get3A_572 = arith.constant 896 : index
      %get3A_573 = tpu.vector_load %arg13[%get3A_572] {strides = array<i32>} : memref<1024xf32, #tpu.memory_space<vmem>>, vector<16xf32>,
      %select_n3A_574 = arith.select %eq3A_571, %get3A_573, %broadcast_in_dim3A_4 : vector<16xi1>, vector<16xf32>
      %swap3A_575 = arith.constant 896 : index
      %swap3A_576 = tpu.vector_load %arg8[%swap3A_575] {strides = array<i32>} : memref<1024xf32, #tpu.memory_space<vmem>>, vector<16xf32>,
      tpu.vector_store %arg8[%swap3A_575], %select_n3A_574 {strides = array<i32>} : memref<1024xf32, #tpu.memory_space<vmem>>, vector<16xf32>,
      %get3A_577 = arith.constant 912 : index
      %get3A_578 = tpu.vector_load %arg11[%get3A_577] {strides = array<i32>} : memref<1024xi32, #tpu.memory_space<vmem>>, vector<16xi32>,
      %eq3A_579 = arith.constant 0 : i32
      %eq3A_580 = vector.broadcast %eq3A_579 : i32 to vector<16xi32>
      %eq3A_581 = arith.cmpi eq, %get3A_578, %eq3A_580 : vector<16xi32>
      %get3A_582 = arith.constant 912 : index
      %get3A_583 = tpu.vector_load %arg13[%get3A_582] {strides = array<i32>} : memref<1024xf32, #tpu.memory_space<vmem>>, vector<16xf32>,
      %select_n3A_584 = arith.select %eq3A_581, %get3A_583, %broadcast_in_dim3A_4 : vector<16xi1>, vector<16xf32>
      %swap3A_585 = arith.constant 912 : index
      %swap3A_586 = tpu.vector_load %arg8[%swap3A_585] {strides = array<i32>} : memref<1024xf32, #tpu.memory_space<vmem>>, vector<16xf32>,
      tpu.vector_store %arg8[%swap3A_585], %select_n3A_584 {strides = array<i32>} : memref<1024xf32, #tpu.memory_space<vmem>>, vector<16xf32>,
      %get3A_587 = arith.constant 928 : index
      %get3A_588 = tpu.vector_load %arg11[%get3A_587] {strides = array<i32>} : memref<1024xi32, #tpu.memory_space<vmem>>, vector<16xi32>,
      %eq3A_589 = arith.constant 0 : i32
      %eq3A_590 = vector.broadcast %eq3A_589 : i32 to vector<16xi32>
      %eq3A_591 = arith.cmpi eq, %get3A_588, %eq3A_590 : vector<16xi32>
      %get3A_592 = arith.constant 928 : index
      %get3A_593 = tpu.vector_load %arg13[%get3A_592] {strides = array<i32>} : memref<1024xf32, #tpu.memory_space<vmem>>, vector<16xf32>,
      %select_n3A_594 = arith.select %eq3A_591, %get3A_593, %broadcast_in_dim3A_4 : vector<16xi1>, vector<16xf32>
      %swap3A_595 = arith.constant 928 : index
      %swap3A_596 = tpu.vector_load %arg8[%swap3A_595] {strides = array<i32>} : memref<1024xf32, #tpu.memory_space<vmem>>, vector<16xf32>,
      tpu.vector_store %arg8[%swap3A_595], %select_n3A_594 {strides = array<i32>} : memref<1024xf32, #tpu.memory_space<vmem>>, vector<16xf32>,
      %get3A_597 = arith.constant 944 : index
      %get3A_598 = tpu.vector_load %arg11[%get3A_597] {strides = array<i32>} : memref<1024xi32, #tpu.memory_space<vmem>>, vector<16xi32>,
      %eq3A_599 = arith.constant 0 : i32
      %eq3A_600 = vector.broadcast %eq3A_599 : i32 to vector<16xi32>
      %eq3A_601 = arith.cmpi eq, %get3A_598, %eq3A_600 : vector<16xi32>
      %get3A_602 = arith.constant 944 : index
      %get3A_603 = tpu.vector_load %arg13[%get3A_602] {strides = array<i32>} : memref<1024xf32, #tpu.memory_space<vmem>>, vector<16xf32>,
      %select_n3A_604 = arith.select %eq3A_601, %get3A_603, %broadcast_in_dim3A_4 : vector<16xi1>, vector<16xf32>
      %swap3A_605 = arith.constant 944 : index
      %swap3A_606 = tpu.vector_load %arg8[%swap3A_605] {strides = array<i32>} : memref<1024xf32, #tpu.memory_space<vmem>>, vector<16xf32>,
      tpu.vector_store %arg8[%swap3A_605], %select_n3A_604 {strides = array<i32>} : memref<1024xf32, #tpu.memory_space<vmem>>, vector<16xf32>,
      %get3A_607 = arith.constant 960 : index
      %get3A_608 = tpu.vector_load %arg11[%get3A_607] {strides = array<i32>} : memref<1024xi32, #tpu.memory_space<vmem>>, vector<16xi32>,
      %eq3A_609 = arith.constant 0 : i32
      %eq3A_610 = vector.broadcast %eq3A_609 : i32 to vector<16xi32>
      %eq3A_611 = arith.cmpi eq, %get3A_608, %eq3A_610 : vector<16xi32>
      %get3A_612 = arith.constant 960 : index
      %get3A_613 = tpu.vector_load %arg13[%get3A_612] {strides = array<i32>} : memref<1024xf32, #tpu.memory_space<vmem>>, vector<16xf32>,
      %select_n3A_614 = arith.select %eq3A_611, %get3A_613, %broadcast_in_dim3A_4 : vector<16xi1>, vector<16xf32>
      %swap3A_615 = arith.constant 960 : index
      %swap3A_616 = tpu.vector_load %arg8[%swap3A_615] {strides = array<i32>} : memref<1024xf32, #tpu.memory_space<vmem>>, vector<16xf32>,
      tpu.vector_store %arg8[%swap3A_615], %select_n3A_614 {strides = array<i32>} : memref<1024xf32, #tpu.memory_space<vmem>>, vector<16xf32>,
      %get3A_617 = arith.constant 976 : index
      %get3A_618 = tpu.vector_load %arg11[%get3A_617] {strides = array<i32>} : memref<1024xi32, #tpu.memory_space<vmem>>, vector<16xi32>,
      %eq3A_619 = arith.constant 0 : i32
      %eq3A_620 = vector.broadcast %eq3A_619 : i32 to vector<16xi32>
      %eq3A_621 = arith.cmpi eq, %get3A_618, %eq3A_620 : vector<16xi32>
      %get3A_622 = arith.constant 976 : index
      %get3A_623 = tpu.vector_load %arg13[%get3A_622] {strides = array<i32>} : memref<1024xf32, #tpu.memory_space<vmem>>, vector<16xf32>,
      %select_n3A_624 = arith.select %eq3A_621, %get3A_623, %broadcast_in_dim3A_4 : vector<16xi1>, vector<16xf32>
      %swap3A_625 = arith.constant 976 : index
      %swap3A_626 = tpu.vector_load %arg8[%swap3A_625] {strides = array<i32>} : memref<1024xf32, #tpu.memory_space<vmem>>, vector<16xf32>,
      tpu.vector_store %arg8[%swap3A_625], %select_n3A_624 {strides = array<i32>} : memref<1024xf32, #tpu.memory_space<vmem>>, vector<16xf32>,
      %get3A_627 = arith.constant 992 : index
      %get3A_628 = tpu.vector_load %arg11[%get3A_627] {strides = array<i32>} : memref<1024xi32, #tpu.memory_space<vmem>>, vector<16xi32>,
      %eq3A_629 = arith.constant 0 : i32
      %eq3A_630 = vector.broadcast %eq3A_629 : i32 to vector<16xi32>
      %eq3A_631 = arith.cmpi eq, %get3A_628, %eq3A_630 : vector<16xi32>
      %get3A_632 = arith.constant 992 : index
      %get3A_633 = tpu.vector_load %arg13[%get3A_632] {strides = array<i32>} : memref<1024xf32, #tpu.memory_space<vmem>>, vector<16xf32>,
      %select_n3A_634 = arith.select %eq3A_631, %get3A_633, %broadcast_in_dim3A_4 : vector<16xi1>, vector<16xf32>
      %swap3A_635 = arith.constant 992 : index
      %swap3A_636 = tpu.vector_load %arg8[%swap3A_635] {strides = array<i32>} : memref<1024xf32, #tpu.memory_space<vmem>>, vector<16xf32>,
      tpu.vector_store %arg8[%swap3A_635], %select_n3A_634 {strides = array<i32>} : memref<1024xf32, #tpu.memory_space<vmem>>, vector<16xf32>,
      %get3A_637 = arith.constant 1008 : index
      %get3A_638 = tpu.vector_load %arg11[%get3A_637] {strides = array<i32>} : memref<1024xi32, #tpu.memory_space<vmem>>, vector<16xi32>,
      %eq3A_639 = arith.constant 0 : i32
      %eq3A_640 = vector.broadcast %eq3A_639 : i32 to vector<16xi32>
      %eq3A_641 = arith.cmpi eq, %get3A_638, %eq3A_640 : vector<16xi32>
      %get3A_642 = arith.constant 1008 : index
      %get3A_643 = tpu.vector_load %arg13[%get3A_642] {strides = array<i32>} : memref<1024xf32, #tpu.memory_space<vmem>>, vector<16xf32>,
      %select_n3A_644 = arith.select %eq3A_641, %get3A_643, %broadcast_in_dim3A_4 : vector<16xi1>, vector<16xf32>
      %swap3A_645 = arith.constant 1008 : index
      %swap3A_646 = tpu.vector_load %arg8[%swap3A_645] {strides = array<i32>} : memref<1024xf32, #tpu.memory_space<vmem>>, vector<16xf32>,
      tpu.vector_store %arg8[%swap3A_645], %select_n3A_644 {strides = array<i32>} : memref<1024xf32, #tpu.memory_space<vmem>>, vector<16xf32>,
      %get3A_647 = arith.constant 0 : index
      %get3A_648 = tpu.vector_load %arg8[%get3A_647] {strides = array<i32>} : memref<1024xf32, #tpu.memory_space<vmem>>, vector<16xf32>,
      %max3A = arith.maximumf %broadcast_in_dim3A_4, %get3A_648 : vector<16xf32>
      %gt3A = arith.cmpf ogt, %get3A_648, %broadcast_in_dim3A_4 : vector<16xf32>
      %get3A_649 = arith.constant 0 : index
      %get3A_650 = tpu.vector_load %arg14[%get3A_649] {strides = array<i32>} : memref<1024xf32, #tpu.memory_space<vmem>>, vector<16xf32>,
      %select_n3A_651 = arith.select %gt3A, %get3A_650, %broadcast_in_dim3A_6 : vector<16xi1>, vector<16xf32>
      %add3A = arith.addf %broadcast_in_dim3A_6, %select_n3A_651 : vector<16xf32>
      %get3A_652 = arith.constant 64 : index
      %get3A_653 = tpu.vector_load %arg8[%get3A_652] {strides = array<i32>} : memref<1024xf32, #tpu.memory_space<vmem>>, vector<16xf32>,
      %max3A_654 = arith.maximumf %max3A, %get3A_653 : vector<16xf32>
      %gt3A_655 = arith.cmpf ogt, %get3A_653, %broadcast_in_dim3A_4 : vector<16xf32>
      %get3A_656 = arith.constant 64 : index
      %get3A_657 = tpu.vector_load %arg14[%get3A_656] {strides = array<i32>} : memref<1024xf32, #tpu.memory_space<vmem>>, vector<16xf32>,
      %select_n3A_658 = arith.select %gt3A_655, %get3A_657, %broadcast_in_dim3A_6 : vector<16xi1>, vector<16xf32>
      %add3A_659 = arith.addf %add3A, %select_n3A_658 : vector<16xf32>
      %get3A_660 = arith.constant 128 : index
      %get3A_661 = tpu.vector_load %arg8[%get3A_660] {strides = array<i32>} : memref<1024xf32, #tpu.memory_space<vmem>>, vector<16xf32>,
      %max3A_662 = arith.maximumf %max3A_654, %get3A_661 : vector<16xf32>
      %gt3A_663 = arith.cmpf ogt, %get3A_661, %broadcast_in_dim3A_4 : vector<16xf32>
      %get3A_664 = arith.constant 128 : index
      %get3A_665 = tpu.vector_load %arg14[%get3A_664] {strides = array<i32>} : memref<1024xf32, #tpu.memory_space<vmem>>, vector<16xf32>,
      %select_n3A_666 = arith.select %gt3A_663, %get3A_665, %broadcast_in_dim3A_6 : vector<16xi1>, vector<16xf32>
      %add3A_667 = arith.addf %add3A_659, %select_n3A_666 : vector<16xf32>
      %get3A_668 = arith.constant 192 : index
      %get3A_669 = tpu.vector_load %arg8[%get3A_668] {strides = array<i32>} : memref<1024xf32, #tpu.memory_space<vmem>>, vector<16xf32>,
      %max3A_670 = arith.maximumf %max3A_662, %get3A_669 : vector<16xf32>
      %gt3A_671 = arith.cmpf ogt, %get3A_669, %broadcast_in_dim3A_4 : vector<16xf32>
      %get3A_672 = arith.constant 192 : index
      %get3A_673 = tpu.vector_load %arg14[%get3A_672] {strides = array<i32>} : memref<1024xf32, #tpu.memory_space<vmem>>, vector<16xf32>,
      %select_n3A_674 = arith.select %gt3A_671, %get3A_673, %broadcast_in_dim3A_6 : vector<16xi1>, vector<16xf32>
      %add3A_675 = arith.addf %add3A_667, %select_n3A_674 : vector<16xf32>
      %get3A_676 = arith.constant 256 : index
      %get3A_677 = tpu.vector_load %arg8[%get3A_676] {strides = array<i32>} : memref<1024xf32, #tpu.memory_space<vmem>>, vector<16xf32>,
      %max3A_678 = arith.maximumf %max3A_670, %get3A_677 : vector<16xf32>
      %gt3A_679 = arith.cmpf ogt, %get3A_677, %broadcast_in_dim3A_4 : vector<16xf32>
      %get3A_680 = arith.constant 256 : index
      %get3A_681 = tpu.vector_load %arg14[%get3A_680] {strides = array<i32>} : memref<1024xf32, #tpu.memory_space<vmem>>, vector<16xf32>,
      %select_n3A_682 = arith.select %gt3A_679, %get3A_681, %broadcast_in_dim3A_6 : vector<16xi1>, vector<16xf32>
      %add3A_683 = arith.addf %add3A_675, %select_n3A_682 : vector<16xf32>
      %get3A_684 = arith.constant 320 : index
      %get3A_685 = tpu.vector_load %arg8[%get3A_684] {strides = array<i32>} : memref<1024xf32, #tpu.memory_space<vmem>>, vector<16xf32>,
      %max3A_686 = arith.maximumf %max3A_678, %get3A_685 : vector<16xf32>
      %gt3A_687 = arith.cmpf ogt, %get3A_685, %broadcast_in_dim3A_4 : vector<16xf32>
      %get3A_688 = arith.constant 320 : index
      %get3A_689 = tpu.vector_load %arg14[%get3A_688] {strides = array<i32>} : memref<1024xf32, #tpu.memory_space<vmem>>, vector<16xf32>,
      %select_n3A_690 = arith.select %gt3A_687, %get3A_689, %broadcast_in_dim3A_6 : vector<16xi1>, vector<16xf32>
      %add3A_691 = arith.addf %add3A_683, %select_n3A_690 : vector<16xf32>
      %get3A_692 = arith.constant 384 : index
      %get3A_693 = tpu.vector_load %arg8[%get3A_692] {strides = array<i32>} : memref<1024xf32, #tpu.memory_space<vmem>>, vector<16xf32>,
      %max3A_694 = arith.maximumf %max3A_686, %get3A_693 : vector<16xf32>
      %gt3A_695 = arith.cmpf ogt, %get3A_693, %broadcast_in_dim3A_4 : vector<16xf32>
      %get3A_696 = arith.constant 384 : index
      %get3A_697 = tpu.vector_load %arg14[%get3A_696] {strides = array<i32>} : memref<1024xf32, #tpu.memory_space<vmem>>, vector<16xf32>,
      %select_n3A_698 = arith.select %gt3A_695, %get3A_697, %broadcast_in_dim3A_6 : vector<16xi1>, vector<16xf32>
      %add3A_699 = arith.addf %add3A_691, %select_n3A_698 : vector<16xf32>
      %get3A_700 = arith.constant 448 : index
      %get3A_701 = tpu.vector_load %arg8[%get3A_700] {strides = array<i32>} : memref<1024xf32, #tpu.memory_space<vmem>>, vector<16xf32>,
      %max3A_702 = arith.maximumf %max3A_694, %get3A_701 : vector<16xf32>
      %gt3A_703 = arith.cmpf ogt, %get3A_701, %broadcast_in_dim3A_4 : vector<16xf32>
      %get3A_704 = arith.constant 448 : index
      %get3A_705 = tpu.vector_load %arg14[%get3A_704] {strides = array<i32>} : memref<1024xf32, #tpu.memory_space<vmem>>, vector<16xf32>,
      %select_n3A_706 = arith.select %gt3A_703, %get3A_705, %broadcast_in_dim3A_6 : vector<16xi1>, vector<16xf32>
      %add3A_707 = arith.addf %add3A_699, %select_n3A_706 : vector<16xf32>
      %get3A_708 = arith.constant 512 : index
      %get3A_709 = tpu.vector_load %arg8[%get3A_708] {strides = array<i32>} : memref<1024xf32, #tpu.memory_space<vmem>>, vector<16xf32>,
      %max3A_710 = arith.maximumf %max3A_702, %get3A_709 : vector<16xf32>
      %gt3A_711 = arith.cmpf ogt, %get3A_709, %broadcast_in_dim3A_4 : vector<16xf32>
      %get3A_712 = arith.constant 512 : index
      %get3A_713 = tpu.vector_load %arg14[%get3A_712] {strides = array<i32>} : memref<1024xf32, #tpu.memory_space<vmem>>, vector<16xf32>,
      %select_n3A_714 = arith.select %gt3A_711, %get3A_713, %broadcast_in_dim3A_6 : vector<16xi1>, vector<16xf32>
      %add3A_715 = arith.addf %add3A_707, %select_n3A_714 : vector<16xf32>
      %get3A_716 = arith.constant 576 : index
      %get3A_717 = tpu.vector_load %arg8[%get3A_716] {strides = array<i32>} : memref<1024xf32, #tpu.memory_space<vmem>>, vector<16xf32>,
      %max3A_718 = arith.maximumf %max3A_710, %get3A_717 : vector<16xf32>
      %gt3A_719 = arith.cmpf ogt, %get3A_717, %broadcast_in_dim3A_4 : vector<16xf32>
      %get3A_720 = arith.constant 576 : index
      %get3A_721 = tpu.vector_load %arg14[%get3A_720] {strides = array<i32>} : memref<1024xf32, #tpu.memory_space<vmem>>, vector<16xf32>,
      %select_n3A_722 = arith.select %gt3A_719, %get3A_721, %broadcast_in_dim3A_6 : vector<16xi1>, vector<16xf32>
      %add3A_723 = arith.addf %add3A_715, %select_n3A_722 : vector<16xf32>
      %get3A_724 = arith.constant 640 : index
      %get3A_725 = tpu.vector_load %arg8[%get3A_724] {strides = array<i32>} : memref<1024xf32, #tpu.memory_space<vmem>>, vector<16xf32>,
      %max3A_726 = arith.maximumf %max3A_718, %get3A_725 : vector<16xf32>
      %gt3A_727 = arith.cmpf ogt, %get3A_725, %broadcast_in_dim3A_4 : vector<16xf32>
      %get3A_728 = arith.constant 640 : index
      %get3A_729 = tpu.vector_load %arg14[%get3A_728] {strides = array<i32>} : memref<1024xf32, #tpu.memory_space<vmem>>, vector<16xf32>,
      %select_n3A_730 = arith.select %gt3A_727, %get3A_729, %broadcast_in_dim3A_6 : vector<16xi1>, vector<16xf32>
      %add3A_731 = arith.addf %add3A_723, %select_n3A_730 : vector<16xf32>
      %get3A_732 = arith.constant 704 : index
      %get3A_733 = tpu.vector_load %arg8[%get3A_732] {strides = array<i32>} : memref<1024xf32, #tpu.memory_space<vmem>>, vector<16xf32>,
      %max3A_734 = arith.maximumf %max3A_726, %get3A_733 : vector<16xf32>
      %gt3A_735 = arith.cmpf ogt, %get3A_733, %broadcast_in_dim3A_4 : vector<16xf32>
      %get3A_736 = arith.constant 704 : index
      %get3A_737 = tpu.vector_load %arg14[%get3A_736] {strides = array<i32>} : memref<1024xf32, #tpu.memory_space<vmem>>, vector<16xf32>,
      %select_n3A_738 = arith.select %gt3A_735, %get3A_737, %broadcast_in_dim3A_6 : vector<16xi1>, vector<16xf32>
      %add3A_739 = arith.addf %add3A_731, %select_n3A_738 : vector<16xf32>
      %get3A_740 = arith.constant 768 : index
      %get3A_741 = tpu.vector_load %arg8[%get3A_740] {strides = array<i32>} : memref<1024xf32, #tpu.memory_space<vmem>>, vector<16xf32>,
      %max3A_742 = arith.maximumf %max3A_734, %get3A_741 : vector<16xf32>
      %gt3A_743 = arith.cmpf ogt, %get3A_741, %broadcast_in_dim3A_4 : vector<16xf32>
      %get3A_744 = arith.constant 768 : index
      %get3A_745 = tpu.vector_load %arg14[%get3A_744] {strides = array<i32>} : memref<1024xf32, #tpu.memory_space<vmem>>, vector<16xf32>,
      %select_n3A_746 = arith.select %gt3A_743, %get3A_745, %broadcast_in_dim3A_6 : vector<16xi1>, vector<16xf32>
      %add3A_747 = arith.addf %add3A_739, %select_n3A_746 : vector<16xf32>
      %get3A_748 = arith.constant 832 : index
      %get3A_749 = tpu.vector_load %arg8[%get3A_748] {strides = array<i32>} : memref<1024xf32, #tpu.memory_space<vmem>>, vector<16xf32>,
      %max3A_750 = arith.maximumf %max3A_742, %get3A_749 : vector<16xf32>
      %gt3A_751 = arith.cmpf ogt, %get3A_749, %broadcast_in_dim3A_4 : vector<16xf32>
      %get3A_752 = arith.constant 832 : index
      %get3A_753 = tpu.vector_load %arg14[%get3A_752] {strides = array<i32>} : memref<1024xf32, #tpu.memory_space<vmem>>, vector<16xf32>,
      %select_n3A_754 = arith.select %gt3A_751, %get3A_753, %broadcast_in_dim3A_6 : vector<16xi1>, vector<16xf32>
      %add3A_755 = arith.addf %add3A_747, %select_n3A_754 : vector<16xf32>
      %get3A_756 = arith.constant 896 : index
      %get3A_757 = tpu.vector_load %arg8[%get3A_756] {strides = array<i32>} : memref<1024xf32, #tpu.memory_space<vmem>>, vector<16xf32>,
      %max3A_758 = arith.maximumf %max3A_750, %get3A_757 : vector<16xf32>
      %gt3A_759 = arith.cmpf ogt, %get3A_757, %broadcast_in_dim3A_4 : vector<16xf32>
      %get3A_760 = arith.constant 896 : index
      %get3A_761 = tpu.vector_load %arg14[%get3A_760] {strides = array<i32>} : memref<1024xf32, #tpu.memory_space<vmem>>, vector<16xf32>,
      %select_n3A_762 = arith.select %gt3A_759, %get3A_761, %broadcast_in_dim3A_6 : vector<16xi1>, vector<16xf32>
      %add3A_763 = arith.addf %add3A_755, %select_n3A_762 : vector<16xf32>
      %get3A_764 = arith.constant 960 : index
      %get3A_765 = tpu.vector_load %arg8[%get3A_764] {strides = array<i32>} : memref<1024xf32, #tpu.memory_space<vmem>>, vector<16xf32>,
      %max3A_766 = arith.maximumf %max3A_758, %get3A_765 : vector<16xf32>
      %gt3A_767 = arith.cmpf ogt, %get3A_765, %broadcast_in_dim3A_4 : vector<16xf32>
      %get3A_768 = arith.constant 960 : index
      %get3A_769 = tpu.vector_load %arg14[%get3A_768] {strides = array<i32>} : memref<1024xf32, #tpu.memory_space<vmem>>, vector<16xf32>,
      %select_n3A_770 = arith.select %gt3A_767, %get3A_769, %broadcast_in_dim3A_6 : vector<16xi1>, vector<16xf32>
      %add3A_771 = arith.addf %add3A_763, %select_n3A_770 : vector<16xf32>
      %swap3A_772 = arith.constant 0 : index
      %swap3A_773 = tpu.vector_load %arg9[%swap3A_772] {strides = array<i32>} : memref<64xf32, #tpu.memory_space<vmem>>, vector<16xf32>,
      tpu.vector_store %arg9[%swap3A_772], %max3A_766 {strides = array<i32>} : memref<64xf32, #tpu.memory_space<vmem>>, vector<16xf32>,
      %swap3A_774 = arith.constant 0 : index
      %swap3A_775 = tpu.vector_load %arg10[%swap3A_774] {strides = array<i32>} : memref<64xf32, #tpu.memory_space<vmem>>, vector<16xf32>,
      tpu.vector_store %arg10[%swap3A_774], %add3A_771 {strides = array<i32>} : memref<64xf32, #tpu.memory_space<vmem>>, vector<16xf32>,
      %get3A_776 = arith.constant 16 : index
      %get3A_777 = tpu.vector_load %arg8[%get3A_776] {strides = array<i32>} : memref<1024xf32, #tpu.memory_space<vmem>>, vector<16xf32>,
      %max3A_778 = arith.maximumf %broadcast_in_dim3A_4, %get3A_777 : vector<16xf32>
      %gt3A_779 = arith.cmpf ogt, %get3A_777, %broadcast_in_dim3A_4 : vector<16xf32>
      %get3A_780 = arith.constant 16 : index
      %get3A_781 = tpu.vector_load %arg14[%get3A_780] {strides = array<i32>} : memref<1024xf32, #tpu.memory_space<vmem>>, vector<16xf32>,
      %select_n3A_782 = arith.select %gt3A_779, %get3A_781, %broadcast_in_dim3A_6 : vector<16xi1>, vector<16xf32>
      %add3A_783 = arith.addf %broadcast_in_dim3A_6, %select_n3A_782 : vector<16xf32>
      %get3A_784 = arith.constant 80 : index
      %get3A_785 = tpu.vector_load %arg8[%get3A_784] {strides = array<i32>} : memref<1024xf32, #tpu.memory_space<vmem>>, vector<16xf32>,
      %max3A_786 = arith.maximumf %max3A_778, %get3A_785 : vector<16xf32>
      %gt3A_787 = arith.cmpf ogt, %get3A_785, %broadcast_in_dim3A_4 : vector<16xf32>
      %get3A_788 = arith.constant 80 : index
      %get3A_789 = tpu.vector_load %arg14[%get3A_788] {strides = array<i32>} : memref<1024xf32, #tpu.memory_space<vmem>>, vector<16xf32>,
      %select_n3A_790 = arith.select %gt3A_787, %get3A_789, %broadcast_in_dim3A_6 : vector<16xi1>, vector<16xf32>
      %add3A_791 = arith.addf %add3A_783, %select_n3A_790 : vector<16xf32>
      %get3A_792 = arith.constant 144 : index
      %get3A_793 = tpu.vector_load %arg8[%get3A_792] {strides = array<i32>} : memref<1024xf32, #tpu.memory_space<vmem>>, vector<16xf32>,
      %max3A_794 = arith.maximumf %max3A_786, %get3A_793 : vector<16xf32>
      %gt3A_795 = arith.cmpf ogt, %get3A_793, %broadcast_in_dim3A_4 : vector<16xf32>
      %get3A_796 = arith.constant 144 : index
      %get3A_797 = tpu.vector_load %arg14[%get3A_796] {strides = array<i32>} : memref<1024xf32, #tpu.memory_space<vmem>>, vector<16xf32>,
      %select_n3A_798 = arith.select %gt3A_795, %get3A_797, %broadcast_in_dim3A_6 : vector<16xi1>, vector<16xf32>
      %add3A_799 = arith.addf %add3A_791, %select_n3A_798 : vector<16xf32>
      %get3A_800 = arith.constant 208 : index
      %get3A_801 = tpu.vector_load %arg8[%get3A_800] {strides = array<i32>} : memref<1024xf32, #tpu.memory_space<vmem>>, vector<16xf32>,
      %max3A_802 = arith.maximumf %max3A_794, %get3A_801 : vector<16xf32>
      %gt3A_803 = arith.cmpf ogt, %get3A_801, %broadcast_in_dim3A_4 : vector<16xf32>
      %get3A_804 = arith.constant 208 : index
      %get3A_805 = tpu.vector_load %arg14[%get3A_804] {strides = array<i32>} : memref<1024xf32, #tpu.memory_space<vmem>>, vector<16xf32>,
      %select_n3A_806 = arith.select %gt3A_803, %get3A_805, %broadcast_in_dim3A_6 : vector<16xi1>, vector<16xf32>
      %add3A_807 = arith.addf %add3A_799, %select_n3A_806 : vector<16xf32>
      %get3A_808 = arith.constant 272 : index
      %get3A_809 = tpu.vector_load %arg8[%get3A_808] {strides = array<i32>} : memref<1024xf32, #tpu.memory_space<vmem>>, vector<16xf32>,
      %max3A_810 = arith.maximumf %max3A_802, %get3A_809 : vector<16xf32>
      %gt3A_811 = arith.cmpf ogt, %get3A_809, %broadcast_in_dim3A_4 : vector<16xf32>
      %get3A_812 = arith.constant 272 : index
      %get3A_813 = tpu.vector_load %arg14[%get3A_812] {strides = array<i32>} : memref<1024xf32, #tpu.memory_space<vmem>>, vector<16xf32>,
      %select_n3A_814 = arith.select %gt3A_811, %get3A_813, %broadcast_in_dim3A_6 : vector<16xi1>, vector<16xf32>
      %add3A_815 = arith.addf %add3A_807, %select_n3A_814 : vector<16xf32>
      %get3A_816 = arith.constant 336 : index
      %get3A_817 = tpu.vector_load %arg8[%get3A_816] {strides = array<i32>} : memref<1024xf32, #tpu.memory_space<vmem>>, vector<16xf32>,
      %max3A_818 = arith.maximumf %max3A_810, %get3A_817 : vector<16xf32>
      %gt3A_819 = arith.cmpf ogt, %get3A_817, %broadcast_in_dim3A_4 : vector<16xf32>
      %get3A_820 = arith.constant 336 : index
      %get3A_821 = tpu.vector_load %arg14[%get3A_820] {strides = array<i32>} : memref<1024xf32, #tpu.memory_space<vmem>>, vector<16xf32>,
      %select_n3A_822 = arith.select %gt3A_819, %get3A_821, %broadcast_in_dim3A_6 : vector<16xi1>, vector<16xf32>
      %add3A_823 = arith.addf %add3A_815, %select_n3A_822 : vector<16xf32>
      %get3A_824 = arith.constant 400 : index
      %get3A_825 = tpu.vector_load %arg8[%get3A_824] {strides = array<i32>} : memref<1024xf32, #tpu.memory_space<vmem>>, vector<16xf32>,
      %max3A_826 = arith.maximumf %max3A_818, %get3A_825 : vector<16xf32>
      %gt3A_827 = arith.cmpf ogt, %get3A_825, %broadcast_in_dim3A_4 : vector<16xf32>
      %get3A_828 = arith.constant 400 : index
      %get3A_829 = tpu.vector_load %arg14[%get3A_828] {strides = array<i32>} : memref<1024xf32, #tpu.memory_space<vmem>>, vector<16xf32>,
      %select_n3A_830 = arith.select %gt3A_827, %get3A_829, %broadcast_in_dim3A_6 : vector<16xi1>, vector<16xf32>
      %add3A_831 = arith.addf %add3A_823, %select_n3A_830 : vector<16xf32>
      %get3A_832 = arith.constant 464 : index
      %get3A_833 = tpu.vector_load %arg8[%get3A_832] {strides = array<i32>} : memref<1024xf32, #tpu.memory_space<vmem>>, vector<16xf32>,
      %max3A_834 = arith.maximumf %max3A_826, %get3A_833 : vector<16xf32>
      %gt3A_835 = arith.cmpf ogt, %get3A_833, %broadcast_in_dim3A_4 : vector<16xf32>
      %get3A_836 = arith.constant 464 : index
      %get3A_837 = tpu.vector_load %arg14[%get3A_836] {strides = array<i32>} : memref<1024xf32, #tpu.memory_space<vmem>>, vector<16xf32>,
      %select_n3A_838 = arith.select %gt3A_835, %get3A_837, %broadcast_in_dim3A_6 : vector<16xi1>, vector<16xf32>
      %add3A_839 = arith.addf %add3A_831, %select_n3A_838 : vector<16xf32>
      %get3A_840 = arith.constant 528 : index
      %get3A_841 = tpu.vector_load %arg8[%get3A_840] {strides = array<i32>} : memref<1024xf32, #tpu.memory_space<vmem>>, vector<16xf32>,
      %max3A_842 = arith.maximumf %max3A_834, %get3A_841 : vector<16xf32>
      %gt3A_843 = arith.cmpf ogt, %get3A_841, %broadcast_in_dim3A_4 : vector<16xf32>
      %get3A_844 = arith.constant 528 : index
      %get3A_845 = tpu.vector_load %arg14[%get3A_844] {strides = array<i32>} : memref<1024xf32, #tpu.memory_space<vmem>>, vector<16xf32>,
      %select_n3A_846 = arith.select %gt3A_843, %get3A_845, %broadcast_in_dim3A_6 : vector<16xi1>, vector<16xf32>
      %add3A_847 = arith.addf %add3A_839, %select_n3A_846 : vector<16xf32>
      %get3A_848 = arith.constant 592 : index
      %get3A_849 = tpu.vector_load %arg8[%get3A_848] {strides = array<i32>} : memref<1024xf32, #tpu.memory_space<vmem>>, vector<16xf32>,
      %max3A_850 = arith.maximumf %max3A_842, %get3A_849 : vector<16xf32>
      %gt3A_851 = arith.cmpf ogt, %get3A_849, %broadcast_in_dim3A_4 : vector<16xf32>
      %get3A_852 = arith.constant 592 : index
      %get3A_853 = tpu.vector_load %arg14[%get3A_852] {strides = array<i32>} : memref<1024xf32, #tpu.memory_space<vmem>>, vector<16xf32>,
      %select_n3A_854 = arith.select %gt3A_851, %get3A_853, %broadcast_in_dim3A_6 : vector<16xi1>, vector<16xf32>
      %add3A_855 = arith.addf %add3A_847, %select_n3A_854 : vector<16xf32>
      %get3A_856 = arith.constant 656 : index
      %get3A_857 = tpu.vector_load %arg8[%get3A_856] {strides = array<i32>} : memref<1024xf32, #tpu.memory_space<vmem>>, vector<16xf32>,
      %max3A_858 = arith.maximumf %max3A_850, %get3A_857 : vector<16xf32>
      %gt3A_859 = arith.cmpf ogt, %get3A_857, %broadcast_in_dim3A_4 : vector<16xf32>
      %get3A_860 = arith.constant 656 : index
      %get3A_861 = tpu.vector_load %arg14[%get3A_860] {strides = array<i32>} : memref<1024xf32, #tpu.memory_space<vmem>>, vector<16xf32>,
      %select_n3A_862 = arith.select %gt3A_859, %get3A_861, %broadcast_in_dim3A_6 : vector<16xi1>, vector<16xf32>
      %add3A_863 = arith.addf %add3A_855, %select_n3A_862 : vector<16xf32>
      %get3A_864 = arith.constant 720 : index
      %get3A_865 = tpu.vector_load %arg8[%get3A_864] {strides = array<i32>} : memref<1024xf32, #tpu.memory_space<vmem>>, vector<16xf32>,
      %max3A_866 = arith.maximumf %max3A_858, %get3A_865 : vector<16xf32>
      %gt3A_867 = arith.cmpf ogt, %get3A_865, %broadcast_in_dim3A_4 : vector<16xf32>
      %get3A_868 = arith.constant 720 : index
      %get3A_869 = tpu.vector_load %arg14[%get3A_868] {strides = array<i32>} : memref<1024xf32, #tpu.memory_space<vmem>>, vector<16xf32>,
      %select_n3A_870 = arith.select %gt3A_867, %get3A_869, %broadcast_in_dim3A_6 : vector<16xi1>, vector<16xf32>
      %add3A_871 = arith.addf %add3A_863, %select_n3A_870 : vector<16xf32>
      %get3A_872 = arith.constant 784 : index
      %get3A_873 = tpu.vector_load %arg8[%get3A_872] {strides = array<i32>} : memref<1024xf32, #tpu.memory_space<vmem>>, vector<16xf32>,
      %max3A_874 = arith.maximumf %max3A_866, %get3A_873 : vector<16xf32>
      %gt3A_875 = arith.cmpf ogt, %get3A_873, %broadcast_in_dim3A_4 : vector<16xf32>
      %get3A_876 = arith.constant 784 : index
      %get3A_877 = tpu.vector_load %arg14[%get3A_876] {strides = array<i32>} : memref<1024xf32, #tpu.memory_space<vmem>>, vector<16xf32>,
      %select_n3A_878 = arith.select %gt3A_875, %get3A_877, %broadcast_in_dim3A_6 : vector<16xi1>, vector<16xf32>
      %add3A_879 = arith.addf %add3A_871, %select_n3A_878 : vector<16xf32>
      %get3A_880 = arith.constant 848 : index
      %get3A_881 = tpu.vector_load %arg8[%get3A_880] {strides = array<i32>} : memref<1024xf32, #tpu.memory_space<vmem>>, vector<16xf32>,
      %max3A_882 = arith.maximumf %max3A_874, %get3A_881 : vector<16xf32>
      %gt3A_883 = arith.cmpf ogt, %get3A_881, %broadcast_in_dim3A_4 : vector<16xf32>
      %get3A_884 = arith.constant 848 : index
      %get3A_885 = tpu.vector_load %arg14[%get3A_884] {strides = array<i32>} : memref<1024xf32, #tpu.memory_space<vmem>>, vector<16xf32>,
      %select_n3A_886 = arith.select %gt3A_883, %get3A_885, %broadcast_in_dim3A_6 : vector<16xi1>, vector<16xf32>
      %add3A_887 = arith.addf %add3A_879, %select_n3A_886 : vector<16xf32>
      %get3A_888 = arith.constant 912 : index
      %get3A_889 = tpu.vector_load %arg8[%get3A_888] {strides = array<i32>} : memref<1024xf32, #tpu.memory_space<vmem>>, vector<16xf32>,
      %max3A_890 = arith.maximumf %max3A_882, %get3A_889 : vector<16xf32>
      %gt3A_891 = arith.cmpf ogt, %get3A_889, %broadcast_in_dim3A_4 : vector<16xf32>
      %get3A_892 = arith.constant 912 : index
      %get3A_893 = tpu.vector_load %arg14[%get3A_892] {strides = array<i32>} : memref<1024xf32, #tpu.memory_space<vmem>>, vector<16xf32>,
      %select_n3A_894 = arith.select %gt3A_891, %get3A_893, %broadcast_in_dim3A_6 : vector<16xi1>, vector<16xf32>
      %add3A_895 = arith.addf %add3A_887, %select_n3A_894 : vector<16xf32>
      %get3A_896 = arith.constant 976 : index
      %get3A_897 = tpu.vector_load %arg8[%get3A_896] {strides = array<i32>} : memref<1024xf32, #tpu.memory_space<vmem>>, vector<16xf32>,
      %max3A_898 = arith.maximumf %max3A_890, %get3A_897 : vector<16xf32>
      %gt3A_899 = arith.cmpf ogt, %get3A_897, %broadcast_in_dim3A_4 : vector<16xf32>
      %get3A_900 = arith.constant 976 : index
      %get3A_901 = tpu.vector_load %arg14[%get3A_900] {strides = array<i32>} : memref<1024xf32, #tpu.memory_space<vmem>>, vector<16xf32>,
      %select_n3A_902 = arith.select %gt3A_899, %get3A_901, %broadcast_in_dim3A_6 : vector<16xi1>, vector<16xf32>
      %add3A_903 = arith.addf %add3A_895, %select_n3A_902 : vector<16xf32>
      %swap3A_904 = arith.constant 16 : index
      %swap3A_905 = tpu.vector_load %arg9[%swap3A_904] {strides = array<i32>} : memref<64xf32, #tpu.memory_space<vmem>>, vector<16xf32>,
      tpu.vector_store %arg9[%swap3A_904], %max3A_898 {strides = array<i32>} : memref<64xf32, #tpu.memory_space<vmem>>, vector<16xf32>,
      %swap3A_906 = arith.constant 16 : index
      %swap3A_907 = tpu.vector_load %arg10[%swap3A_906] {strides = array<i32>} : memref<64xf32, #tpu.memory_space<vmem>>, vector<16xf32>,
      tpu.vector_store %arg10[%swap3A_906], %add3A_903 {strides = array<i32>} : memref<64xf32, #tpu.memory_space<vmem>>, vector<16xf32>,
      %get3A_908 = arith.constant 32 : index
      %get3A_909 = tpu.vector_load %arg8[%get3A_908] {strides = array<i32>} : memref<1024xf32, #tpu.memory_space<vmem>>, vector<16xf32>,
      %max3A_910 = arith.maximumf %broadcast_in_dim3A_4, %get3A_909 : vector<16xf32>
      %gt3A_911 = arith.cmpf ogt, %get3A_909, %broadcast_in_dim3A_4 : vector<16xf32>
      %get3A_912 = arith.constant 32 : index
      %get3A_913 = tpu.vector_load %arg14[%get3A_912] {strides = array<i32>} : memref<1024xf32, #tpu.memory_space<vmem>>, vector<16xf32>,
      %select_n3A_914 = arith.select %gt3A_911, %get3A_913, %broadcast_in_dim3A_6 : vector<16xi1>, vector<16xf32>
      %add3A_915 = arith.addf %broadcast_in_dim3A_6, %select_n3A_914 : vector<16xf32>
      %get3A_916 = arith.constant 96 : index
      %get3A_917 = tpu.vector_load %arg8[%get3A_916] {strides = array<i32>} : memref<1024xf32, #tpu.memory_space<vmem>>, vector<16xf32>,
      %max3A_918 = arith.maximumf %max3A_910, %get3A_917 : vector<16xf32>
      %gt3A_919 = arith.cmpf ogt, %get3A_917, %broadcast_in_dim3A_4 : vector<16xf32>
      %get3A_920 = arith.constant 96 : index
      %get3A_921 = tpu.vector_load %arg14[%get3A_920] {strides = array<i32>} : memref<1024xf32, #tpu.memory_space<vmem>>, vector<16xf32>,
      %select_n3A_922 = arith.select %gt3A_919, %get3A_921, %broadcast_in_dim3A_6 : vector<16xi1>, vector<16xf32>
      %add3A_923 = arith.addf %add3A_915, %select_n3A_922 : vector<16xf32>
      %get3A_924 = arith.constant 160 : index
      %get3A_925 = tpu.vector_load %arg8[%get3A_924] {strides = array<i32>} : memref<1024xf32, #tpu.memory_space<vmem>>, vector<16xf32>,
      %max3A_926 = arith.maximumf %max3A_918, %get3A_925 : vector<16xf32>
      %gt3A_927 = arith.cmpf ogt, %get3A_925, %broadcast_in_dim3A_4 : vector<16xf32>
      %get3A_928 = arith.constant 160 : index
      %get3A_929 = tpu.vector_load %arg14[%get3A_928] {strides = array<i32>} : memref<1024xf32, #tpu.memory_space<vmem>>, vector<16xf32>,
      %select_n3A_930 = arith.select %gt3A_927, %get3A_929, %broadcast_in_dim3A_6 : vector<16xi1>, vector<16xf32>
      %add3A_931 = arith.addf %add3A_923, %select_n3A_930 : vector<16xf32>
      %get3A_932 = arith.constant 224 : index
      %get3A_933 = tpu.vector_load %arg8[%get3A_932] {strides = array<i32>} : memref<1024xf32, #tpu.memory_space<vmem>>, vector<16xf32>,
      %max3A_934 = arith.maximumf %max3A_926, %get3A_933 : vector<16xf32>
      %gt3A_935 = arith.cmpf ogt, %get3A_933, %broadcast_in_dim3A_4 : vector<16xf32>
      %get3A_936 = arith.constant 224 : index
      %get3A_937 = tpu.vector_load %arg14[%get3A_936] {strides = array<i32>} : memref<1024xf32, #tpu.memory_space<vmem>>, vector<16xf32>,
      %select_n3A_938 = arith.select %gt3A_935, %get3A_937, %broadcast_in_dim3A_6 : vector<16xi1>, vector<16xf32>
      %add3A_939 = arith.addf %add3A_931, %select_n3A_938 : vector<16xf32>
      %get3A_940 = arith.constant 288 : index
      %get3A_941 = tpu.vector_load %arg8[%get3A_940] {strides = array<i32>} : memref<1024xf32, #tpu.memory_space<vmem>>, vector<16xf32>,
      %max3A_942 = arith.maximumf %max3A_934, %get3A_941 : vector<16xf32>
      %gt3A_943 = arith.cmpf ogt, %get3A_941, %broadcast_in_dim3A_4 : vector<16xf32>
      %get3A_944 = arith.constant 288 : index
      %get3A_945 = tpu.vector_load %arg14[%get3A_944] {strides = array<i32>} : memref<1024xf32, #tpu.memory_space<vmem>>, vector<16xf32>,
      %select_n3A_946 = arith.select %gt3A_943, %get3A_945, %broadcast_in_dim3A_6 : vector<16xi1>, vector<16xf32>
      %add3A_947 = arith.addf %add3A_939, %select_n3A_946 : vector<16xf32>
      %get3A_948 = arith.constant 352 : index
      %get3A_949 = tpu.vector_load %arg8[%get3A_948] {strides = array<i32>} : memref<1024xf32, #tpu.memory_space<vmem>>, vector<16xf32>,
      %max3A_950 = arith.maximumf %max3A_942, %get3A_949 : vector<16xf32>
      %gt3A_951 = arith.cmpf ogt, %get3A_949, %broadcast_in_dim3A_4 : vector<16xf32>
      %get3A_952 = arith.constant 352 : index
      %get3A_953 = tpu.vector_load %arg14[%get3A_952] {strides = array<i32>} : memref<1024xf32, #tpu.memory_space<vmem>>, vector<16xf32>,
      %select_n3A_954 = arith.select %gt3A_951, %get3A_953, %broadcast_in_dim3A_6 : vector<16xi1>, vector<16xf32>
      %add3A_955 = arith.addf %add3A_947, %select_n3A_954 : vector<16xf32>
      %get3A_956 = arith.constant 416 : index
      %get3A_957 = tpu.vector_load %arg8[%get3A_956] {strides = array<i32>} : memref<1024xf32, #tpu.memory_space<vmem>>, vector<16xf32>,
      %max3A_958 = arith.maximumf %max3A_950, %get3A_957 : vector<16xf32>
      %gt3A_959 = arith.cmpf ogt, %get3A_957, %broadcast_in_dim3A_4 : vector<16xf32>
      %get3A_960 = arith.constant 416 : index
      %get3A_961 = tpu.vector_load %arg14[%get3A_960] {strides = array<i32>} : memref<1024xf32, #tpu.memory_space<vmem>>, vector<16xf32>,
      %select_n3A_962 = arith.select %gt3A_959, %get3A_961, %broadcast_in_dim3A_6 : vector<16xi1>, vector<16xf32>
      %add3A_963 = arith.addf %add3A_955, %select_n3A_962 : vector<16xf32>
      %get3A_964 = arith.constant 480 : index
      %get3A_965 = tpu.vector_load %arg8[%get3A_964] {strides = array<i32>} : memref<1024xf32, #tpu.memory_space<vmem>>, vector<16xf32>,
      %max3A_966 = arith.maximumf %max3A_958, %get3A_965 : vector<16xf32>
      %gt3A_967 = arith.cmpf ogt, %get3A_965, %broadcast_in_dim3A_4 : vector<16xf32>
      %get3A_968 = arith.constant 480 : index
      %get3A_969 = tpu.vector_load %arg14[%get3A_968] {strides = array<i32>} : memref<1024xf32, #tpu.memory_space<vmem>>, vector<16xf32>,
      %select_n3A_970 = arith.select %gt3A_967, %get3A_969, %broadcast_in_dim3A_6 : vector<16xi1>, vector<16xf32>
      %add3A_971 = arith.addf %add3A_963, %select_n3A_970 : vector<16xf32>
      %get3A_972 = arith.constant 544 : index
      %get3A_973 = tpu.vector_load %arg8[%get3A_972] {strides = array<i32>} : memref<1024xf32, #tpu.memory_space<vmem>>, vector<16xf32>,
      %max3A_974 = arith.maximumf %max3A_966, %get3A_973 : vector<16xf32>
      %gt3A_975 = arith.cmpf ogt, %get3A_973, %broadcast_in_dim3A_4 : vector<16xf32>
      %get3A_976 = arith.constant 544 : index
      %get3A_977 = tpu.vector_load %arg14[%get3A_976] {strides = array<i32>} : memref<1024xf32, #tpu.memory_space<vmem>>, vector<16xf32>,
      %select_n3A_978 = arith.select %gt3A_975, %get3A_977, %broadcast_in_dim3A_6 : vector<16xi1>, vector<16xf32>
      %add3A_979 = arith.addf %add3A_971, %select_n3A_978 : vector<16xf32>
      %get3A_980 = arith.constant 608 : index
      %get3A_981 = tpu.vector_load %arg8[%get3A_980] {strides = array<i32>} : memref<1024xf32, #tpu.memory_space<vmem>>, vector<16xf32>,
      %max3A_982 = arith.maximumf %max3A_974, %get3A_981 : vector<16xf32>
      %gt3A_983 = arith.cmpf ogt, %get3A_981, %broadcast_in_dim3A_4 : vector<16xf32>
      %get3A_984 = arith.constant 608 : index
      %get3A_985 = tpu.vector_load %arg14[%get3A_984] {strides = array<i32>} : memref<1024xf32, #tpu.memory_space<vmem>>, vector<16xf32>,
      %select_n3A_986 = arith.select %gt3A_983, %get3A_985, %broadcast_in_dim3A_6 : vector<16xi1>, vector<16xf32>
      %add3A_987 = arith.addf %add3A_979, %select_n3A_986 : vector<16xf32>
      %get3A_988 = arith.constant 672 : index
      %get3A_989 = tpu.vector_load %arg8[%get3A_988] {strides = array<i32>} : memref<1024xf32, #tpu.memory_space<vmem>>, vector<16xf32>,
      %max3A_990 = arith.maximumf %max3A_982, %get3A_989 : vector<16xf32>
      %gt3A_991 = arith.cmpf ogt, %get3A_989, %broadcast_in_dim3A_4 : vector<16xf32>
      %get3A_992 = arith.constant 672 : index
      %get3A_993 = tpu.vector_load %arg14[%get3A_992] {strides = array<i32>} : memref<1024xf32, #tpu.memory_space<vmem>>, vector<16xf32>,
      %select_n3A_994 = arith.select %gt3A_991, %get3A_993, %broadcast_in_dim3A_6 : vector<16xi1>, vector<16xf32>
      %add3A_995 = arith.addf %add3A_987, %select_n3A_994 : vector<16xf32>
      %get3A_996 = arith.constant 736 : index
      %get3A_997 = tpu.vector_load %arg8[%get3A_996] {strides = array<i32>} : memref<1024xf32, #tpu.memory_space<vmem>>, vector<16xf32>,
      %max3A_998 = arith.maximumf %max3A_990, %get3A_997 : vector<16xf32>
      %gt3A_999 = arith.cmpf ogt, %get3A_997, %broadcast_in_dim3A_4 : vector<16xf32>
      %get3A_1000 = arith.constant 736 : index
      %get3A_1001 = tpu.vector_load %arg14[%get3A_1000] {strides = array<i32>} : memref<1024xf32, #tpu.memory_space<vmem>>, vector<16xf32>,
      %select_n3A_1002 = arith.select %gt3A_999, %get3A_1001, %broadcast_in_dim3A_6 : vector<16xi1>, vector<16xf32>
      %add3A_1003 = arith.addf %add3A_995, %select_n3A_1002 : vector<16xf32>
      %get3A_1004 = arith.constant 800 : index
      %get3A_1005 = tpu.vector_load %arg8[%get3A_1004] {strides = array<i32>} : memref<1024xf32, #tpu.memory_space<vmem>>, vector<16xf32>,
      %max3A_1006 = arith.maximumf %max3A_998, %get3A_1005 : vector<16xf32>
      %gt3A_1007 = arith.cmpf ogt, %get3A_1005, %broadcast_in_dim3A_4 : vector<16xf32>
      %get3A_1008 = arith.constant 800 : index
      %get3A_1009 = tpu.vector_load %arg14[%get3A_1008] {strides = array<i32>} : memref<1024xf32, #tpu.memory_space<vmem>>, vector<16xf32>,
      %select_n3A_1010 = arith.select %gt3A_1007, %get3A_1009, %broadcast_in_dim3A_6 : vector<16xi1>, vector<16xf32>
      %add3A_1011 = arith.addf %add3A_1003, %select_n3A_1010 : vector<16xf32>
      %get3A_1012 = arith.constant 864 : index
      %get3A_1013 = tpu.vector_load %arg8[%get3A_1012] {strides = array<i32>} : memref<1024xf32, #tpu.memory_space<vmem>>, vector<16xf32>,
      %max3A_1014 = arith.maximumf %max3A_1006, %get3A_1013 : vector<16xf32>
      %gt3A_1015 = arith.cmpf ogt, %get3A_1013, %broadcast_in_dim3A_4 : vector<16xf32>
      %get3A_1016 = arith.constant 864 : index
      %get3A_1017 = tpu.vector_load %arg14[%get3A_1016] {strides = array<i32>} : memref<1024xf32, #tpu.memory_space<vmem>>, vector<16xf32>,
      %select_n3A_1018 = arith.select %gt3A_1015, %get3A_1017, %broadcast_in_dim3A_6 : vector<16xi1>, vector<16xf32>
      %add3A_1019 = arith.addf %add3A_1011, %select_n3A_1018 : vector<16xf32>
      %get3A_1020 = arith.constant 928 : index
      %get3A_1021 = tpu.vector_load %arg8[%get3A_1020] {strides = array<i32>} : memref<1024xf32, #tpu.memory_space<vmem>>, vector<16xf32>,
      %max3A_1022 = arith.maximumf %max3A_1014, %get3A_1021 : vector<16xf32>
      %gt3A_1023 = arith.cmpf ogt, %get3A_1021, %broadcast_in_dim3A_4 : vector<16xf32>
      %get3A_1024 = arith.constant 928 : index
      %get3A_1025 = tpu.vector_load %arg14[%get3A_1024] {strides = array<i32>} : memref<1024xf32, #tpu.memory_space<vmem>>, vector<16xf32>,
      %select_n3A_1026 = arith.select %gt3A_1023, %get3A_1025, %broadcast_in_dim3A_6 : vector<16xi1>, vector<16xf32>
      %add3A_1027 = arith.addf %add3A_1019, %select_n3A_1026 : vector<16xf32>
      %get3A_1028 = arith.constant 992 : index
      %get3A_1029 = tpu.vector_load %arg8[%get3A_1028] {strides = array<i32>} : memref<1024xf32, #tpu.memory_space<vmem>>, vector<16xf32>,
      %max3A_1030 = arith.maximumf %max3A_1022, %get3A_1029 : vector<16xf32>
      %gt3A_1031 = arith.cmpf ogt, %get3A_1029, %broadcast_in_dim3A_4 : vector<16xf32>
      %get3A_1032 = arith.constant 992 : index
      %get3A_1033 = tpu.vector_load %arg14[%get3A_1032] {strides = array<i32>} : memref<1024xf32, #tpu.memory_space<vmem>>, vector<16xf32>,
      %select_n3A_1034 = arith.select %gt3A_1031, %get3A_1033, %broadcast_in_dim3A_6 : vector<16xi1>, vector<16xf32>
      %add3A_1035 = arith.addf %add3A_1027, %select_n3A_1034 : vector<16xf32>
      %swap3A_1036 = arith.constant 32 : index
      %swap3A_1037 = tpu.vector_load %arg9[%swap3A_1036] {strides = array<i32>} : memref<64xf32, #tpu.memory_space<vmem>>, vector<16xf32>,
      tpu.vector_store %arg9[%swap3A_1036], %max3A_1030 {strides = array<i32>} : memref<64xf32, #tpu.memory_space<vmem>>, vector<16xf32>,
      %swap3A_1038 = arith.constant 32 : index
      %swap3A_1039 = tpu.vector_load %arg10[%swap3A_1038] {strides = array<i32>} : memref<64xf32, #tpu.memory_space<vmem>>, vector<16xf32>,
      tpu.vector_store %arg10[%swap3A_1038], %add3A_1035 {strides = array<i32>} : memref<64xf32, #tpu.memory_space<vmem>>, vector<16xf32>,
      %get3A_1040 = arith.constant 48 : index
      %get3A_1041 = tpu.vector_load %arg8[%get3A_1040] {strides = array<i32>} : memref<1024xf32, #tpu.memory_space<vmem>>, vector<16xf32>,
      %max3A_1042 = arith.maximumf %broadcast_in_dim3A_4, %get3A_1041 : vector<16xf32>
      %gt3A_1043 = arith.cmpf ogt, %get3A_1041, %broadcast_in_dim3A_4 : vector<16xf32>
      %get3A_1044 = arith.constant 48 : index
      %get3A_1045 = tpu.vector_load %arg14[%get3A_1044] {strides = array<i32>} : memref<1024xf32, #tpu.memory_space<vmem>>, vector<16xf32>,
      %select_n3A_1046 = arith.select %gt3A_1043, %get3A_1045, %broadcast_in_dim3A_6 : vector<16xi1>, vector<16xf32>
      %add3A_1047 = arith.addf %broadcast_in_dim3A_6, %select_n3A_1046 : vector<16xf32>
      %get3A_1048 = arith.constant 112 : index
      %get3A_1049 = tpu.vector_load %arg8[%get3A_1048] {strides = array<i32>} : memref<1024xf32, #tpu.memory_space<vmem>>, vector<16xf32>,
      %max3A_1050 = arith.maximumf %max3A_1042, %get3A_1049 : vector<16xf32>
      %gt3A_1051 = arith.cmpf ogt, %get3A_1049, %broadcast_in_dim3A_4 : vector<16xf32>
      %get3A_1052 = arith.constant 112 : index
      %get3A_1053 = tpu.vector_load %arg14[%get3A_1052] {strides = array<i32>} : memref<1024xf32, #tpu.memory_space<vmem>>, vector<16xf32>,
      %select_n3A_1054 = arith.select %gt3A_1051, %get3A_1053, %broadcast_in_dim3A_6 : vector<16xi1>, vector<16xf32>
      %add3A_1055 = arith.addf %add3A_1047, %select_n3A_1054 : vector<16xf32>
      %get3A_1056 = arith.constant 176 : index
      %get3A_1057 = tpu.vector_load %arg8[%get3A_1056] {strides = array<i32>} : memref<1024xf32, #tpu.memory_space<vmem>>, vector<16xf32>,
      %max3A_1058 = arith.maximumf %max3A_1050, %get3A_1057 : vector<16xf32>
      %gt3A_1059 = arith.cmpf ogt, %get3A_1057, %broadcast_in_dim3A_4 : vector<16xf32>
      %get3A_1060 = arith.constant 176 : index
      %get3A_1061 = tpu.vector_load %arg14[%get3A_1060] {strides = array<i32>} : memref<1024xf32, #tpu.memory_space<vmem>>, vector<16xf32>,
      %select_n3A_1062 = arith.select %gt3A_1059, %get3A_1061, %broadcast_in_dim3A_6 : vector<16xi1>, vector<16xf32>
      %add3A_1063 = arith.addf %add3A_1055, %select_n3A_1062 : vector<16xf32>
      %get3A_1064 = arith.constant 240 : index
      %get3A_1065 = tpu.vector_load %arg8[%get3A_1064] {strides = array<i32>} : memref<1024xf32, #tpu.memory_space<vmem>>, vector<16xf32>,
      %max3A_1066 = arith.maximumf %max3A_1058, %get3A_1065 : vector<16xf32>
      %gt3A_1067 = arith.cmpf ogt, %get3A_1065, %broadcast_in_dim3A_4 : vector<16xf32>
      %get3A_1068 = arith.constant 240 : index
      %get3A_1069 = tpu.vector_load %arg14[%get3A_1068] {strides = array<i32>} : memref<1024xf32, #tpu.memory_space<vmem>>, vector<16xf32>,
      %select_n3A_1070 = arith.select %gt3A_1067, %get3A_1069, %broadcast_in_dim3A_6 : vector<16xi1>, vector<16xf32>
      %add3A_1071 = arith.addf %add3A_1063, %select_n3A_1070 : vector<16xf32>
      %get3A_1072 = arith.constant 304 : index
      %get3A_1073 = tpu.vector_load %arg8[%get3A_1072] {strides = array<i32>} : memref<1024xf32, #tpu.memory_space<vmem>>, vector<16xf32>,
      %max3A_1074 = arith.maximumf %max3A_1066, %get3A_1073 : vector<16xf32>
      %gt3A_1075 = arith.cmpf ogt, %get3A_1073, %broadcast_in_dim3A_4 : vector<16xf32>
      %get3A_1076 = arith.constant 304 : index
      %get3A_1077 = tpu.vector_load %arg14[%get3A_1076] {strides = array<i32>} : memref<1024xf32, #tpu.memory_space<vmem>>, vector<16xf32>,
      %select_n3A_1078 = arith.select %gt3A_1075, %get3A_1077, %broadcast_in_dim3A_6 : vector<16xi1>, vector<16xf32>
      %add3A_1079 = arith.addf %add3A_1071, %select_n3A_1078 : vector<16xf32>
      %get3A_1080 = arith.constant 368 : index
      %get3A_1081 = tpu.vector_load %arg8[%get3A_1080] {strides = array<i32>} : memref<1024xf32, #tpu.memory_space<vmem>>, vector<16xf32>,
      %max3A_1082 = arith.maximumf %max3A_1074, %get3A_1081 : vector<16xf32>
      %gt3A_1083 = arith.cmpf ogt, %get3A_1081, %broadcast_in_dim3A_4 : vector<16xf32>
      %get3A_1084 = arith.constant 368 : index
      %get3A_1085 = tpu.vector_load %arg14[%get3A_1084] {strides = array<i32>} : memref<1024xf32, #tpu.memory_space<vmem>>, vector<16xf32>,
      %select_n3A_1086 = arith.select %gt3A_1083, %get3A_1085, %broadcast_in_dim3A_6 : vector<16xi1>, vector<16xf32>
      %add3A_1087 = arith.addf %add3A_1079, %select_n3A_1086 : vector<16xf32>
      %get3A_1088 = arith.constant 432 : index
      %get3A_1089 = tpu.vector_load %arg8[%get3A_1088] {strides = array<i32>} : memref<1024xf32, #tpu.memory_space<vmem>>, vector<16xf32>,
      %max3A_1090 = arith.maximumf %max3A_1082, %get3A_1089 : vector<16xf32>
      %gt3A_1091 = arith.cmpf ogt, %get3A_1089, %broadcast_in_dim3A_4 : vector<16xf32>
      %get3A_1092 = arith.constant 432 : index
      %get3A_1093 = tpu.vector_load %arg14[%get3A_1092] {strides = array<i32>} : memref<1024xf32, #tpu.memory_space<vmem>>, vector<16xf32>,
      %select_n3A_1094 = arith.select %gt3A_1091, %get3A_1093, %broadcast_in_dim3A_6 : vector<16xi1>, vector<16xf32>
      %add3A_1095 = arith.addf %add3A_1087, %select_n3A_1094 : vector<16xf32>
      %get3A_1096 = arith.constant 496 : index
      %get3A_1097 = tpu.vector_load %arg8[%get3A_1096] {strides = array<i32>} : memref<1024xf32, #tpu.memory_space<vmem>>, vector<16xf32>,
      %max3A_1098 = arith.maximumf %max3A_1090, %get3A_1097 : vector<16xf32>
      %gt3A_1099 = arith.cmpf ogt, %get3A_1097, %broadcast_in_dim3A_4 : vector<16xf32>
      %get3A_1100 = arith.constant 496 : index
      %get3A_1101 = tpu.vector_load %arg14[%get3A_1100] {strides = array<i32>} : memref<1024xf32, #tpu.memory_space<vmem>>, vector<16xf32>,
      %select_n3A_1102 = arith.select %gt3A_1099, %get3A_1101, %broadcast_in_dim3A_6 : vector<16xi1>, vector<16xf32>
      %add3A_1103 = arith.addf %add3A_1095, %select_n3A_1102 : vector<16xf32>
      %get3A_1104 = arith.constant 560 : index
      %get3A_1105 = tpu.vector_load %arg8[%get3A_1104] {strides = array<i32>} : memref<1024xf32, #tpu.memory_space<vmem>>, vector<16xf32>,
      %max3A_1106 = arith.maximumf %max3A_1098, %get3A_1105 : vector<16xf32>
      %gt3A_1107 = arith.cmpf ogt, %get3A_1105, %broadcast_in_dim3A_4 : vector<16xf32>
      %get3A_1108 = arith.constant 560 : index
      %get3A_1109 = tpu.vector_load %arg14[%get3A_1108] {strides = array<i32>} : memref<1024xf32, #tpu.memory_space<vmem>>, vector<16xf32>,
      %select_n3A_1110 = arith.select %gt3A_1107, %get3A_1109, %broadcast_in_dim3A_6 : vector<16xi1>, vector<16xf32>
      %add3A_1111 = arith.addf %add3A_1103, %select_n3A_1110 : vector<16xf32>
      %get3A_1112 = arith.constant 624 : index
      %get3A_1113 = tpu.vector_load %arg8[%get3A_1112] {strides = array<i32>} : memref<1024xf32, #tpu.memory_space<vmem>>, vector<16xf32>,
      %max3A_1114 = arith.maximumf %max3A_1106, %get3A_1113 : vector<16xf32>
      %gt3A_1115 = arith.cmpf ogt, %get3A_1113, %broadcast_in_dim3A_4 : vector<16xf32>
      %get3A_1116 = arith.constant 624 : index
      %get3A_1117 = tpu.vector_load %arg14[%get3A_1116] {strides = array<i32>} : memref<1024xf32, #tpu.memory_space<vmem>>, vector<16xf32>,
      %select_n3A_1118 = arith.select %gt3A_1115, %get3A_1117, %broadcast_in_dim3A_6 : vector<16xi1>, vector<16xf32>
      %add3A_1119 = arith.addf %add3A_1111, %select_n3A_1118 : vector<16xf32>
      %get3A_1120 = arith.constant 688 : index
      %get3A_1121 = tpu.vector_load %arg8[%get3A_1120] {strides = array<i32>} : memref<1024xf32, #tpu.memory_space<vmem>>, vector<16xf32>,
      %max3A_1122 = arith.maximumf %max3A_1114, %get3A_1121 : vector<16xf32>
      %gt3A_1123 = arith.cmpf ogt, %get3A_1121, %broadcast_in_dim3A_4 : vector<16xf32>
      %get3A_1124 = arith.constant 688 : index
      %get3A_1125 = tpu.vector_load %arg14[%get3A_1124] {strides = array<i32>} : memref<1024xf32, #tpu.memory_space<vmem>>, vector<16xf32>,
      %select_n3A_1126 = arith.select %gt3A_1123, %get3A_1125, %broadcast_in_dim3A_6 : vector<16xi1>, vector<16xf32>
      %add3A_1127 = arith.addf %add3A_1119, %select_n3A_1126 : vector<16xf32>
      %get3A_1128 = arith.constant 752 : index
      %get3A_1129 = tpu.vector_load %arg8[%get3A_1128] {strides = array<i32>} : memref<1024xf32, #tpu.memory_space<vmem>>, vector<16xf32>,
      %max3A_1130 = arith.maximumf %max3A_1122, %get3A_1129 : vector<16xf32>
      %gt3A_1131 = arith.cmpf ogt, %get3A_1129, %broadcast_in_dim3A_4 : vector<16xf32>
      %get3A_1132 = arith.constant 752 : index
      %get3A_1133 = tpu.vector_load %arg14[%get3A_1132] {strides = array<i32>} : memref<1024xf32, #tpu.memory_space<vmem>>, vector<16xf32>,
      %select_n3A_1134 = arith.select %gt3A_1131, %get3A_1133, %broadcast_in_dim3A_6 : vector<16xi1>, vector<16xf32>
      %add3A_1135 = arith.addf %add3A_1127, %select_n3A_1134 : vector<16xf32>
      %get3A_1136 = arith.constant 816 : index
      %get3A_1137 = tpu.vector_load %arg8[%get3A_1136] {strides = array<i32>} : memref<1024xf32, #tpu.memory_space<vmem>>, vector<16xf32>,
      %max3A_1138 = arith.maximumf %max3A_1130, %get3A_1137 : vector<16xf32>
      %gt3A_1139 = arith.cmpf ogt, %get3A_1137, %broadcast_in_dim3A_4 : vector<16xf32>
      %get3A_1140 = arith.constant 816 : index
      %get3A_1141 = tpu.vector_load %arg14[%get3A_1140] {strides = array<i32>} : memref<1024xf32, #tpu.memory_space<vmem>>, vector<16xf32>,
      %select_n3A_1142 = arith.select %gt3A_1139, %get3A_1141, %broadcast_in_dim3A_6 : vector<16xi1>, vector<16xf32>
      %add3A_1143 = arith.addf %add3A_1135, %select_n3A_1142 : vector<16xf32>
      %get3A_1144 = arith.constant 880 : index
      %get3A_1145 = tpu.vector_load %arg8[%get3A_1144] {strides = array<i32>} : memref<1024xf32, #tpu.memory_space<vmem>>, vector<16xf32>,
      %max3A_1146 = arith.maximumf %max3A_1138, %get3A_1145 : vector<16xf32>
      %gt3A_1147 = arith.cmpf ogt, %get3A_1145, %broadcast_in_dim3A_4 : vector<16xf32>
      %get3A_1148 = arith.constant 880 : index
      %get3A_1149 = tpu.vector_load %arg14[%get3A_1148] {strides = array<i32>} : memref<1024xf32, #tpu.memory_space<vmem>>, vector<16xf32>,
      %select_n3A_1150 = arith.select %gt3A_1147, %get3A_1149, %broadcast_in_dim3A_6 : vector<16xi1>, vector<16xf32>
      %add3A_1151 = arith.addf %add3A_1143, %select_n3A_1150 : vector<16xf32>
      %get3A_1152 = arith.constant 944 : index
      %get3A_1153 = tpu.vector_load %arg8[%get3A_1152] {strides = array<i32>} : memref<1024xf32, #tpu.memory_space<vmem>>, vector<16xf32>,
      %max3A_1154 = arith.maximumf %max3A_1146, %get3A_1153 : vector<16xf32>
      %gt3A_1155 = arith.cmpf ogt, %get3A_1153, %broadcast_in_dim3A_4 : vector<16xf32>
      %get3A_1156 = arith.constant 944 : index
      %get3A_1157 = tpu.vector_load %arg14[%get3A_1156] {strides = array<i32>} : memref<1024xf32, #tpu.memory_space<vmem>>, vector<16xf32>,
      %select_n3A_1158 = arith.select %gt3A_1155, %get3A_1157, %broadcast_in_dim3A_6 : vector<16xi1>, vector<16xf32>
      %add3A_1159 = arith.addf %add3A_1151, %select_n3A_1158 : vector<16xf32>
      %get3A_1160 = arith.constant 1008 : index
      %get3A_1161 = tpu.vector_load %arg8[%get3A_1160] {strides = array<i32>} : memref<1024xf32, #tpu.memory_space<vmem>>, vector<16xf32>,
      %max3A_1162 = arith.maximumf %max3A_1154, %get3A_1161 : vector<16xf32>
      %gt3A_1163 = arith.cmpf ogt, %get3A_1161, %broadcast_in_dim3A_4 : vector<16xf32>
      %get3A_1164 = arith.constant 1008 : index
      %get3A_1165 = tpu.vector_load %arg14[%get3A_1164] {strides = array<i32>} : memref<1024xf32, #tpu.memory_space<vmem>>, vector<16xf32>,
      %select_n3A_1166 = arith.select %gt3A_1163, %get3A_1165, %broadcast_in_dim3A_6 : vector<16xi1>, vector<16xf32>
      %add3A_1167 = arith.addf %add3A_1159, %select_n3A_1166 : vector<16xf32>
      %swap3A_1168 = arith.constant 48 : index
      %swap3A_1169 = tpu.vector_load %arg9[%swap3A_1168] {strides = array<i32>} : memref<64xf32, #tpu.memory_space<vmem>>, vector<16xf32>,
      tpu.vector_store %arg9[%swap3A_1168], %max3A_1162 {strides = array<i32>} : memref<64xf32, #tpu.memory_space<vmem>>, vector<16xf32>,
      %swap3A_1170 = arith.constant 48 : index
      %swap3A_1171 = tpu.vector_load %arg10[%swap3A_1170] {strides = array<i32>} : memref<64xf32, #tpu.memory_space<vmem>>, vector<16xf32>,
      tpu.vector_store %arg10[%swap3A_1170], %add3A_1167 {strides = array<i32>} : memref<64xf32, #tpu.memory_space<vmem>>, vector<16xf32>,
      %scan3A = arith.constant 0 : i32
      %scan3A_1172 = arith.constant 0 : i32
      %scan3A_1173 = arith.constant 1024 : i32
      %scan3A_1174 = arith.addi %scan3A_1172, %scan3A_1173 : i32
      %scan3A_1175 = arith.constant 1 : i32
      scf.for %scan3A_1177 = %scan3A_1172 to %scan3A_1174 step %scan3A_1175  : i32 {
        %get3A_1178 = arith.constant 0 : index
        %get3A_1179 = tpu.vector_load %arg9[%get3A_1178] {strides = array<i32>} : memref<64xf32, #tpu.memory_space<vmem>>, vector<16xf32>,
        %get3A_1180 = arith.constant 16 : index
        %get3A_1181 = tpu.vector_load %arg9[%get3A_1180] {strides = array<i32>} : memref<64xf32, #tpu.memory_space<vmem>>, vector<16xf32>,
        %get3A_1182 = arith.constant 32 : index
        %get3A_1183 = tpu.vector_load %arg9[%get3A_1182] {strides = array<i32>} : memref<64xf32, #tpu.memory_space<vmem>>, vector<16xf32>,
        %get3A_1184 = arith.constant 48 : index
        %get3A_1185 = tpu.vector_load %arg9[%get3A_1184] {strides = array<i32>} : memref<64xf32, #tpu.memory_space<vmem>>, vector<16xf32>,
        %gt3A_1186 = arith.cmpf ogt, %get3A_1181, %get3A_1179 : vector<16xf32>
        %select_n3A_1187 = arith.select %gt3A_1186, %get3A_1181, %get3A_1179 : vector<16xi1>, vector<16xf32>
        %jit3A = arith.constant 1 : i32
        %jit3A_1188 = arith.constant 0 : i32
        %broadcast_in_dim3A_1189 = vector.broadcast %jit3A : i32 to vector<16xi32>
        %broadcast_in_dim3A_1190 = vector.broadcast %jit3A_1188 : i32 to vector<16xi32>
        %select_n3A_1191 = arith.select %gt3A_1186, %broadcast_in_dim3A_1189, %broadcast_in_dim3A_1190 : vector<16xi1>, vector<16xi32>
        %gt3A_1192 = arith.cmpf ogt, %get3A_1185, %get3A_1183 : vector<16xf32>
        %select_n3A_1193 = arith.select %gt3A_1192, %get3A_1185, %get3A_1183 : vector<16xi1>, vector<16xf32>
        %jit3A_1194 = arith.constant 3 : i32
        %jit3A_1195 = arith.constant 2 : i32
        %broadcast_in_dim3A_1196 = vector.broadcast %jit3A_1194 : i32 to vector<16xi32>
        %broadcast_in_dim3A_1197 = vector.broadcast %jit3A_1195 : i32 to vector<16xi32>
        %select_n3A_1198 = arith.select %gt3A_1192, %broadcast_in_dim3A_1196, %broadcast_in_dim3A_1197 : vector<16xi1>, vector<16xi32>
        %gt3A_1199 = arith.cmpf ogt, %select_n3A_1193, %select_n3A_1187 : vector<16xf32>
        %select_n3A_1200 = arith.select %gt3A_1199, %select_n3A_1193, %select_n3A_1187 : vector<16xi1>, vector<16xf32>
        %select_n3A_1201 = arith.select %gt3A_1199, %select_n3A_1198, %select_n3A_1191 : vector<16xi1>, vector<16xi32>
        %get3A_1202 = arith.constant 0 : index
        %get3A_1203 = tpu.vector_load %arg10[%get3A_1202] {strides = array<i32>} : memref<64xf32, #tpu.memory_space<vmem>>, vector<16xf32>,
        %get3A_1204 = arith.constant 16 : index
        %get3A_1205 = tpu.vector_load %arg10[%get3A_1204] {strides = array<i32>} : memref<64xf32, #tpu.memory_space<vmem>>, vector<16xf32>,
        %add3A_1206 = arith.addf %get3A_1203, %get3A_1205 : vector<16xf32>
        %get3A_1207 = arith.constant 32 : index
        %get3A_1208 = tpu.vector_load %arg10[%get3A_1207] {strides = array<i32>} : memref<64xf32, #tpu.memory_space<vmem>>, vector<16xf32>,
        %get3A_1209 = arith.constant 48 : index
        %get3A_1210 = tpu.vector_load %arg10[%get3A_1209] {strides = array<i32>} : memref<64xf32, #tpu.memory_space<vmem>>, vector<16xf32>,
        %add3A_1211 = arith.addf %get3A_1208, %get3A_1210 : vector<16xf32>
        %add3A_1212 = arith.addf %add3A_1206, %add3A_1211 : vector<16xf32>
        %broadcast_in_dim3A_1213 = arith.constant true
        %broadcast_in_dim3A_1214 = vector.broadcast %broadcast_in_dim3A_1213 : i1 to vector<16xi1>
        %masked_cummax3A = tpu.scan <max>, %select_n3A_1200 masked %broadcast_in_dim3A_1214 : vector<16xf32>, vector<16xi1> -> vector<16xf32>
        %broadcast_in_dim3A_1215 = arith.constant 15 : i32
        %broadcast_in_dim3A_1216 = vector.broadcast %broadcast_in_dim3A_1215 : i32 to vector<16xi32>
        %lt3A = arith.constant 0 : i32
        %lt3A_1217 = vector.broadcast %lt3A : i32 to vector<16xi32>
        %lt3A_1218 = arith.cmpi slt, %broadcast_in_dim3A_1216, %lt3A_1217 : vector<16xi32>
        %add3A_1219 = arith.constant 16 : i32
        %add3A_1220 = vector.broadcast %add3A_1219 : i32 to vector<16xi32>
        %add3A_1221 = arith.addi %broadcast_in_dim3A_1216, %add3A_1220 : vector<16xi32>
        %select_n3A_1222 = arith.select %lt3A_1218, %add3A_1221, %broadcast_in_dim3A_1216 : vector<16xi1>, vector<16xi32>
        %broadcast_in_dim3A_1223 = vector.shape_cast %select_n3A_1222 : vector<16xi32> to vector<16x1xi32>
        %gather3A = vector.shape_cast %broadcast_in_dim3A_1223 : vector<16x1xi32> to vector<16xi32>
        %gather3A_1224 = tpu.dynamic_gather %masked_cummax3A[%gather3A] in [0] : vector<16xf32>, vector<16xi32> -> vector<16xf32>
        %eq3A_1225 = arith.cmpf oeq, %select_n3A_1200, %gather3A_1224 : vector<16xf32>
        %all_reduce_ffs3A = tpu.all_reduce %eq3A_1225 {dim = 0 : i64, kind = #tpu.reduction_kind<find_first_set>} : vector<16xi1> -> vector<16xi32>
        %lt3A_1226 = arith.constant 0 : i32
        %lt3A_1227 = vector.broadcast %lt3A_1226 : i32 to vector<16xi32>
        %lt3A_1228 = arith.cmpi slt, %all_reduce_ffs3A, %lt3A_1227 : vector<16xi32>
        %add3A_1229 = arith.constant 16 : i32
        %add3A_1230 = vector.broadcast %add3A_1229 : i32 to vector<16xi32>
        %add3A_1231 = arith.addi %all_reduce_ffs3A, %add3A_1230 : vector<16xi32>
        %select_n3A_1232 = arith.select %lt3A_1228, %add3A_1231, %all_reduce_ffs3A : vector<16xi1>, vector<16xi32>
        %broadcast_in_dim3A_1233 = vector.shape_cast %select_n3A_1232 : vector<16xi32> to vector<16x1xi32>
        %gather3A_1234 = vector.shape_cast %broadcast_in_dim3A_1233 : vector<16x1xi32> to vector<16xi32>
        %gather3A_1235 = tpu.dynamic_gather %select_n3A_1201[%gather3A_1234] in [0] : vector<16xi32>, vector<16xi32> -> vector<16xi32>
        %mul3A = arith.constant 16 : i32
        %mul3A_1236 = vector.broadcast %mul3A : i32 to vector<16xi32>
        %mul3A_1237 = arith.muli %gather3A_1235, %mul3A_1236 : vector<16xi32>
        %add3A_1238 = arith.addi %mul3A_1237, %all_reduce_ffs3A : vector<16xi32>
        %mul3A_1239 = arith.constant 64 : i32
        %mul3A_1240 = vector.broadcast %mul3A_1239 : i32 to vector<16xi32>
        %mul3A_1241 = arith.muli %mul3A_1240, %iota3A : vector<16xi32>
        %add3A_1242 = arith.addi %add3A_1238, %mul3A_1241 : vector<16xi32>
        %gather3A_1243 = tpu.vector_load_idx %arg8[%add3A_1242] : memref<1024xf32, #tpu.memory_space<vmem>>[vector<16xi32>], vector<16xf32>,
        %eq3A_1244 = arith.cmpf oeq, %gather3A_1243, %gather3A_1224 : vector<16xf32>
        %all_reduce_ffs3A_1245 = tpu.all_reduce %eq3A_1244 {dim = 0 : i64, kind = #tpu.reduction_kind<find_first_set>} : vector<16xi1> -> vector<16xi32>
        %mul3A_1246 = arith.constant 64 : i32
        %mul3A_1247 = vector.broadcast %mul3A_1246 : i32 to vector<16xi32>
        %mul3A_1248 = arith.muli %mul3A_1247, %all_reduce_ffs3A_1245 : vector<16xi32>
        %add3A_1249 = arith.addi %add3A_1238, %mul3A_1248 : vector<16xi32>
        %mul3A_1250 = arith.constant 16 : i32
        %mul3A_1251 = vector.broadcast %mul3A_1250 : i32 to vector<16xi32>
        %mul3A_1252 = arith.muli %add3A_1249, %mul3A_1251 : vector<16xi32>
        %add3A_1253 = arith.addi %mul3A_1252, %iota3A : vector<16xi32>
        tpu.vector_store_idx %arg16[%add3A_1253], %add3A_1212 : memref<16384xf32, #tpu.memory_space<vmem>>[vector<16xi32>], vector<16xf32>,
        tpu.vector_store_idx %arg8[%add3A_1249], %broadcast_in_dim3A_4 masked %eq3A_9 : memref<1024xf32, #tpu.memory_space<vmem>>[vector<16xi32>], vector<16xf32>, vector<16xi1>
        %eq3A_1254 = arith.cmpi eq, %iota3A, %all_reduce_ffs3A_1245 : vector<16xi32>
        %select_n3A_1255 = arith.select %eq3A_1254, %broadcast_in_dim3A_4, %gather3A_1243 : vector<16xi1>, vector<16xf32>
        %broadcast_in_dim3A_1256 = arith.constant true
        %broadcast_in_dim3A_1257 = vector.broadcast %broadcast_in_dim3A_1256 : i1 to vector<16xi1>
        %masked_cummax3A_1258 = tpu.scan <max>, %select_n3A_1255 masked %broadcast_in_dim3A_1257 : vector<16xf32>, vector<16xi1> -> vector<16xf32>
        %broadcast_in_dim3A_1259 = arith.constant 15 : i32
        %broadcast_in_dim3A_1260 = vector.broadcast %broadcast_in_dim3A_1259 : i32 to vector<16xi32>
        %lt3A_1261 = arith.constant 0 : i32
        %lt3A_1262 = vector.broadcast %lt3A_1261 : i32 to vector<16xi32>
        %lt3A_1263 = arith.cmpi slt, %broadcast_in_dim3A_1260, %lt3A_1262 : vector<16xi32>
        %add3A_1264 = arith.constant 16 : i32
        %add3A_1265 = vector.broadcast %add3A_1264 : i32 to vector<16xi32>
        %add3A_1266 = arith.addi %broadcast_in_dim3A_1260, %add3A_1265 : vector<16xi32>
        %select_n3A_1267 = arith.select %lt3A_1263, %add3A_1266, %broadcast_in_dim3A_1260 : vector<16xi1>, vector<16xi32>
        %broadcast_in_dim3A_1268 = vector.shape_cast %select_n3A_1267 : vector<16xi32> to vector<16x1xi32>
        %gather3A_1269 = vector.shape_cast %broadcast_in_dim3A_1268 : vector<16x1xi32> to vector<16xi32>
        %gather3A_1270 = tpu.dynamic_gather %masked_cummax3A_1258[%gather3A_1269] in [0] : vector<16xf32>, vector<16xi32> -> vector<16xf32>
        tpu.vector_store_idx %arg9[%add3A_1238], %gather3A_1270 masked %eq3A_9 : memref<64xf32, #tpu.memory_space<vmem>>[vector<16xi32>], vector<16xf32>, vector<16xi1>
        %gather3A_1271 = tpu.vector_load_idx %arg14[%add3A_1249] : memref<1024xf32, #tpu.memory_space<vmem>>[vector<16xi32>], vector<16xf32>,
        %neg3A = arith.constant 0.000000e+00 : f32
        %neg3A_1272 = vector.broadcast %neg3A : f32 to vector<16xf32>
        %neg3A_1273 = arith.subf %neg3A_1272, %gather3A_1271 : vector<16xf32>
        tpu.vector_store_idx %arg10[%add3A_1238], %neg3A_1273 masked %eq3A_9 {add = true} : memref<64xf32, #tpu.memory_space<vmem>>[vector<16xi32>], vector<16xf32>, vector<16xi1>
        %gather3A_1274 = tpu.vector_load_idx %arg12[%iota3A, %add3A_1249] : memref<32x1024xi32, #tpu.memory_space<vmem>>[vector<16xi32>, vector<16xi32>], vector<16xi32>,
        %add3A_1275 = arith.constant 16 : i32
        %add3A_1276 = vector.broadcast %add3A_1275 : i32 to vector<16xi32>
        %add3A_1277 = arith.addi %iota3A, %add3A_1276 : vector<16xi32>
        %gather3A_1278 = tpu.vector_load_idx %arg12[%add3A_1277, %add3A_1249] : memref<32x1024xi32, #tpu.memory_space<vmem>>[vector<16xi32>, vector<16xi32>], vector<16xi32>,
        %gather3A_1279 = tpu.vector_load_idx %arg15[%add3A_1249] : memref<1024xi32, #tpu.memory_space<vmem>>[vector<16xi32>], vector<16xi32>,
        %reduce_max3A = arith.constant true
        %reduce_max3A_1280 = vector.broadcast %reduce_max3A : i1 to vector<16xi1>
        %reduce_max3A_1281 = arith.constant -2147483648 : i32
        %reduce_max3A_1282 = vector.broadcast %reduce_max3A_1281 : i32 to vector<16xi32>
        %reduce_max3A_1283 = arith.xori %gather3A_1279, %reduce_max3A_1282 : vector<16xi32>
        %reduce_max3A_1284 = tpu.scan <max>, %reduce_max3A_1283 masked %reduce_max3A_1280 : vector<16xi32>, vector<16xi1> -> vector<16xi32>
        %reduce_max3A_1285 = arith.xori %reduce_max3A_1284, %reduce_max3A_1282 : vector<16xi32>
        %reduce_max3A_1286 = vector.extract %reduce_max3A_1285[15] : i32 from vector<16xi32>
        %add3A_1287 = arith.constant 16 : i32
        %add3A_1288 = vector.broadcast %add3A_1287 : i32 to vector<16xi32>
        %add3A_1289 = arith.addi %iota3A, %add3A_1288 : vector<16xi32>
        %ne3A = arith.constant 0 : i32
        %ne3A_1290 = vector.broadcast %ne3A : i32 to vector<16xi32>
        %ne3A_1291 = arith.cmpi ne, %gather3A_1274, %ne3A_1290 : vector<16xi32>
        %neg3A_1292 = arith.constant 0 : i32
        %neg3A_1293 = vector.broadcast %neg3A_1292 : i32 to vector<16xi32>
        %neg3A_1294 = arith.subi %neg3A_1293, %gather3A_1274 : vector<16xi32>
        %and3A_1295 = arith.andi %gather3A_1274, %neg3A_1294 : vector<16xi32>
        %convert_element_type3A_1296 = arith.sitofp %and3A_1295 : vector<16xi32> to vector<16xf32>
        %bitcast_convert_type3A = tpu.bitcast %convert_element_type3A_1296 : vector<16xf32> -> vector<16xi32>
        %shift_right_arithmetic3A = arith.constant 23 : i32
        %shift_right_arithmetic3A_1297 = vector.broadcast %shift_right_arithmetic3A : i32 to vector<16xi32>
        %shift_right_arithmetic3A_1298 = arith.shrsi %bitcast_convert_type3A, %shift_right_arithmetic3A_1297 : vector<16xi32>
        %and3A_1299 = arith.constant 255 : i32
        %and3A_1300 = vector.broadcast %and3A_1299 : i32 to vector<16xi32>
        %and3A_1301 = arith.andi %shift_right_arithmetic3A_1298, %and3A_1300 : vector<16xi32>
        %sub3A = arith.constant 127 : i32
        %sub3A_1302 = vector.broadcast %sub3A : i32 to vector<16xi32>
        %sub3A_1303 = arith.subi %and3A_1301, %sub3A_1302 : vector<16xi32>
        %mul3A_1304 = arith.constant 32 : i32
        %mul3A_1305 = vector.broadcast %mul3A_1304 : i32 to vector<16xi32>
        %mul3A_1306 = arith.muli %sub3A_1303, %mul3A_1305 : vector<16xi32>
        %add3A_1307 = arith.addi %mul3A_1306, %iota3A : vector<16xi32>
        %jit3A_1308 = arith.constant 0 : i32
        %broadcast_in_dim3A_1309 = vector.broadcast %jit3A_1308 : i32 to vector<16xi32>
        %select_n3A_1310 = arith.select %ne3A_1291, %add3A_1307, %broadcast_in_dim3A_1309 : vector<16xi1>, vector<16xi32>
        %and3A_1311 = arith.constant 63 : i32
        %and3A_1312 = vector.broadcast %and3A_1311 : i32 to vector<16xi32>
        %and3A_1313 = arith.andi %select_n3A_1310, %and3A_1312 : vector<16xi32>
        %gather3A_1314 = tpu.vector_load_idx %arg13[%select_n3A_1310] masked %ne3A_1291 : memref<1024xf32, #tpu.memory_space<vmem>>[vector<16xi32>], vector<16xf32>, vector<16xi1>
        %gather3A_1315 = tpu.vector_load_idx %arg14[%select_n3A_1310] masked %ne3A_1291 : memref<1024xf32, #tpu.memory_space<vmem>>[vector<16xi32>], vector<16xf32>, vector<16xi1>
        %gather3A_1316 = tpu.vector_load_idx %arg9[%and3A_1313] masked %ne3A_1291 : memref<64xf32, #tpu.memory_space<vmem>>[vector<16xi32>], vector<16xf32>, vector<16xi1>
        %gather3A_1317 = tpu.vector_load_idx %arg11[%select_n3A_1310] masked %ne3A_1291 : memref<1024xi32, #tpu.memory_space<vmem>>[vector<16xi32>], vector<16xi32>, vector<16xi1>
        %sub3A_1318 = arith.constant 1 : i32
        %sub3A_1319 = vector.broadcast %sub3A_1318 : i32 to vector<16xi32>
        %sub3A_1320 = arith.subi %gather3A_1317, %sub3A_1319 : vector<16xi32>
        tpu.vector_store_idx %arg11[%select_n3A_1310], %sub3A_1320 masked %ne3A_1291 : memref<1024xi32, #tpu.memory_space<vmem>>[vector<16xi32>], vector<16xi32>, vector<16xi1>
        %eq3A_1321 = arith.constant 0 : i32
        %eq3A_1322 = vector.broadcast %eq3A_1321 : i32 to vector<16xi32>
        %eq3A_1323 = arith.cmpi eq, %sub3A_1320, %eq3A_1322 : vector<16xi32>
        %and3A_1324 = arith.andi %ne3A_1291, %eq3A_1323 : vector<16xi1>
        tpu.vector_store_idx %arg8[%select_n3A_1310], %gather3A_1314 masked %and3A_1324 : memref<1024xf32, #tpu.memory_space<vmem>>[vector<16xi32>], vector<16xf32>, vector<16xi1>
        %max3A_1325 = arith.maximumf %gather3A_1316, %gather3A_1314 : vector<16xf32>
        tpu.vector_store_idx %arg9[%and3A_1313], %max3A_1325 masked %and3A_1324 : memref<64xf32, #tpu.memory_space<vmem>>[vector<16xi32>], vector<16xf32>, vector<16xi1>
        tpu.vector_store_idx %arg10[%and3A_1313], %gather3A_1315 masked %and3A_1324 {add = true} : memref<64xf32, #tpu.memory_space<vmem>>[vector<16xi32>], vector<16xf32>, vector<16xi1>
        %sub3A_1326 = arith.constant 1 : i32
        %sub3A_1327 = vector.broadcast %sub3A_1326 : i32 to vector<16xi32>
        %sub3A_1328 = arith.subi %gather3A_1274, %sub3A_1327 : vector<16xi32>
        %and3A_1329 = arith.andi %gather3A_1274, %sub3A_1328 : vector<16xi32>
        %ne3A_1330 = arith.constant 0 : i32
        %ne3A_1331 = vector.broadcast %ne3A_1330 : i32 to vector<16xi32>
        %ne3A_1332 = arith.cmpi ne, %gather3A_1278, %ne3A_1331 : vector<16xi32>
        %neg3A_1333 = arith.constant 0 : i32
        %neg3A_1334 = vector.broadcast %neg3A_1333 : i32 to vector<16xi32>
        %neg3A_1335 = arith.subi %neg3A_1334, %gather3A_1278 : vector<16xi32>
        %and3A_1336 = arith.andi %gather3A_1278, %neg3A_1335 : vector<16xi32>
        %convert_element_type3A_1337 = arith.sitofp %and3A_1336 : vector<16xi32> to vector<16xf32>
        %bitcast_convert_type3A_1338 = tpu.bitcast %convert_element_type3A_1337 : vector<16xf32> -> vector<16xi32>
        %shift_right_arithmetic3A_1339 = arith.constant 23 : i32
        %shift_right_arithmetic3A_1340 = vector.broadcast %shift_right_arithmetic3A_1339 : i32 to vector<16xi32>
        %shift_right_arithmetic3A_1341 = arith.shrsi %bitcast_convert_type3A_1338, %shift_right_arithmetic3A_1340 : vector<16xi32>
        %and3A_1342 = arith.constant 255 : i32
        %and3A_1343 = vector.broadcast %and3A_1342 : i32 to vector<16xi32>
        %and3A_1344 = arith.andi %shift_right_arithmetic3A_1341, %and3A_1343 : vector<16xi32>
        %sub3A_1345 = arith.constant 127 : i32
        %sub3A_1346 = vector.broadcast %sub3A_1345 : i32 to vector<16xi32>
        %sub3A_1347 = arith.subi %and3A_1344, %sub3A_1346 : vector<16xi32>
        %mul3A_1348 = arith.constant 32 : i32
        %mul3A_1349 = vector.broadcast %mul3A_1348 : i32 to vector<16xi32>
        %mul3A_1350 = arith.muli %sub3A_1347, %mul3A_1349 : vector<16xi32>
        %add3A_1351 = arith.addi %mul3A_1350, %add3A_1289 : vector<16xi32>
        %jit3A_1352 = arith.constant 0 : i32
        %broadcast_in_dim3A_1353 = vector.broadcast %jit3A_1352 : i32 to vector<16xi32>
        %select_n3A_1354 = arith.select %ne3A_1332, %add3A_1351, %broadcast_in_dim3A_1353 : vector<16xi1>, vector<16xi32>
        %and3A_1355 = arith.constant 63 : i32
        %and3A_1356 = vector.broadcast %and3A_1355 : i32 to vector<16xi32>
        %and3A_1357 = arith.andi %select_n3A_1354, %and3A_1356 : vector<16xi32>
        %gather3A_1358 = tpu.vector_load_idx %arg13[%select_n3A_1354] masked %ne3A_1332 : memref<1024xf32, #tpu.memory_space<vmem>>[vector<16xi32>], vector<16xf32>, vector<16xi1>
        %gather3A_1359 = tpu.vector_load_idx %arg14[%select_n3A_1354] masked %ne3A_1332 : memref<1024xf32, #tpu.memory_space<vmem>>[vector<16xi32>], vector<16xf32>, vector<16xi1>
        %gather3A_1360 = tpu.vector_load_idx %arg9[%and3A_1357] masked %ne3A_1332 : memref<64xf32, #tpu.memory_space<vmem>>[vector<16xi32>], vector<16xf32>, vector<16xi1>
        %gather3A_1361 = tpu.vector_load_idx %arg11[%select_n3A_1354] masked %ne3A_1332 : memref<1024xi32, #tpu.memory_space<vmem>>[vector<16xi32>], vector<16xi32>, vector<16xi1>
        %sub3A_1362 = arith.constant 1 : i32
        %sub3A_1363 = vector.broadcast %sub3A_1362 : i32 to vector<16xi32>
        %sub3A_1364 = arith.subi %gather3A_1361, %sub3A_1363 : vector<16xi32>
        tpu.vector_store_idx %arg11[%select_n3A_1354], %sub3A_1364 masked %ne3A_1332 : memref<1024xi32, #tpu.memory_space<vmem>>[vector<16xi32>], vector<16xi32>, vector<16xi1>
        %eq3A_1365 = arith.constant 0 : i32
        %eq3A_1366 = vector.broadcast %eq3A_1365 : i32 to vector<16xi32>
        %eq3A_1367 = arith.cmpi eq, %sub3A_1364, %eq3A_1366 : vector<16xi32>
        %and3A_1368 = arith.andi %ne3A_1332, %eq3A_1367 : vector<16xi1>
        tpu.vector_store_idx %arg8[%select_n3A_1354], %gather3A_1358 masked %and3A_1368 : memref<1024xf32, #tpu.memory_space<vmem>>[vector<16xi32>], vector<16xf32>, vector<16xi1>
        %max3A_1369 = arith.maximumf %gather3A_1360, %gather3A_1358 : vector<16xf32>
        tpu.vector_store_idx %arg9[%and3A_1357], %max3A_1369 masked %and3A_1368 : memref<64xf32, #tpu.memory_space<vmem>>[vector<16xi32>], vector<16xf32>, vector<16xi1>
        tpu.vector_store_idx %arg10[%and3A_1357], %gather3A_1359 masked %and3A_1368 {add = true} : memref<64xf32, #tpu.memory_space<vmem>>[vector<16xi32>], vector<16xf32>, vector<16xi1>
        %sub3A_1370 = arith.constant 1 : i32
        %sub3A_1371 = vector.broadcast %sub3A_1370 : i32 to vector<16xi32>
        %sub3A_1372 = arith.subi %gather3A_1278, %sub3A_1371 : vector<16xi32>
        %and3A_1373 = arith.andi %gather3A_1278, %sub3A_1372 : vector<16xi32>
        %while3A:3 = scf.while (%while3A_1374 = %and3A_1329, %while3A_1375 = %and3A_1373, %while3A_1376 = %reduce_max3A_1286) : (vector<16xi32>, vector<16xi32>, i32) -> (vector<16xi32>, vector<16xi32>, i32) {
          %gt3A_1377 = arith.constant 1 : i32
          %gt3A_1378 = arith.cmpi sgt, %while3A_1376, %gt3A_1377 : i32
          scf.condition(%gt3A_1378) %while3A_1374, %while3A_1375, %while3A_1376 : vector<16xi32>, vector<16xi32>, i32
        } do {
        ^bb0(%while3A_1374: vector<16xi32>, %while3A_1375: vector<16xi32>, %while3A_1376: i32):
          %add3A_1377 = arith.constant 16 : i32
          %add3A_1378 = vector.broadcast %add3A_1377 : i32 to vector<16xi32>
          %add3A_1379 = arith.addi %iota3A, %add3A_1378 : vector<16xi32>
          %ne3A_1380 = arith.constant 0 : i32
          %ne3A_1381 = vector.broadcast %ne3A_1380 : i32 to vector<16xi32>
          %ne3A_1382 = arith.cmpi ne, %while3A_1374, %ne3A_1381 : vector<16xi32>
          %neg3A_1383 = arith.constant 0 : i32
          %neg3A_1384 = vector.broadcast %neg3A_1383 : i32 to vector<16xi32>
          %neg3A_1385 = arith.subi %neg3A_1384, %while3A_1374 : vector<16xi32>
          %and3A_1386 = arith.andi %while3A_1374, %neg3A_1385 : vector<16xi32>
          %convert_element_type3A_1387 = arith.sitofp %and3A_1386 : vector<16xi32> to vector<16xf32>
          %bitcast_convert_type3A_1388 = tpu.bitcast %convert_element_type3A_1387 : vector<16xf32> -> vector<16xi32>
          %shift_right_arithmetic3A_1389 = arith.constant 23 : i32
          %shift_right_arithmetic3A_1390 = vector.broadcast %shift_right_arithmetic3A_1389 : i32 to vector<16xi32>
          %shift_right_arithmetic3A_1391 = arith.shrsi %bitcast_convert_type3A_1388, %shift_right_arithmetic3A_1390 : vector<16xi32>
          %and3A_1392 = arith.constant 255 : i32
          %and3A_1393 = vector.broadcast %and3A_1392 : i32 to vector<16xi32>
          %and3A_1394 = arith.andi %shift_right_arithmetic3A_1391, %and3A_1393 : vector<16xi32>
          %sub3A_1395 = arith.constant 127 : i32
          %sub3A_1396 = vector.broadcast %sub3A_1395 : i32 to vector<16xi32>
          %sub3A_1397 = arith.subi %and3A_1394, %sub3A_1396 : vector<16xi32>
          %mul3A_1398 = arith.constant 32 : i32
          %mul3A_1399 = vector.broadcast %mul3A_1398 : i32 to vector<16xi32>
          %mul3A_1400 = arith.muli %sub3A_1397, %mul3A_1399 : vector<16xi32>
          %add3A_1401 = arith.addi %mul3A_1400, %iota3A : vector<16xi32>
          %jit3A_1402 = arith.constant 0 : i32
          %broadcast_in_dim3A_1403 = vector.broadcast %jit3A_1402 : i32 to vector<16xi32>
          %select_n3A_1404 = arith.select %ne3A_1382, %add3A_1401, %broadcast_in_dim3A_1403 : vector<16xi1>, vector<16xi32>
          %and3A_1405 = arith.constant 63 : i32
          %and3A_1406 = vector.broadcast %and3A_1405 : i32 to vector<16xi32>
          %and3A_1407 = arith.andi %select_n3A_1404, %and3A_1406 : vector<16xi32>
          %gather3A_1408 = tpu.vector_load_idx %arg13[%select_n3A_1404] masked %ne3A_1382 : memref<1024xf32, #tpu.memory_space<vmem>>[vector<16xi32>], vector<16xf32>, vector<16xi1>
          %gather3A_1409 = tpu.vector_load_idx %arg14[%select_n3A_1404] masked %ne3A_1382 : memref<1024xf32, #tpu.memory_space<vmem>>[vector<16xi32>], vector<16xf32>, vector<16xi1>
          %gather3A_1410 = tpu.vector_load_idx %arg9[%and3A_1407] masked %ne3A_1382 : memref<64xf32, #tpu.memory_space<vmem>>[vector<16xi32>], vector<16xf32>, vector<16xi1>
          %gather3A_1411 = tpu.vector_load_idx %arg11[%select_n3A_1404] masked %ne3A_1382 : memref<1024xi32, #tpu.memory_space<vmem>>[vector<16xi32>], vector<16xi32>, vector<16xi1>
          %sub3A_1412 = arith.constant 1 : i32
          %sub3A_1413 = vector.broadcast %sub3A_1412 : i32 to vector<16xi32>
          %sub3A_1414 = arith.subi %gather3A_1411, %sub3A_1413 : vector<16xi32>
          tpu.vector_store_idx %arg11[%select_n3A_1404], %sub3A_1414 masked %ne3A_1382 : memref<1024xi32, #tpu.memory_space<vmem>>[vector<16xi32>], vector<16xi32>, vector<16xi1>
          %eq3A_1415 = arith.constant 0 : i32
          %eq3A_1416 = vector.broadcast %eq3A_1415 : i32 to vector<16xi32>
          %eq3A_1417 = arith.cmpi eq, %sub3A_1414, %eq3A_1416 : vector<16xi32>
          %and3A_1418 = arith.andi %ne3A_1382, %eq3A_1417 : vector<16xi1>
          tpu.vector_store_idx %arg8[%select_n3A_1404], %gather3A_1408 masked %and3A_1418 : memref<1024xf32, #tpu.memory_space<vmem>>[vector<16xi32>], vector<16xf32>, vector<16xi1>
          %max3A_1419 = arith.maximumf %gather3A_1410, %gather3A_1408 : vector<16xf32>
          tpu.vector_store_idx %arg9[%and3A_1407], %max3A_1419 masked %and3A_1418 : memref<64xf32, #tpu.memory_space<vmem>>[vector<16xi32>], vector<16xf32>, vector<16xi1>
          tpu.vector_store_idx %arg10[%and3A_1407], %gather3A_1409 masked %and3A_1418 {add = true} : memref<64xf32, #tpu.memory_space<vmem>>[vector<16xi32>], vector<16xf32>, vector<16xi1>
          %sub3A_1420 = arith.constant 1 : i32
          %sub3A_1421 = vector.broadcast %sub3A_1420 : i32 to vector<16xi32>
          %sub3A_1422 = arith.subi %while3A_1374, %sub3A_1421 : vector<16xi32>
          %and3A_1423 = arith.andi %while3A_1374, %sub3A_1422 : vector<16xi32>
          %ne3A_1424 = arith.constant 0 : i32
          %ne3A_1425 = vector.broadcast %ne3A_1424 : i32 to vector<16xi32>
          %ne3A_1426 = arith.cmpi ne, %while3A_1375, %ne3A_1425 : vector<16xi32>
          %neg3A_1427 = arith.constant 0 : i32
          %neg3A_1428 = vector.broadcast %neg3A_1427 : i32 to vector<16xi32>
          %neg3A_1429 = arith.subi %neg3A_1428, %while3A_1375 : vector<16xi32>
          %and3A_1430 = arith.andi %while3A_1375, %neg3A_1429 : vector<16xi32>
          %convert_element_type3A_1431 = arith.sitofp %and3A_1430 : vector<16xi32> to vector<16xf32>
          %bitcast_convert_type3A_1432 = tpu.bitcast %convert_element_type3A_1431 : vector<16xf32> -> vector<16xi32>
          %shift_right_arithmetic3A_1433 = arith.constant 23 : i32
          %shift_right_arithmetic3A_1434 = vector.broadcast %shift_right_arithmetic3A_1433 : i32 to vector<16xi32>
          %shift_right_arithmetic3A_1435 = arith.shrsi %bitcast_convert_type3A_1432, %shift_right_arithmetic3A_1434 : vector<16xi32>
          %and3A_1436 = arith.constant 255 : i32
          %and3A_1437 = vector.broadcast %and3A_1436 : i32 to vector<16xi32>
          %and3A_1438 = arith.andi %shift_right_arithmetic3A_1435, %and3A_1437 : vector<16xi32>
          %sub3A_1439 = arith.constant 127 : i32
          %sub3A_1440 = vector.broadcast %sub3A_1439 : i32 to vector<16xi32>
          %sub3A_1441 = arith.subi %and3A_1438, %sub3A_1440 : vector<16xi32>
          %mul3A_1442 = arith.constant 32 : i32
          %mul3A_1443 = vector.broadcast %mul3A_1442 : i32 to vector<16xi32>
          %mul3A_1444 = arith.muli %sub3A_1441, %mul3A_1443 : vector<16xi32>
          %add3A_1445 = arith.addi %mul3A_1444, %add3A_1379 : vector<16xi32>
          %jit3A_1446 = arith.constant 0 : i32
          %broadcast_in_dim3A_1447 = vector.broadcast %jit3A_1446 : i32 to vector<16xi32>
          %select_n3A_1448 = arith.select %ne3A_1426, %add3A_1445, %broadcast_in_dim3A_1447 : vector<16xi1>, vector<16xi32>
          %and3A_1449 = arith.constant 63 : i32
          %and3A_1450 = vector.broadcast %and3A_1449 : i32 to vector<16xi32>
          %and3A_1451 = arith.andi %select_n3A_1448, %and3A_1450 : vector<16xi32>
          %gather3A_1452 = tpu.vector_load_idx %arg13[%select_n3A_1448] masked %ne3A_1426 : memref<1024xf32, #tpu.memory_space<vmem>>[vector<16xi32>], vector<16xf32>, vector<16xi1>
          %gather3A_1453 = tpu.vector_load_idx %arg14[%select_n3A_1448] masked %ne3A_1426 : memref<1024xf32, #tpu.memory_space<vmem>>[vector<16xi32>], vector<16xf32>, vector<16xi1>
          %gather3A_1454 = tpu.vector_load_idx %arg9[%and3A_1451] masked %ne3A_1426 : memref<64xf32, #tpu.memory_space<vmem>>[vector<16xi32>], vector<16xf32>, vector<16xi1>
          %gather3A_1455 = tpu.vector_load_idx %arg11[%select_n3A_1448] masked %ne3A_1426 : memref<1024xi32, #tpu.memory_space<vmem>>[vector<16xi32>], vector<16xi32>, vector<16xi1>
          %sub3A_1456 = arith.constant 1 : i32
          %sub3A_1457 = vector.broadcast %sub3A_1456 : i32 to vector<16xi32>
          %sub3A_1458 = arith.subi %gather3A_1455, %sub3A_1457 : vector<16xi32>
          tpu.vector_store_idx %arg11[%select_n3A_1448], %sub3A_1458 masked %ne3A_1426 : memref<1024xi32, #tpu.memory_space<vmem>>[vector<16xi32>], vector<16xi32>, vector<16xi1>
          %eq3A_1459 = arith.constant 0 : i32
          %eq3A_1460 = vector.broadcast %eq3A_1459 : i32 to vector<16xi32>
          %eq3A_1461 = arith.cmpi eq, %sub3A_1458, %eq3A_1460 : vector<16xi32>
          %and3A_1462 = arith.andi %ne3A_1426, %eq3A_1461 : vector<16xi1>
          tpu.vector_store_idx %arg8[%select_n3A_1448], %gather3A_1452 masked %and3A_1462 : memref<1024xf32, #tpu.memory_space<vmem>>[vector<16xi32>], vector<16xf32>, vector<16xi1>
          %max3A_1463 = arith.maximumf %gather3A_1454, %gather3A_1452 : vector<16xf32>
          tpu.vector_store_idx %arg9[%and3A_1451], %max3A_1463 masked %and3A_1462 : memref<64xf32, #tpu.memory_space<vmem>>[vector<16xi32>], vector<16xf32>, vector<16xi1>
          tpu.vector_store_idx %arg10[%and3A_1451], %gather3A_1453 masked %and3A_1462 {add = true} : memref<64xf32, #tpu.memory_space<vmem>>[vector<16xi32>], vector<16xf32>, vector<16xi1>
          %sub3A_1464 = arith.constant 1 : i32
          %sub3A_1465 = vector.broadcast %sub3A_1464 : i32 to vector<16xi32>
          %sub3A_1466 = arith.subi %while3A_1375, %sub3A_1465 : vector<16xi32>
          %and3A_1467 = arith.andi %while3A_1375, %sub3A_1466 : vector<16xi32>
          %sub3A_1468 = arith.constant 1 : i32
          %sub3A_1469 = arith.subi %while3A_1376, %sub3A_1468 : i32
          scf.yield %and3A_1423, %and3A_1467, %sub3A_1469 : vector<16xi32>, vector<16xi32>, i32
        }
      }
      %scan3A_1176 = arith.constant 1024 : i32
      "tpu.region"() ({
        %run_scoped3A = tpu.sem_alloc : memref<!tpu.dma_semaphore, #tpu.memory_space<semaphore_mem>>
        tpu.enqueue_dma source(%arg16 : memref<16384xf32, #tpu.memory_space<vmem>>) target(%arg7 : memref<16384xf32, #tpu.memory_space<hbm>>) target_semaphore(%run_scoped3A : memref<!tpu.dma_semaphore, #tpu.memory_space<semaphore_mem>>)
        tpu.wait_dma2 semaphore(%run_scoped3A : memref<!tpu.dma_semaphore, #tpu.memory_space<semaphore_mem>>) src(%arg16 : memref<16384xf32, #tpu.memory_space<vmem>>) dst(%arg7 : memref<16384xf32, #tpu.memory_space<hbm>>)
        tpu.yield
      }) : () -> ()
    } else {
    }
    return
  }
}

module attributes {stable_mosaic.version = 14 : i64} {
  func.func @_epilogue_body(%arg0: memref<1024x1xf32, #tpu.memory_space<vmem>>, %arg1: memref<1024x16xf32, #tpu.memory_space<vmem>>, %arg2: memref<1024x1xf32, #tpu.memory_space<vmem>>) attributes {dimension_semantics = [], scalar_prefetch = 0 : i64, scratch_operands = 0 : i64, tpu.core_type = #tpu.core_type<tc>} {
    %get3A = arith.constant 0 : index
    %get3A_0 = arith.constant 0 : index
    %get3A_1 = vector.load %arg0[%get3A, %get3A_0] : memref<1024x1xf32, #tpu.memory_space<vmem>>, vector<1024x1xf32>
    %get3A_2 = arith.constant 0 : index
    %get3A_3 = arith.constant 0 : index
    %get3A_4 = vector.load %arg1[%get3A_2, %get3A_3] : memref<1024x16xf32, #tpu.memory_space<vmem>>, vector<1024x16xf32>
    %reduce_sum3A = arith.constant dense<0.000000e+00> : vector<1024xf32>
    %reduce_sum3A_5 = vector.multi_reduction <add>, %get3A_4, %reduce_sum3A [1] : vector<1024x16xf32> to vector<1024xf32>
    %broadcast_in_dim3A = vector.shape_cast %reduce_sum3A_5 : vector<1024xf32> to vector<1024x1xf32>
    %neg3A = arith.constant 0.000000e+00 : f32
    %neg3A_6 = vector.broadcast %neg3A : f32 to vector<1024x1xf32>
    %neg3A_7 = arith.subf %neg3A_6, %get3A_1 : vector<1024x1xf32>
    %exp3A = math.exp %neg3A_7 : vector<1024x1xf32>
    %mul3A = arith.mulf %broadcast_in_dim3A, %exp3A : vector<1024x1xf32>
    %add3A = arith.constant 1.000000e-10 : f32
    %add3A_8 = vector.broadcast %add3A : f32 to vector<1024x1xf32>
    %add3A_9 = arith.addf %mul3A, %add3A_8 : vector<1024x1xf32>
    %log3A = math.log %add3A_9 : vector<1024x1xf32>
    %sub3A = arith.constant 0.000000e+00 : f32
    %sub3A_10 = vector.broadcast %sub3A : f32 to vector<1024x1xf32>
    %sub3A_11 = arith.subf %sub3A_10, %log3A : vector<1024x1xf32>
    %swap3A = arith.constant 0 : index
    %swap3A_12 = arith.constant 0 : index
    %swap3A_13 = vector.load %arg2[%swap3A, %swap3A_12] : memref<1024x1xf32, #tpu.memory_space<vmem>>, vector<1024x1xf32>
    tpu.vector_store %arg2[%swap3A, %swap3A_12], %sub3A_11 {strides = array<i32>} : memref<1024x1xf32, #tpu.memory_space<vmem>>, vector<1024x1xf32>,
    return
  }
}

module attributes {stable_mosaic.version = 14 : i64} {
  func.func @_prologue_body(%arg0: memref<8x128xf32, #tpu.memory_space<vmem>>, %arg1: memref<8x128xf32, #tpu.memory_space<vmem>>, %arg2: memref<1024x1024xi32, #tpu.memory_space<vmem>>, %arg3: memref<8x128xf32, #tpu.memory_space<vmem>>, %arg4: memref<8x128xf32, #tpu.memory_space<vmem>>, %arg5: memref<1024x1xi32, #tpu.memory_space<vmem>>, %arg6: memref<32x1024xi32, #tpu.memory_space<vmem>>, %arg7: memref<1x1024xi32, #tpu.memory_space<vmem>>) attributes {dimension_semantics = [], scalar_prefetch = 0 : i64, scratch_operands = 0 : i64, tpu.core_type = #tpu.core_type<tc>} {
    %get3A = arith.constant 0 : index
    %get3A_0 = arith.constant 0 : index
    %get3A_1 = vector.load %arg0[%get3A, %get3A_0] : memref<8x128xf32, #tpu.memory_space<vmem>>, vector<8x128xf32>
    %get3A_2 = arith.constant 0 : index
    %get3A_3 = arith.constant 0 : index
    %get3A_4 = vector.load %arg1[%get3A_2, %get3A_3] : memref<8x128xf32, #tpu.memory_space<vmem>>, vector<8x128xf32>
    %add3A = arith.constant 9.99999968E-21 : f32
    %add3A_5 = vector.broadcast %add3A : f32 to vector<8x128xf32>
    %add3A_6 = arith.addf %get3A_4, %add3A_5 : vector<8x128xf32>
    %log3A = math.log %add3A_6 : vector<8x128xf32>
    %neg3A = arith.constant 0.000000e+00 : f32
    %neg3A_7 = vector.broadcast %neg3A : f32 to vector<8x128xf32>
    %neg3A_8 = arith.subf %neg3A_7, %log3A : vector<8x128xf32>
    %add3A_9 = arith.constant 9.99999968E-21 : f32
    %add3A_10 = vector.broadcast %add3A_9 : f32 to vector<8x128xf32>
    %add3A_11 = arith.addf %neg3A_8, %add3A_10 : vector<8x128xf32>
    %log3A_12 = math.log %add3A_11 : vector<8x128xf32>
    %neg3A_13 = arith.constant 0.000000e+00 : f32
    %neg3A_14 = vector.broadcast %neg3A_13 : f32 to vector<8x128xf32>
    %neg3A_15 = arith.subf %neg3A_14, %log3A_12 : vector<8x128xf32>
    %add3A_16 = arith.addf %get3A_1, %neg3A_15 : vector<8x128xf32>
    %swap3A = arith.constant 0 : index
    %swap3A_17 = arith.constant 0 : index
    %swap3A_18 = vector.load %arg3[%swap3A, %swap3A_17] : memref<8x128xf32, #tpu.memory_space<vmem>>, vector<8x128xf32>
    tpu.vector_store %arg3[%swap3A, %swap3A_17], %add3A_16 {strides = array<i32>} : memref<8x128xf32, #tpu.memory_space<vmem>>, vector<8x128xf32>,
    %exp3A = math.exp %get3A_1 : vector<8x128xf32>
    %swap3A_19 = arith.constant 0 : index
    %swap3A_20 = arith.constant 0 : index
    %swap3A_21 = vector.load %arg4[%swap3A_19, %swap3A_20] : memref<8x128xf32, #tpu.memory_space<vmem>>, vector<8x128xf32>
    tpu.vector_store %arg4[%swap3A_19, %swap3A_20], %exp3A {strides = array<i32>} : memref<8x128xf32, #tpu.memory_space<vmem>>, vector<8x128xf32>,
    %get3A_22 = arith.constant 0 : index
    %get3A_23 = arith.constant 0 : index
    %get3A_24 = vector.load %arg2[%get3A_22, %get3A_23] : memref<1024x1024xi32, #tpu.memory_space<vmem>>, vector<1024x1024xi32>
    %reduce_sum3A = arith.constant dense<0> : vector<1024xi32>
    %reduce_sum3A_25 = vector.multi_reduction <add>, %get3A_24, %reduce_sum3A [1] : vector<1024x1024xi32> to vector<1024xi32>
    %broadcast_in_dim3A = vector.shape_cast %reduce_sum3A_25 : vector<1024xi32> to vector<1024x1xi32>
    %swap3A_26 = arith.constant 0 : index
    %swap3A_27 = arith.constant 0 : index
    %swap3A_28 = vector.load %arg5[%swap3A_26, %swap3A_27] : memref<1024x1xi32, #tpu.memory_space<vmem>>, vector<1024x1xi32>
    tpu.vector_store %arg5[%swap3A_26, %swap3A_27], %broadcast_in_dim3A {strides = array<i32>} : memref<1024x1xi32, #tpu.memory_space<vmem>>, vector<1024x1xi32>,
    %broadcast_in_dim3A_29 = arith.constant 0 : i32
    %broadcast_in_dim3A_30 = vector.broadcast %broadcast_in_dim3A_29 : i32 to vector<32x1024xi32>
    %slice3A = vector.extract_strided_slice %get3A_24 {offsets = [0, 0], sizes = [32, 1024], strides = [1, 1]} : vector<1024x1024xi32> to vector<32x1024xi32>
    %shift_left3A = arith.constant 0 : i32
    %shift_left3A_31 = vector.broadcast %shift_left3A : i32 to vector<32x1024xi32>
    %shift_left3A_32 = arith.shli %slice3A, %shift_left3A_31 : vector<32x1024xi32>
    %or3A = arith.ori %broadcast_in_dim3A_30, %shift_left3A_32 : vector<32x1024xi32>
    %slice3A_33 = vector.extract_strided_slice %get3A_24 {offsets = [32, 0], sizes = [32, 1024], strides = [1, 1]} : vector<1024x1024xi32> to vector<32x1024xi32>
    %shift_left3A_34 = arith.constant 1 : i32
    %shift_left3A_35 = vector.broadcast %shift_left3A_34 : i32 to vector<32x1024xi32>
    %shift_left3A_36 = arith.shli %slice3A_33, %shift_left3A_35 : vector<32x1024xi32>
    %or3A_37 = arith.ori %or3A, %shift_left3A_36 : vector<32x1024xi32>
    %slice3A_38 = vector.extract_strided_slice %get3A_24 {offsets = [64, 0], sizes = [32, 1024], strides = [1, 1]} : vector<1024x1024xi32> to vector<32x1024xi32>
    %shift_left3A_39 = arith.constant 2 : i32
    %shift_left3A_40 = vector.broadcast %shift_left3A_39 : i32 to vector<32x1024xi32>
    %shift_left3A_41 = arith.shli %slice3A_38, %shift_left3A_40 : vector<32x1024xi32>
    %or3A_42 = arith.ori %or3A_37, %shift_left3A_41 : vector<32x1024xi32>
    %slice3A_43 = vector.extract_strided_slice %get3A_24 {offsets = [96, 0], sizes = [32, 1024], strides = [1, 1]} : vector<1024x1024xi32> to vector<32x1024xi32>
    %shift_left3A_44 = arith.constant 3 : i32
    %shift_left3A_45 = vector.broadcast %shift_left3A_44 : i32 to vector<32x1024xi32>
    %shift_left3A_46 = arith.shli %slice3A_43, %shift_left3A_45 : vector<32x1024xi32>
    %or3A_47 = arith.ori %or3A_42, %shift_left3A_46 : vector<32x1024xi32>
    %slice3A_48 = vector.extract_strided_slice %get3A_24 {offsets = [128, 0], sizes = [32, 1024], strides = [1, 1]} : vector<1024x1024xi32> to vector<32x1024xi32>
    %shift_left3A_49 = arith.constant 4 : i32
    %shift_left3A_50 = vector.broadcast %shift_left3A_49 : i32 to vector<32x1024xi32>
    %shift_left3A_51 = arith.shli %slice3A_48, %shift_left3A_50 : vector<32x1024xi32>
    %or3A_52 = arith.ori %or3A_47, %shift_left3A_51 : vector<32x1024xi32>
    %slice3A_53 = vector.extract_strided_slice %get3A_24 {offsets = [160, 0], sizes = [32, 1024], strides = [1, 1]} : vector<1024x1024xi32> to vector<32x1024xi32>
    %shift_left3A_54 = arith.constant 5 : i32
    %shift_left3A_55 = vector.broadcast %shift_left3A_54 : i32 to vector<32x1024xi32>
    %shift_left3A_56 = arith.shli %slice3A_53, %shift_left3A_55 : vector<32x1024xi32>
    %or3A_57 = arith.ori %or3A_52, %shift_left3A_56 : vector<32x1024xi32>
    %slice3A_58 = vector.extract_strided_slice %get3A_24 {offsets = [192, 0], sizes = [32, 1024], strides = [1, 1]} : vector<1024x1024xi32> to vector<32x1024xi32>
    %shift_left3A_59 = arith.constant 6 : i32
    %shift_left3A_60 = vector.broadcast %shift_left3A_59 : i32 to vector<32x1024xi32>
    %shift_left3A_61 = arith.shli %slice3A_58, %shift_left3A_60 : vector<32x1024xi32>
    %or3A_62 = arith.ori %or3A_57, %shift_left3A_61 : vector<32x1024xi32>
    %slice3A_63 = vector.extract_strided_slice %get3A_24 {offsets = [224, 0], sizes = [32, 1024], strides = [1, 1]} : vector<1024x1024xi32> to vector<32x1024xi32>
    %shift_left3A_64 = arith.constant 7 : i32
    %shift_left3A_65 = vector.broadcast %shift_left3A_64 : i32 to vector<32x1024xi32>
    %shift_left3A_66 = arith.shli %slice3A_63, %shift_left3A_65 : vector<32x1024xi32>
    %or3A_67 = arith.ori %or3A_62, %shift_left3A_66 : vector<32x1024xi32>
    %slice3A_68 = vector.extract_strided_slice %get3A_24 {offsets = [256, 0], sizes = [32, 1024], strides = [1, 1]} : vector<1024x1024xi32> to vector<32x1024xi32>
    %shift_left3A_69 = arith.constant 8 : i32
    %shift_left3A_70 = vector.broadcast %shift_left3A_69 : i32 to vector<32x1024xi32>
    %shift_left3A_71 = arith.shli %slice3A_68, %shift_left3A_70 : vector<32x1024xi32>
    %or3A_72 = arith.ori %or3A_67, %shift_left3A_71 : vector<32x1024xi32>
    %slice3A_73 = vector.extract_strided_slice %get3A_24 {offsets = [288, 0], sizes = [32, 1024], strides = [1, 1]} : vector<1024x1024xi32> to vector<32x1024xi32>
    %shift_left3A_74 = arith.constant 9 : i32
    %shift_left3A_75 = vector.broadcast %shift_left3A_74 : i32 to vector<32x1024xi32>
    %shift_left3A_76 = arith.shli %slice3A_73, %shift_left3A_75 : vector<32x1024xi32>
    %or3A_77 = arith.ori %or3A_72, %shift_left3A_76 : vector<32x1024xi32>
    %slice3A_78 = vector.extract_strided_slice %get3A_24 {offsets = [320, 0], sizes = [32, 1024], strides = [1, 1]} : vector<1024x1024xi32> to vector<32x1024xi32>
    %shift_left3A_79 = arith.constant 10 : i32
    %shift_left3A_80 = vector.broadcast %shift_left3A_79 : i32 to vector<32x1024xi32>
    %shift_left3A_81 = arith.shli %slice3A_78, %shift_left3A_80 : vector<32x1024xi32>
    %or3A_82 = arith.ori %or3A_77, %shift_left3A_81 : vector<32x1024xi32>
    %slice3A_83 = vector.extract_strided_slice %get3A_24 {offsets = [352, 0], sizes = [32, 1024], strides = [1, 1]} : vector<1024x1024xi32> to vector<32x1024xi32>
    %shift_left3A_84 = arith.constant 11 : i32
    %shift_left3A_85 = vector.broadcast %shift_left3A_84 : i32 to vector<32x1024xi32>
    %shift_left3A_86 = arith.shli %slice3A_83, %shift_left3A_85 : vector<32x1024xi32>
    %or3A_87 = arith.ori %or3A_82, %shift_left3A_86 : vector<32x1024xi32>
    %slice3A_88 = vector.extract_strided_slice %get3A_24 {offsets = [384, 0], sizes = [32, 1024], strides = [1, 1]} : vector<1024x1024xi32> to vector<32x1024xi32>
    %shift_left3A_89 = arith.constant 12 : i32
    %shift_left3A_90 = vector.broadcast %shift_left3A_89 : i32 to vector<32x1024xi32>
    %shift_left3A_91 = arith.shli %slice3A_88, %shift_left3A_90 : vector<32x1024xi32>
    %or3A_92 = arith.ori %or3A_87, %shift_left3A_91 : vector<32x1024xi32>
    %slice3A_93 = vector.extract_strided_slice %get3A_24 {offsets = [416, 0], sizes = [32, 1024], strides = [1, 1]} : vector<1024x1024xi32> to vector<32x1024xi32>
    %shift_left3A_94 = arith.constant 13 : i32
    %shift_left3A_95 = vector.broadcast %shift_left3A_94 : i32 to vector<32x1024xi32>
    %shift_left3A_96 = arith.shli %slice3A_93, %shift_left3A_95 : vector<32x1024xi32>
    %or3A_97 = arith.ori %or3A_92, %shift_left3A_96 : vector<32x1024xi32>
    %slice3A_98 = vector.extract_strided_slice %get3A_24 {offsets = [448, 0], sizes = [32, 1024], strides = [1, 1]} : vector<1024x1024xi32> to vector<32x1024xi32>
    %shift_left3A_99 = arith.constant 14 : i32
    %shift_left3A_100 = vector.broadcast %shift_left3A_99 : i32 to vector<32x1024xi32>
    %shift_left3A_101 = arith.shli %slice3A_98, %shift_left3A_100 : vector<32x1024xi32>
    %or3A_102 = arith.ori %or3A_97, %shift_left3A_101 : vector<32x1024xi32>
    %slice3A_103 = vector.extract_strided_slice %get3A_24 {offsets = [480, 0], sizes = [32, 1024], strides = [1, 1]} : vector<1024x1024xi32> to vector<32x1024xi32>
    %shift_left3A_104 = arith.constant 15 : i32
    %shift_left3A_105 = vector.broadcast %shift_left3A_104 : i32 to vector<32x1024xi32>
    %shift_left3A_106 = arith.shli %slice3A_103, %shift_left3A_105 : vector<32x1024xi32>
    %or3A_107 = arith.ori %or3A_102, %shift_left3A_106 : vector<32x1024xi32>
    %slice3A_108 = vector.extract_strided_slice %get3A_24 {offsets = [512, 0], sizes = [32, 1024], strides = [1, 1]} : vector<1024x1024xi32> to vector<32x1024xi32>
    %shift_left3A_109 = arith.constant 16 : i32
    %shift_left3A_110 = vector.broadcast %shift_left3A_109 : i32 to vector<32x1024xi32>
    %shift_left3A_111 = arith.shli %slice3A_108, %shift_left3A_110 : vector<32x1024xi32>
    %or3A_112 = arith.ori %or3A_107, %shift_left3A_111 : vector<32x1024xi32>
    %slice3A_113 = vector.extract_strided_slice %get3A_24 {offsets = [544, 0], sizes = [32, 1024], strides = [1, 1]} : vector<1024x1024xi32> to vector<32x1024xi32>
    %shift_left3A_114 = arith.constant 17 : i32
    %shift_left3A_115 = vector.broadcast %shift_left3A_114 : i32 to vector<32x1024xi32>
    %shift_left3A_116 = arith.shli %slice3A_113, %shift_left3A_115 : vector<32x1024xi32>
    %or3A_117 = arith.ori %or3A_112, %shift_left3A_116 : vector<32x1024xi32>
    %slice3A_118 = vector.extract_strided_slice %get3A_24 {offsets = [576, 0], sizes = [32, 1024], strides = [1, 1]} : vector<1024x1024xi32> to vector<32x1024xi32>
    %shift_left3A_119 = arith.constant 18 : i32
    %shift_left3A_120 = vector.broadcast %shift_left3A_119 : i32 to vector<32x1024xi32>
    %shift_left3A_121 = arith.shli %slice3A_118, %shift_left3A_120 : vector<32x1024xi32>
    %or3A_122 = arith.ori %or3A_117, %shift_left3A_121 : vector<32x1024xi32>
    %slice3A_123 = vector.extract_strided_slice %get3A_24 {offsets = [608, 0], sizes = [32, 1024], strides = [1, 1]} : vector<1024x1024xi32> to vector<32x1024xi32>
    %shift_left3A_124 = arith.constant 19 : i32
    %shift_left3A_125 = vector.broadcast %shift_left3A_124 : i32 to vector<32x1024xi32>
    %shift_left3A_126 = arith.shli %slice3A_123, %shift_left3A_125 : vector<32x1024xi32>
    %or3A_127 = arith.ori %or3A_122, %shift_left3A_126 : vector<32x1024xi32>
    %slice3A_128 = vector.extract_strided_slice %get3A_24 {offsets = [640, 0], sizes = [32, 1024], strides = [1, 1]} : vector<1024x1024xi32> to vector<32x1024xi32>
    %shift_left3A_129 = arith.constant 20 : i32
    %shift_left3A_130 = vector.broadcast %shift_left3A_129 : i32 to vector<32x1024xi32>
    %shift_left3A_131 = arith.shli %slice3A_128, %shift_left3A_130 : vector<32x1024xi32>
    %or3A_132 = arith.ori %or3A_127, %shift_left3A_131 : vector<32x1024xi32>
    %slice3A_133 = vector.extract_strided_slice %get3A_24 {offsets = [672, 0], sizes = [32, 1024], strides = [1, 1]} : vector<1024x1024xi32> to vector<32x1024xi32>
    %shift_left3A_134 = arith.constant 21 : i32
    %shift_left3A_135 = vector.broadcast %shift_left3A_134 : i32 to vector<32x1024xi32>
    %shift_left3A_136 = arith.shli %slice3A_133, %shift_left3A_135 : vector<32x1024xi32>
    %or3A_137 = arith.ori %or3A_132, %shift_left3A_136 : vector<32x1024xi32>
    %slice3A_138 = vector.extract_strided_slice %get3A_24 {offsets = [704, 0], sizes = [32, 1024], strides = [1, 1]} : vector<1024x1024xi32> to vector<32x1024xi32>
    %shift_left3A_139 = arith.constant 22 : i32
    %shift_left3A_140 = vector.broadcast %shift_left3A_139 : i32 to vector<32x1024xi32>
    %shift_left3A_141 = arith.shli %slice3A_138, %shift_left3A_140 : vector<32x1024xi32>
    %or3A_142 = arith.ori %or3A_137, %shift_left3A_141 : vector<32x1024xi32>
    %slice3A_143 = vector.extract_strided_slice %get3A_24 {offsets = [736, 0], sizes = [32, 1024], strides = [1, 1]} : vector<1024x1024xi32> to vector<32x1024xi32>
    %shift_left3A_144 = arith.constant 23 : i32
    %shift_left3A_145 = vector.broadcast %shift_left3A_144 : i32 to vector<32x1024xi32>
    %shift_left3A_146 = arith.shli %slice3A_143, %shift_left3A_145 : vector<32x1024xi32>
    %or3A_147 = arith.ori %or3A_142, %shift_left3A_146 : vector<32x1024xi32>
    %slice3A_148 = vector.extract_strided_slice %get3A_24 {offsets = [768, 0], sizes = [32, 1024], strides = [1, 1]} : vector<1024x1024xi32> to vector<32x1024xi32>
    %shift_left3A_149 = arith.constant 24 : i32
    %shift_left3A_150 = vector.broadcast %shift_left3A_149 : i32 to vector<32x1024xi32>
    %shift_left3A_151 = arith.shli %slice3A_148, %shift_left3A_150 : vector<32x1024xi32>
    %or3A_152 = arith.ori %or3A_147, %shift_left3A_151 : vector<32x1024xi32>
    %slice3A_153 = vector.extract_strided_slice %get3A_24 {offsets = [800, 0], sizes = [32, 1024], strides = [1, 1]} : vector<1024x1024xi32> to vector<32x1024xi32>
    %shift_left3A_154 = arith.constant 25 : i32
    %shift_left3A_155 = vector.broadcast %shift_left3A_154 : i32 to vector<32x1024xi32>
    %shift_left3A_156 = arith.shli %slice3A_153, %shift_left3A_155 : vector<32x1024xi32>
    %or3A_157 = arith.ori %or3A_152, %shift_left3A_156 : vector<32x1024xi32>
    %slice3A_158 = vector.extract_strided_slice %get3A_24 {offsets = [832, 0], sizes = [32, 1024], strides = [1, 1]} : vector<1024x1024xi32> to vector<32x1024xi32>
    %shift_left3A_159 = arith.constant 26 : i32
    %shift_left3A_160 = vector.broadcast %shift_left3A_159 : i32 to vector<32x1024xi32>
    %shift_left3A_161 = arith.shli %slice3A_158, %shift_left3A_160 : vector<32x1024xi32>
    %or3A_162 = arith.ori %or3A_157, %shift_left3A_161 : vector<32x1024xi32>
    %slice3A_163 = vector.extract_strided_slice %get3A_24 {offsets = [864, 0], sizes = [32, 1024], strides = [1, 1]} : vector<1024x1024xi32> to vector<32x1024xi32>
    %shift_left3A_164 = arith.constant 27 : i32
    %shift_left3A_165 = vector.broadcast %shift_left3A_164 : i32 to vector<32x1024xi32>
    %shift_left3A_166 = arith.shli %slice3A_163, %shift_left3A_165 : vector<32x1024xi32>
    %or3A_167 = arith.ori %or3A_162, %shift_left3A_166 : vector<32x1024xi32>
    %slice3A_168 = vector.extract_strided_slice %get3A_24 {offsets = [896, 0], sizes = [32, 1024], strides = [1, 1]} : vector<1024x1024xi32> to vector<32x1024xi32>
    %shift_left3A_169 = arith.constant 28 : i32
    %shift_left3A_170 = vector.broadcast %shift_left3A_169 : i32 to vector<32x1024xi32>
    %shift_left3A_171 = arith.shli %slice3A_168, %shift_left3A_170 : vector<32x1024xi32>
    %or3A_172 = arith.ori %or3A_167, %shift_left3A_171 : vector<32x1024xi32>
    %slice3A_173 = vector.extract_strided_slice %get3A_24 {offsets = [928, 0], sizes = [32, 1024], strides = [1, 1]} : vector<1024x1024xi32> to vector<32x1024xi32>
    %shift_left3A_174 = arith.constant 29 : i32
    %shift_left3A_175 = vector.broadcast %shift_left3A_174 : i32 to vector<32x1024xi32>
    %shift_left3A_176 = arith.shli %slice3A_173, %shift_left3A_175 : vector<32x1024xi32>
    %or3A_177 = arith.ori %or3A_172, %shift_left3A_176 : vector<32x1024xi32>
    %slice3A_178 = vector.extract_strided_slice %get3A_24 {offsets = [960, 0], sizes = [32, 1024], strides = [1, 1]} : vector<1024x1024xi32> to vector<32x1024xi32>
    %shift_left3A_179 = arith.constant 30 : i32
    %shift_left3A_180 = vector.broadcast %shift_left3A_179 : i32 to vector<32x1024xi32>
    %shift_left3A_181 = arith.shli %slice3A_178, %shift_left3A_180 : vector<32x1024xi32>
    %or3A_182 = arith.ori %or3A_177, %shift_left3A_181 : vector<32x1024xi32>
    %slice3A_183 = vector.extract_strided_slice %get3A_24 {offsets = [992, 0], sizes = [32, 1024], strides = [1, 1]} : vector<1024x1024xi32> to vector<32x1024xi32>
    %shift_left3A_184 = arith.constant 31 : i32
    %shift_left3A_185 = vector.broadcast %shift_left3A_184 : i32 to vector<32x1024xi32>
    %shift_left3A_186 = arith.shli %slice3A_183, %shift_left3A_185 : vector<32x1024xi32>
    %or3A_187 = arith.ori %or3A_182, %shift_left3A_186 : vector<32x1024xi32>
    %swap3A_188 = arith.constant 0 : index
    %swap3A_189 = arith.constant 0 : index
    %swap3A_190 = vector.load %arg6[%swap3A_188, %swap3A_189] : memref<32x1024xi32, #tpu.memory_space<vmem>>, vector<32x1024xi32>
    tpu.vector_store %arg6[%swap3A_188, %swap3A_189], %or3A_187 {strides = array<i32>} : memref<32x1024xi32, #tpu.memory_space<vmem>>, vector<32x1024xi32>,
    %shift_right_logical3A = arith.constant 1 : i32
    %shift_right_logical3A_191 = vector.broadcast %shift_right_logical3A : i32 to vector<32x1024xi32>
    %shift_right_logical3A_192 = arith.shrui %or3A_187, %shift_right_logical3A_191 : vector<32x1024xi32>
    %and3A = arith.constant 1431655765 : i32
    %and3A_193 = vector.broadcast %and3A : i32 to vector<32x1024xi32>
    %and3A_194 = arith.andi %shift_right_logical3A_192, %and3A_193 : vector<32x1024xi32>
    %sub3A = arith.subi %or3A_187, %and3A_194 : vector<32x1024xi32>
    %and3A_195 = arith.constant 858993459 : i32
    %and3A_196 = vector.broadcast %and3A_195 : i32 to vector<32x1024xi32>
    %and3A_197 = arith.andi %sub3A, %and3A_196 : vector<32x1024xi32>
    %shift_right_logical3A_198 = arith.constant 2 : i32
    %shift_right_logical3A_199 = vector.broadcast %shift_right_logical3A_198 : i32 to vector<32x1024xi32>
    %shift_right_logical3A_200 = arith.shrui %sub3A, %shift_right_logical3A_199 : vector<32x1024xi32>
    %and3A_201 = arith.constant 858993459 : i32
    %and3A_202 = vector.broadcast %and3A_201 : i32 to vector<32x1024xi32>
    %and3A_203 = arith.andi %shift_right_logical3A_200, %and3A_202 : vector<32x1024xi32>
    %add3A_204 = arith.addi %and3A_197, %and3A_203 : vector<32x1024xi32>
    %shift_right_logical3A_205 = arith.constant 4 : i32
    %shift_right_logical3A_206 = vector.broadcast %shift_right_logical3A_205 : i32 to vector<32x1024xi32>
    %shift_right_logical3A_207 = arith.shrui %add3A_204, %shift_right_logical3A_206 : vector<32x1024xi32>
    %add3A_208 = arith.addi %add3A_204, %shift_right_logical3A_207 : vector<32x1024xi32>
    %and3A_209 = arith.constant 252645135 : i32
    %and3A_210 = vector.broadcast %and3A_209 : i32 to vector<32x1024xi32>
    %and3A_211 = arith.andi %add3A_208, %and3A_210 : vector<32x1024xi32>
    %mul3A = arith.constant 16843009 : i32
    %mul3A_212 = vector.broadcast %mul3A : i32 to vector<32x1024xi32>
    %mul3A_213 = arith.muli %and3A_211, %mul3A_212 : vector<32x1024xi32>
    %shift_right_logical3A_214 = arith.constant 24 : i32
    %shift_right_logical3A_215 = vector.broadcast %shift_right_logical3A_214 : i32 to vector<32x1024xi32>
    %shift_right_logical3A_216 = arith.shrui %mul3A_213, %shift_right_logical3A_215 : vector<32x1024xi32>
    %reduce_max3A = arith.constant dense<-2147483648> : vector<1024xi32>
    %reduce_max3A_217 = vector.multi_reduction <maxsi>, %shift_right_logical3A_216, %reduce_max3A [0] : vector<32x1024xi32> to vector<1024xi32>
    %broadcast_in_dim3A_218 = vector.shape_cast %reduce_max3A_217 : vector<1024xi32> to vector<1x1024xi32>
    %swap3A_219 = arith.constant 0 : index
    %swap3A_220 = arith.constant 0 : index
    %swap3A_221 = vector.load %arg7[%swap3A_219, %swap3A_220] : memref<1x1024xi32, #tpu.memory_space<vmem>>, vector<1x1024xi32>
    tpu.vector_store %arg7[%swap3A_219, %swap3A_220], %broadcast_in_dim3A_218 {strides = array<i32>} : memref<1x1024xi32, #tpu.memory_space<vmem>>, vector<1x1024xi32>,
    return
  }
}

</mosaic_0001>

<sc_bundles>
// kernel: kernel.5.cloned.1.call-start
scs
__scs_entry_jumppad:
0x0: {  	(pc) =	sbr.rel $0x88, $3  }
0x1: {  	(tag) =	ssettag $0x0;
	lr =	simm.s32 $0x1  }
0x2: {  	[smem:$0x3F9F] =	sst lr;
	_ =	strace $0xD0000000  }
0x3: {  	_ = 	snop  }
0x4: {  	_ = 	snop  }
0x5: {  	_ = 	snop  }
0x6: {  	_ = 	snop  }
0x7: {  	_ = 	snop  }
__scs_overlays_trampoline_lowered:
0x8: {  	[smem:$0x3FAE] =	sst s0  }
0x9: {  	[smem:$0x3FAF] =	sst s1  }
0xa: {  	[smem:$0x3FB0] =	sst s2  }
0xb: {  	[smem:$0x3FB1] =	sst s3  }
0xc: {  	[smem:$0x3FB2] =	sst s4  }
0xd: {  	[smem:$0x3FB3] =	sst s5  }
0xe: {  	[smem:$0x3FB4] =	sst s6  }
0xf: {  	[smem:$0x3FB5] =	sst s7  }
0x10: {  	[smem:$0x3FB6] =	sst s8  }
0x11: {  	[smem:$0x3FB7] =	sst s9;
	s0 =	simm.s32 @!p0 $0x0  }
0x12: {  	s1 =	sld [smem:$0x3F9D];
	s0 =	simm.s32 @p0 $0x1  }
0x13: {  	[smem:$0x3FB8] =	sst s0;
	s0 =	simm.s32 @!p1 $0x0  }
0x14: {  	s2 =	sld [smem:$0x3F9C];
	s0 =	simm.s32 @p1 $0x1  }
0x15: {  	[smem:$0x3FB9] =	sst s0;
	s0 =	simm.s32 @!p2 $0x0  }
0x16: {  	s3 =	sld [smem:$0x3FDB];
	s0 =	simm.s32 @p2 $0x1  }
0x17: {  	s4 =	simm.s32 $0x1BF5;
	[smem:$0x3FBB] =	sst s0  }
0x18: {  	s0 =	sld [smem:$0x3F9E];
	_ =	swait.ge [sflag:s4], $0x0  }
0x19: {  	s7 =	sld [smem:$0x3F9F]  }
0x1a: {  	s8 =	sadd.s32 $0xFFFFE003, lr  }
0x1b: {  	s9 =	sadd.s32 $0xFFFFFEF7, lr;
	s5 =	simm.s32 $0xFFFFFFFF;
	p2 =	slt.u32 s8, $0xFFFFF086  }
0x1c: {  	p1 =	slt.u32 s9, $0xF7A;
	s5 =	simm.s32 @!p2 $0x0  }
0x1d: {  	s5 =	simm.s32 @p1 $0x1;
	p0 =	seq.s32 s7, s2  }
0x1e: {  	s7 =	smul.u32 @!p0 $0xF7A, s2;
	p2 =	seq.s32 @!p0 s5, $0x0  }
0x1f: {  	s9 =	smul.u32 $0xF7A, s1;
	s8 =	simm.s32 @!p0 $0x1BF5;
	p2 =	por !p2, p0  }
0x20: {  	[sflag:s8] =	ssyncset.s32 @!p0 $0xFFFFF086;
	s6 =	sadd.s32 @!p0 s3, s7;
	s7 =	simm.s32 @!p0 $0x108  }
0x21: {  	s3 =	sadd.s32 s3, s9;
	s6 =	sadd.s32 @!p0 $0x88, s6;
	s7 =	simm.s32 @p2 $0x1082  }
0x22: {  	[simem:s7], [sflag:s8] =	dma.local @!p0 [hbm:s6], $0xF7A  }
0x23: {  	s9 =	sor.u32 $0xD0000000, s2;
	s6 =	simm.s32 $0x108;
	_ =	swait.ge @!p0 [sflag:s8], $0x0  }
0x24: {  	s3 =	sadd.s32 $0x88, s3;
	s6 =	simm.s32 @!p1 $0x1082;
	[sflag:s4] =	ssyncset.s32 $0xFFFFF086  }
0x25: {  	[simem:s6], [sflag:s4] =	dma.local [hbm:s3], $0xF7A  }
0x26: {  	[smem:$0x3F9F] =	sst s1;
	(tag) =	ssettag s2;
	_ =	strace s9  }
0x27: {  	s1 =	sld [smem:$0x3FAF]  }
0x28: {  	s2 =	sld [smem:$0x3FB0]  }
0x29: {  	s4 =	sld [smem:$0x3FB2]  }
0x2a: {  	p0 =	seq.s32 s5, $0x0;
	s5 =	sld [smem:$0x3FB3]  }
0x2b: {  	s6 =	sld [smem:$0x3FB4]  }
0x2c: {  	s7 =	sld [smem:$0x3FB5]  }
0x2d: {  	s3 =	simm.s32 $0x108;
	s8 =	sld [smem:$0x3FB6]  }
0x2e: {  	s3 =	simm.s32 @!p0 $0x1082;
	s9 =	sld [smem:$0x3FB7]  }
0x2f: {  	lr =	sadd.s32 s0, s3;
	s0 =	sld [smem:$0x3FAE]  }
0x30: {  	s3 =	sld [smem:$0x3FB1]  }
0x31: {  	[smem:$0x3FBA] =	sst s10  }
0x32: {  	s10 =	sld [smem:$0x3FB8];
	_ =	sdelay $0x3  }
0x33: {  	p0 =	seq.s32 s10, $0x1;
	s10 =	sld [smem:$0x3FBA];
	_ =	sdelay $0x3  }
0x34: {  	[smem:$0x3FBA] =	sst s10  }
0x35: {  	s10 =	sld [smem:$0x3FB9];
	_ =	sdelay $0x3  }
0x36: {  	p1 =	seq.s32 s10, $0x1;
	s10 =	sld [smem:$0x3FBA];
	_ =	sdelay $0x3  }
0x37: {  	[smem:$0x3FBA] =	sst s10  }
0x38: {  	s10 =	sld [smem:$0x3FBB]  }
0x39: {  	_ = 	snop;
	(pc) =	sbr.ind lr, $3  }
0x3a: {  	_ = 	snop  }
0x3b: {  	_ = 	snop  }
0x3c: {  	p2 =	seq.s32 s10, $0x1;
	s10 =	sld [smem:$0x3FBA]  }
0x3d: {  	_ =	shalt  }
0x3e: {  	_ =	shalt  }
0x3f: {  	_ =	shalt  }
0x40: {  	_ =	shalt  }
0x41: {  	_ =	shalt  }
0x42: {  	_ =	shalt  }
0x43: {  	_ =	shalt  }
0x44: {  	_ =	shalt  }
0x45: {  	_ =	shalt  }
0x46: {  	_ =	shalt  }
0x47: {  	_ =	shalt  }
0x48: {  	_ =	shalt  }
0x49: {  	_ =	shalt  }
0x4a: {  	_ =	shalt  }
0x4b: {  	_ =	shalt  }
0x4c: {  	_ =	shalt  }
0x4d: {  	_ =	shalt  }
0x4e: {  	_ =	shalt  }
0x4f: {  	_ =	shalt  }
0x50: {  	_ =	shalt  }
0x51: {  	_ =	shalt  }
0x52: {  	_ =	shalt  }
0x53: {  	_ =	shalt  }
0x54: {  	_ =	shalt  }
0x55: {  	_ =	shalt  }
0x56: {  	_ =	shalt  }
0x57: {  	_ =	shalt  }
0x58: {  	_ =	shalt  }
0x59: {  	_ =	shalt  }
0x5a: {  	_ =	shalt  }
0x5b: {  	_ =	shalt  }
0x5c: {  	_ =	shalt  }
0x5d: {  	_ =	shalt  }
0x5e: {  	_ =	shalt  }
0x5f: {  	_ =	shalt  }
0x60: {  	_ =	shalt  }
0x61: {  	_ =	shalt  }
0x62: {  	_ =	shalt  }
0x63: {  	_ =	shalt  }
0x64: {  	_ =	shalt  }
0x65: {  	_ =	shalt  }
0x66: {  	_ =	shalt  }
0x67: {  	_ =	shalt  }
0x68: {  	_ =	shalt  }
0x69: {  	_ =	shalt  }
0x6a: {  	_ =	shalt  }
0x6b: {  	_ =	shalt  }
0x6c: {  	_ =	shalt  }
0x6d: {  	_ =	shalt  }
0x6e: {  	_ =	shalt  }
0x6f: {  	_ =	shalt  }
0x70: {  	_ =	shalt  }
0x71: {  	_ =	shalt  }
0x72: {  	_ =	shalt  }
0x73: {  	_ =	shalt  }
0x74: {  	_ =	shalt  }
0x75: {  	_ =	shalt  }
0x76: {  	_ =	shalt  }
0x77: {  	_ =	shalt  }
0x78: {  	_ =	shalt  }
0x79: {  	_ =	shalt  }
0x7a: {  	_ =	shalt  }
0x7b: {  	_ =	shalt  }
0x7c: {  	_ =	shalt  }
0x7d: {  	_ =	shalt  }
0x7e: {  	_ =	shalt  }
0x7f: {  	_ =	shalt  }
0x80: {  	_ =	shalt  }
0x81: {  	_ =	shalt  }
0x82: {  	_ =	shalt  }
0x83: {  	_ =	shalt  }
0x84: {  	_ =	shalt  }
0x85: {  	_ =	shalt  }
0x86: {  	_ =	shalt  }
0x87: {  	_ =	shalt  }
.Lfunc_end0:
.L_simem_size_0:
called_computation_lowered:
.L_overlay_start_0:
0x88: {  	s2 =	sld [smem:$0x3FD9]  }
0x89: {  	s3 =	sld [smem:$0x3FFE];
	_ =	sdelay $0x1  }
0x8a: {  	s1 =	srdreg.scid  }
0x8b: {  	s0 =	sand.u32 $0x1, s1  }
0x8c: {  	s14 =	sshll.u32 s0, $0xA;
	s2 =	sadd.s32 s3, s2  }
0x8d: {  	s2 =	sadd.s32 s2, s14  }
0x8e: {  	[smem:$0x3FC6] =	sst s2  }
0x8f: {  	_ = 	snop  }
0x90: {  	s2 =	sld [smem:$0x3FD0];
	_ =	sdelay $0x2  }
0x91: {  	s15 =	simm.s32 $0xA;
	s4 =	simm.s32 $0x10  }
0x92: {  	[smem:s4], [sflag:s15] =	dma.local [hbm:s2], $0x1  }
0x93: {  	_ =	swait.eq [sflag:s15], $0x1  }
0x94: {  	[sflag:s15] =	ssyncset.done $0x0  }
0x95: {  	s16 =	sld [smem:$0x10];
	[sflag:s15] =	ssyncadd.s32 $0xFFFFFFFF  }
0x96: {  	s17 =	sld [smem:$0x11];
	(tm) =	ssettm $0x1  }
0x97: {  	s18 =	sld [smem:$0x3FFB];
	_ =	sdelay $0x3  }
0x98: {  	_ =	strace s18  }
0x99: {  	s4 =	sld [smem:$0x3FFC];
	_ =	sdelay $0x3  }
0x9a: {  	_ =	strace s4  }
0x9b: {  	s4 =	sld [smem:$0x3FFD];
	_ =	sdelay $0x3  }
0x9c: {  	_ =	strace s4  }
0x9d: {  	_ =	strace $0x8FFFFFFF  }
0x9e: {  	s19 =	sld [smem:$0x3FDB];
	_ =	sdelay $0x1  }
0x9f: {  	s5 =	simm.s32 $_scs_section_size  }
0xa0: {  	s6 =	simm.s32 $_size__tile_overlayer_lowered;
	s7 =	simm.s32 $_tile_overlayer_lowered  }
0xa1: {  	s22 =	simm.s32 $0x1BFF;
	s21 =	sshll.u32 s7, $0x1;
	s4 =	sadd.s32 s5, s19  }
0xa2: {  	s8 =	simm.s32 $0x0;
	s20 =	sshll.u32 s6, $0x1;
	s6 =	sadd.s32 s21, s4  }
0xa3: {  	[timem:s8], [sflag:s22] =	dma.local [hbm:s6], s20  }
0xa4: {  	_ =	swait.ge [sflag:s22], s20  }
0xa5: {  	s5 =	ssub.s32 $0x0, s20;
	[sflag:s22] =	ssyncset.done $0x0  }
0xa6: {  	[sflag:s22] =	ssyncadd.s32 s5;
	_ =	sdelay $0x1  }
0xa7: {  	s23 =	simm.s32 $0x1B8B  }
0xa8: {  	_ =	swait.ge [sflag:s23], $0x1  }
0xa9: {  	[sflag:s23] =	ssyncset.done $0x0  }
0xaa: {  	s25 =	simm.s32 $0x1B8E;
	s24 =	sld [smem:$0x3FFE];
	[sflag:s23] =	ssyncadd.s32 $0xFFFFFFFF  }
0xab: {  	s26 =	simm.s32 $execute0_lowered;
	[smem:$0x3FD2] =	sst s25  }
0xac: {  	s6 =	sshll.u32 s26, $0x1;
	_ =	strace $0x80000046;
	[dreg:$0x1] =	wrdreg $0xFFFFFFFF  }
0xad: {  	s28 =	simm.s32 $_size_execute0_lowered;
	s4 =	sadd.s32 s4, s6;
	[dreg:$0x0] =	wrdreg $0x0  }
0xae: {  	s6 =	sshll.u32 s28, $0x1;
	[dreg:$0x2] =	wrdreg s4  }
0xaf: {  	[dreg:$0x3] =	wrdreg s6  }
0xb0: {  	[dreg:$0x4] =	wrdreg $0xC0  }
0xb1: {  	_ =	task [dreg:s8], $0x5FFFF  }
0xb2: {  	[dreg:$0x1] =	wrdreg $0xFFFFFFFF  }
0xb3: {  	[dreg:$0x0] =	wrdreg $0x60  }
0xb4: {  	[dreg:$0x2] =	wrdreg s17  }
0xb5: {  	[dreg:$0x3] =	wrdreg s16  }
0xb6: {  	[dreg:$0x4] =	wrdreg s24  }
0xb7: {  	[dreg:$0x5] =	wrdreg $0x9  }
0xb8: {  	_ =	task.clear_ibuf [dreg:s8], $0x6FFFF;
	_ =	strace $0x90000046  }
0xb9: {  	s29 =	simm.s32 $0x9;
	_ =	strace $0x80000048  }
0xba: {  	_ =	swait.ge [sflag:s29], $0x1  }
0xbb: {  	[sflag:s29] =	ssyncadd.s32 $0xFFFFFFFF  }
0xbc: {  	_ =	strace $0x90000048  }
0xbd: {  	_ =	sfence  }
0xbe: {  	s30 =	sld [smem:$0x0];
	_ =	sdelay $0x2  }
0xbf: {  	s31 =	sshll.u32 s1, $0xD;
	s1 =	sshrl.u32 s1, $0x2  }
0xc0: {  	s3 =	sand.u32 $0x4000, s31;
	s1 =	sadd.s32 s1, s30  }
0xc1: {  	s0 =	sor.u32 s3, s0;
	s1 =	sshll.u32 s1, $0x11  }
0xc2: {  	s0 =	sor.u32 s1, s0  }
0xc3: {  	s0 =	sadd.s32 $0x8F2B, s0  }
0xc4: {  	[sflag:s0] =	ssyncadd.remote.s32 $0x1  }
0xc5: {  	_ =	sfence.sel $0xFFFF  }
0xc6: {  	[dreg:$0x0] =	wrdreg $0xFFFFFFFF;
	(pc) =	sbr.abs _section_cstart, $3  }
0xc7: {  	[dreg:$0x1] =	wrdreg $0xFFFFFFFF  }
0xc8: {  	_ =	task.clear_ibuf [dreg:s8], $0x2FFFF;
	_ =	strace $0x9FFFFFFF  }
0xc9: {  	(tm) =	ssettm $0x7FFFFFFF  }
tec
execute0_lowered:
.L_overlay_start_1:
0x0: {  	(tag) =	ssettag $0x1  }
0x1: {  	s0 =	srdreg.scid  }
0x2: {  	s6 =	sand.u32 $0x1, s0;
	s0 =	stileid.u32  }
0x3: {  	s4 =	sor.u32 s0, s6  }
0x4: {  	p0 =	sne.s32 s4, $0x0  }
.Ltmp0:
0x5: {  	_ = 	snop;
	(pc) =	sbr.rel @!p0 .LBB2_1-.Ltmp0, $4  }
0x6: {  	s1 =	rddreg [dreg:$0x0]  }
0x7: {  	s3 =	rddreg [dreg:$0x1]  }
0x8: {  	s7 =	rddreg [dreg:$0x2]  }
0x9: {  	s2 =	rddreg [dreg:$0x3];
	_ =	strace $0x80000047  }
.LBB2_12:
0xa: {  	_ =	sfence.sel $0x180000  }
0xb: {  	[bflag:$0x0] =	sbarrier.arrive $0xFFFF  }
0xc: {  	p0 =	sne.s32 s0, $0x0;
	_ =	strace $0x90000047  }
0xd: {  	s0 =	sadd.s32 @!p0 $0x100000, s2;
	[bflag:$0x2] =	sbarrier.arrive $0xFFFF  }
0xe: {  	[sflag:s0] =	ssyncadd.tile.s32 @!p0 $0x1;
	_ =	shalt  }
.LBB2_1:
0xf: {  	v0 =	vimm.s32 $0x0;
	v39 =	vimm.s32 $0xF  }
0x10: {  	v1 =	vimm.s32 $0x2380;
	vm0 =	vcmask $0x300;
	v4 =	vimm.s32 $0x6380  }
0x11: {  	vm1 =	vcmask $0x704;
	v1 =	vsel vm0, $0x0, v1;
	v4 =	vsel vm0, $0x4000, v4  }
0x12: {  	vm15 =	vcmask $0xB08;
	v1 =	vsel vm1, $0x80, v1;
	v4 =	vsel vm1, $0x4080, v4  }
0x13: {  	vm4 =	vcmask $0xF0C;
	v1 =	vsel vm15, $0x100, v1;
	v4 =	vsel vm15, $0x4100, v4  }
0x14: {  	vm5 =	vcmask $0x1310;
	v1 =	vsel vm4, $0x180, v1;
	v4 =	vsel vm4, $0x4180, v4  }
0x15: {  	vm6 =	vcmask $0x1714;
	v1 =	vsel vm5, $0x200, v1;
	v4 =	vsel vm5, $0x4200, v4  }
0x16: {  	vm7 =	vcmask $0x1B18;
	v1 =	vsel vm6, $0x280, v1;
	v4 =	vsel vm6, $0x4280, v4  }
0x17: {  	vm8 =	vcmask $0x1F1C;
	v1 =	vsel vm7, $0x300, v1;
	v4 =	vsel vm7, $0x4300, v4  }
0x18: {  	vm9 =	vcmask $0x2320;
	v1 =	vsel vm8, $0x380, v1;
	v4 =	vsel vm8, $0x4380, v4  }
0x19: {  	vm10 =	vcmask $0x2724;
	s4 =	sadd.s32 $0x1A00, s7;
	v1 =	vsel vm9, $0x2000, v1;
	v4 =	vsel vm9, $0x6000, v4  }
0x1a: {  	s5 =	sadd.s32 $0x800, s7;
	s8 =	ssub.s32 $0x2, s6;
	vm11 =	vcmask $0x2B28;
	s6 =	sadd.s32 $0x1800, s7;
	v1 =	vsel vm10, $0x2080, v1;
	v4 =	vsel vm10, $0x6080, v4  }
.Ltmp1:
0x1b: {  	s7 =	sadd.s32 $0x1C00, s7;
	vm12 =	vcmask $0x2F2C;
	s10 =	simm.s32 $0x8900;
	v1 =	vsel vm11, $0x2100, v1;
	v4 =	vsel vm11, $0x6100, v4;
	(pc) =	sbr.rel .LBB2_2-.Ltmp1, $4  }
0x1c: {  	vm13 =	vcmask $0x3330;
	s11 =	simm.s32 $0x1;
	s12 =	simm.s32 $0x8D00;
	s13 =	simm.s32 $0x500;
	v1 =	vsel vm12, $0x2180, v1;
	v4 =	vsel vm12, $0x6180, v4  }
0x1d: {  	vm14 =	vcmask $0x3734;
	s14 =	simm.s32 $0x900;
	s15 =	simm.s32 $0x9100;
	s16 =	simm.s32 $0x9500;
	v1 =	vsel vm13, $0x2200, v1;
	v4 =	vsel vm13, $0x6200, v4  }
0x1e: {  	s17 =	simm.s32 $0x400;
	s18 =	simm.s32 $0x480;
	s9 =	sshrl.u32 s8, $0x1;
	vm15 =	vcmask $0x3B38;
	v1 =	vsel vm14, $0x2280, v1;
	v6 =	vsel vm14, $0x6280, v4  }
0x1f: {  	v3 =	vlaneseq.u32;
	s19 =	simm.s32 $0x0;
	s8 =	ssub.s32 s8, s9;
	s9 =	simm.s32 $0x0;
	v5 =	vsel vm15, $0x2300, v1;
	v6 =	vsel vm15, $0x6300, v6  }
.LBB2_11:
0x20: {  	s19 =	sadd.s32 $0x1, s19  }
0x21: {  	p0 =	sne.s32 s19, s8  }
.Ltmp2:
0x22: {  	_ = 	snop;
	(pc) =	sbr.rel @!p0 .LBB2_12-.Ltmp2, $4  }
0x23: {  	[hbm4b:s7+s9] =	stream.linear.scatter [tilespmem:s16], [sflag:$0x1], $0x4000, $0x38;
	[tilespmem:$0xD500] =	vst v63  }
0x24: {  	_ =	swait.ge [sflag:s11], $0x4000  }
0x25: {  	[sflag:s11] =	ssyncset.done $0x0  }
0x26: {  	[sflag:s11] =	ssyncadd.s32 $0xFFFFC000  }
.LBB2_2:
0x27: {  	[tilespmem:s10], [sflag:$0x1] =	stream.linear.gather [hbm4b:s1+s9], $0x400, $0x38;
	[tilespmem:$0xD500] =	vst v63  }
0x28: {  	_ =	swait.ge [sflag:s11], $0x400  }
0x29: {  	[sflag:s11] =	ssyncset.done $0x0  }
0x2a: {  	[sflag:s11] =	ssyncadd.s32 $0xFFFFFC00  }
0x2b: {  	[tilespmem:s12], [sflag:$0x1] =	stream.linear.gather [hbm4b:s3+s9], $0x400, $0x38;
	[tilespmem:$0xD500] =	vst v63  }
0x2c: {  	_ =	swait.ge [sflag:s11], $0x400  }
0x2d: {  	[sflag:s11] =	ssyncset.done $0x0  }
0x2e: {  	[sflag:s11] =	ssyncadd.s32 $0xFFFFFC00  }
0x2f: {  	[tilespmem:s13], [sflag:$0x1] =	stream.linear.gather [hbm4b:s4+s9], $0x400, $0x38;
	[tilespmem:$0xD500] =	vst v63  }
0x30: {  	_ =	swait.ge [sflag:s11], $0x400  }
0x31: {  	[sflag:s11] =	ssyncset.done $0x0  }
0x32: {  	[sflag:s11] =	ssyncadd.s32 $0xFFFFFC00  }
0x33: {  	[tilespmem:s14], [sflag:$0x1] =	stream.linear.gather [hbm4b:s5+s9], $0x8000, $0x38;
	[tilespmem:$0xD500] =	vst v63  }
0x34: {  	_ =	swait.ge [sflag:s11], $0x8000  }
0x35: {  	[sflag:s11] =	ssyncset.done $0x0  }
0x36: {  	[sflag:s11] =	ssyncadd.s32 $0xFFFF8000  }
0x37: {  	[tilespmem:s15], [sflag:$0x1] =	stream.linear.gather [hbm4b:s6+s9], $0x400, $0x38;
	[tilespmem:$0xD500] =	vst v63  }
0x38: {  	_ =	swait.ge [sflag:s11], $0x400  }
0x39: {  	[sflag:s11] =	ssyncset.done $0x0  }
0x3a: {  	[sflag:s11] =	ssyncadd.s32 $0xFFFFFC00  }
0x3b: {  	v4 =	vld [tilespmem:$0x89D0];
	_ =	sdelay $0x4  }
0x3c: {  	[tilespmem:$0x1FC60] =	vst v4;
	v4 =	vld [tilespmem:$0x89E0];
	_ =	sdelay $0x4  }
0x3d: {  	[tilespmem:$0x1FC70] =	vst v4;
	v4 =	vld [tilespmem:$0x89F0];
	_ =	sdelay $0x4  }
0x3e: {  	[tilespmem:$0x1FC80] =	vst v4;
	v4 =	vld [tilespmem:$0x8A00];
	_ =	sdelay $0x4  }
0x3f: {  	[tilespmem:$0x1FC90] =	vst v4;
	v4 =	vld [tilespmem:$0x8A10];
	_ =	sdelay $0x3  }
0x40: {  	v1 =	vld [tilespmem:$0x500]  }
0x41: {  	[tilespmem:$0x1FCB0] =	vst v4;
	v4 =	vld [tilespmem:$0x8A20]  }
0x42: {  	v34 =	vld [tilespmem:$0x8900]  }
0x43: {  	v10 =	vld [tilespmem:$0x510]  }
0x44: {  	v35 =	vld [tilespmem:$0x8910]  }
0x45: {  	v14 =	vld [tilespmem:$0x520]  }
0x46: {  	[tilespmem:$0x1FCC0] =	vst v4;
	v4 =	vld [tilespmem:$0x8A30]  }
0x47: {  	v36 =	vld [tilespmem:$0x8920]  }
0x48: {  	v19 =	vld [tilespmem:$0x530]  }
0x49: {  	v21 =	vld [tilespmem:$0x540]  }
0x4a: {  	v27 =	vld [tilespmem:$0x560]  }
0x4b: {  	[tilespmem:$0x1FCD0] =	vst v4;
	v4 =	vld [tilespmem:$0x8A40]  }
0x4c: {  	v38 =	vld [tilespmem:$0x590]  }
0x4d: {  	v51 =	vld [tilespmem:$0x8990]  }
0x4e: {  	v46 =	vld [tilespmem:$0x5C0]  }
0x4f: {  	v2 =	vld [tilespmem:$0x89C0]  }
0x50: {  	[tilespmem:$0x1FCF0] =	vst v4;
	v4 =	vld [tilespmem:$0x8A50]  }
0x51: {  	v57 =	vld [tilespmem:$0x600]  }
0x52: {  	v60 =	vld [tilespmem:$0x8BC0]  }
0x53: {  	v62 =	vld [tilespmem:$0x630]  }
0x54: {  	v63 =	vld [tilespmem:$0x640]  }
0x55: {  	vm6 =	veq.s32 v1, $0x0;
	[tilespmem:$0x1FD00] =	vst v4;
	v4 =	vld [tilespmem:$0x8A60]  }
0x56: {  	v47 =	vld [tilespmem:$0x6C0];
	vm9 =	veq.s32 v14, $0x0;
	vm12 =	veq.s32 v21, $0x0;
	vm8 =	veq.s32 v38, $0x0  }
0x57: {  	v37 =	vld [tilespmem:$0x8930];
	[tilespmem:$0x1FEB0] =	vst v60;
	v60 =	vimm.s32 $0x0;
	v38 =	vnsel vm6, $0xFF800000, v34;
	vm6 =	veq.s32 v57, $0x0  }
0x58: {  	v42 =	vld [tilespmem:$0x8940];
	vm14 =	veq.s32 v27, $0x0;
	vm2 =	veq.s32 v46, $0x0;
	v14 =	vsel vm6, $0xFFFFFFFF, v60  }
0x59: {  	v48 =	vld [tilespmem:$0x5D0];
	v27 =	vimm.s32 $0x0;
	v21 =	vnsel vm9, $0xFF800000, v36;
	vm9 =	veq.s32 v62, $0x0;
	[tilespmem:$0x1FCA0] =	vst v14  }
0x5a: {  	v14 =	vsel vm9, $0xFFFFFFFF, v27;
	vm9 =	veq.s32 v63, $0x0;
	v63 =	vnsel vm8, $0xFF800000, v51;
	[tilespmem:$0x1FD10] =	vst v4;
	v4 =	vld [tilespmem:$0x8A70]  }
0x5b: {  	v29 =	vld [tilespmem:$0x660];
	v27 =	vnsel vm2, $0xFF800000, v2;
	vm8 =	veq.s32 v47, $0x0;
	v2 =	vimm.s32 $0x0  }
0x5c: {  	v32 =	vld [tilespmem:$0x570];
	v2 =	vsel vm8, $0xFFFFFFFF, v2  }
0x5d: {  	[tilespmem:$0x1FDA0] =	vst v2;
	v2 =	vld [tilespmem:$0x1FC60]  }
0x5e: {  	v49 =	vld [tilespmem:$0x8970];
	vm7 =	veq.s32 v10, $0x0  }
0x5f: {  	vm1 =	veq.s32 v48, $0x0;
	v48 =	vnsel vm7, $0xFF800000, v35;
	[tilespmem:$0x1FD30] =	vst v4;
	v4 =	vld [tilespmem:$0x8A80]  }
0x60: {  	v41 =	vld [tilespmem:$0x5A0];
	v35 =	vnsel vm12, $0xFF800000, v42;
	vm12 =	veq.s32 v29, $0x0;
	v29 =	vimm.s32 $0x0  }
0x61: {  	v53 =	vld [tilespmem:$0x5E0];
	[tilespmem:$0x1FCE0] =	vst v14;
	v14 =	vsel vm12, $0xFFFFFFFF, v29  }
0x62: {  	[tilespmem:$0x1FD20] =	vst v14;
	v14 =	vnsel vm1, $0xFF800000, v2;
	v2 =	vld [tilespmem:$0x1FC70]  }
0x63: {  	v58 =	vld [tilespmem:$0x89A0]  }
0x64: {  	[tilespmem:$0x1FD40] =	vst v4;
	v4 =	vld [tilespmem:$0x690]  }
0x65: {  	v43 =	vld [tilespmem:$0x5B0]  }
0x66: {  	v54 =	vld [tilespmem:$0x89B0];
	vm5 =	veq.s32 v53, $0x0  }
0x67: {  	v55 =	vld [tilespmem:$0x5F0];
	v2 =	vnsel vm5, $0xFF800000, v2  }
0x68: {  	vm15 =	veq.s32 v32, $0x0;
	[tilespmem:$0x1FF20] =	vst v2;
	v2 =	vld [tilespmem:$0x1FC80]  }
0x69: {  	v23 =	vld [tilespmem:$0x550];
	v32 =	vnsel vm15, $0xFF800000, v49;
	vm15 =	veq.s32 v4, $0x0;
	v4 =	vimm.s32 $0x0  }
0x6a: {  	v40 =	vld [tilespmem:$0x8950];
	vm4 =	veq.s32 v41, $0x0;
	v4 =	vsel vm15, $0xFFFFFFFF, v4  }
0x6b: {  	v56 =	vld [tilespmem:$0x8960];
	vm3 =	veq.s32 v43, $0x0;
	[tilespmem:$0x1FD60] =	vst v4;
	v4 =	vnsel vm4, $0xFF800000, v58  }
0x6c: {  	v33 =	vld [tilespmem:$0x580];
	vm10 =	veq.s32 v55, $0x0;
	[tilespmem:$0x1FF10] =	vst v4;
	v4 =	vnsel vm3, $0xFF800000, v54  }
0x6d: {  	v2 =	vnsel vm10, $0xFF800000, v2;
	[tilespmem:$0x1FF90] =	vst v4;
	v4 =	vld [tilespmem:$0x1FCA0]  }
0x6e: {  	[tilespmem:$0x1FFA0] =	vst v2;
	v2 =	vld [tilespmem:$0x1FC90]  }
0x6f: {  	v50 =	vld [tilespmem:$0x8980]  }
0x70: {  	v59 =	vld [tilespmem:$0x610]  }
0x71: {  	v61 =	vld [tilespmem:$0x620]  }
0x72: {  	v45 =	vld [tilespmem:$0x6D0];
	vm10 =	vnez.u8 v4  }
0x73: {  	v47 =	vnsel vm10, $0xFF800000, v2;
	v2 =	vld [tilespmem:$0x1FCB0]  }
0x74: {  	v24 =	vld [tilespmem:$0x650]  }
0x75: {  	v26 =	vld [tilespmem:$0x670]  }
0x76: {  	v31 =	vld [tilespmem:$0x680]  }
0x77: {  	v7 =	vld [tilespmem:$0x8A90];
	vm6 =	veq.s32 v59, $0x0  }
0x78: {  	vm4 =	veq.s32 v45, $0x0;
	v45 =	vnsel vm6, $0xFF800000, v2;
	v2 =	vld [tilespmem:$0x1FCC0]  }
0x79: {  	v17 =	vld [tilespmem:$0x6A0]  }
0x7a: {  	v16 =	vld [tilespmem:$0x6B0]  }
0x7b: {  	v8 =	vld [tilespmem:$0x8AE0]  }
0x7c: {  	v9 =	vld [tilespmem:$0x8AF0];
	vm7 =	veq.s32 v61, $0x0  }
0x7d: {  	v4 =	vld [tilespmem:$0x1FCE0];
	v2 =	vnsel vm7, $0xFF800000, v2  }
0x7e: {  	[tilespmem:$0x1FF30] =	vst v2;
	v2 =	vld [tilespmem:$0x1FCD0]  }
0x7f: {  	v52 =	vld [tilespmem:$0x700]  }
0x80: {  	v25 =	vld [tilespmem:$0x8B00]  }
0x81: {  	v44 =	vld [tilespmem:$0x710]  }
0x82: {  	v28 =	vld [tilespmem:$0x8B10];
	vm7 =	vnez.u8 v4  }
0x83: {  	v15 =	vld [tilespmem:$0x720];
	v2 =	vnsel vm7, $0xFF800000, v2  }
0x84: {  	[tilespmem:$0x1FFB0] =	vst v2;
	v2 =	vld [tilespmem:$0x1FCF0]  }
0x85: {  	v30 =	vld [tilespmem:$0x8B20]  }
0x86: {  	v11 =	vld [tilespmem:$0x8B30]  }
0x87: {  	v12 =	vld [tilespmem:$0x8B40];
	vm11 =	veq.s32 v19, $0x0  }
0x88: {  	v13 =	vld [tilespmem:$0x8B50];
	vm13 =	veq.s32 v23, $0x0;
	v23 =	vnsel vm11, $0xFF800000, v37  }
0x89: {  	[tilespmem:$0x1FF70] =	vst v23;
	v23 =	vnsel vm9, $0xFF800000, v2;
	v2 =	vld [tilespmem:$0x1FD00]  }
0x8a: {  	v18 =	vld [tilespmem:$0x8B60]  }
0x8b: {  	v20 =	vld [tilespmem:$0x8B70]  }
0x8c: {  	v22 =	vld [tilespmem:$0x8B80]  }
0x8d: {  	vm11 =	veq.s32 v24, $0x0;
	v4 =	vld [tilespmem:$0x1FD20]  }
0x8e: {  	vm10 =	veq.s32 v15, $0x0;
	v15 =	vnsel vm11, $0xFF800000, v2;
	v2 =	vld [tilespmem:$0x1FD10]  }
0x8f: {  	[tilespmem:$0x1FD50] =	vst v7;
	v7 =	vld [tilespmem:$0x8AA0]  }
0x90: {  	[tilespmem:$0x1FDC0] =	vst v8;
	v8 =	vld [tilespmem:$0x6F0]  }
0x91: {  	[tilespmem:$0x1FDD0] =	vst v9;
	v9 =	vld [tilespmem:$0x730]  }
0x92: {  	[tilespmem:$0x1FE10] =	vst v11;
	v11 =	vld [tilespmem:$0x740];
	vm11 =	vnez.u8 v4  }
0x93: {  	[tilespmem:$0x1FE20] =	vst v12;
	v12 =	vld [tilespmem:$0x750];
	v2 =	vnsel vm11, $0xFF800000, v2  }
0x94: {  	[tilespmem:$0x1FF40] =	vst v2;
	v2 =	vld [tilespmem:$0x1FD30]  }
0x95: {  	[tilespmem:$0x1FE30] =	vst v13;
	v13 =	vld [tilespmem:$0x760]  }
0x96: {  	[tilespmem:$0x1FE40] =	vst v18;
	v18 =	vld [tilespmem:$0x770]  }
0x97: {  	[tilespmem:$0x1FE50] =	vst v20;
	v20 =	vld [tilespmem:$0x780]  }
0x98: {  	[tilespmem:$0x1FE60] =	vst v22;
	v22 =	vld [tilespmem:$0x790];
	vm12 =	veq.s32 v26, $0x0  }
0x99: {  	[tilespmem:$0x1FDE0] =	vst v25;
	v25 =	vld [tilespmem:$0x8B90];
	v2 =	vnsel vm12, $0xFF800000, v2  }
0x9a: {  	[tilespmem:$0x1FFC0] =	vst v2;
	v2 =	vld [tilespmem:$0x1FD40]  }
0x9b: {  	[tilespmem:$0x1FDF0] =	vst v28;
	v28 =	vld [tilespmem:$0x8BA0]  }
0x9c: {  	[tilespmem:$0x1FE00] =	vst v30;
	v30 =	vld [tilespmem:$0x8BB0]  }
0x9d: {  	v10 =	vld [tilespmem:$0x7D0]  }
0x9e: {  	v61 =	vnsel vm13, $0xFF800000, v40;
	vm13 =	veq.s32 v31, $0x0;
	v4 =	vld [tilespmem:$0x1FD60]  }
0x9f: {  	[tilespmem:$0x1FF00] =	vst v21;
	v21 =	vnsel vm13, $0xFF800000, v2;
	v2 =	vld [tilespmem:$0x1FD50]  }
0xa0: {  	v1 =	vld [tilespmem:$0x8BD0]  }
0xa1: {  	v43 =	vld [tilespmem:$0x8BE0]  }
0xa2: {  	vm0 =	veq.s32 v33, $0x0;
	v53 =	vld [tilespmem:$0x7F0]  }
0xa3: {  	v41 =	vld [tilespmem:$0x8BF0];
	v40 =	vnsel vm0, $0xFF800000, v50;
	vm0 =	veq.s32 v11, $0x0;
	vm12 =	vnez.u8 v4  }
0xa4: {  	v33 =	vld [tilespmem:$0x8C10];
	v11 =	vnsel vm12, $0xFF800000, v2;
	vm12 =	veq.s32 v22, $0x0;
	v2 =	vimm.s32 $0x0  }
0xa5: {  	[tilespmem:$0x1FD70] =	vst v7;
	v7 =	vld [tilespmem:$0x8AB0];
	v2 =	vsel vm12, $0xFFFFFFFF, v2  }
0xa6: {  	[tilespmem:$0x1FE80] =	vst v2;
	v2 =	vld [tilespmem:$0x1FD70]  }
0xa7: {  	v55 =	vld [tilespmem:$0x870]  }
0xa8: {  	v57 =	vld [tilespmem:$0x800]  }
0xa9: {  	v62 =	vld [tilespmem:$0x8C00]  }
0xaa: {  	v34 =	vld [tilespmem:$0x810];
	v46 =	vnsel vm14, $0xFF800000, v56;
	vm14 =	veq.s32 v17, $0x0  }
0xab: {  	[tilespmem:$0x1FD80] =	vst v7;
	v7 =	vld [tilespmem:$0x8AC0];
	v2 =	vnsel vm14, $0xFF800000, v2  }
0xac: {  	[tilespmem:$0x1FF50] =	vst v2;
	v2 =	vld [tilespmem:$0x1FD80]  }
0xad: {  	v24 =	vld [tilespmem:$0x820]  }
0xae: {  	v36 =	vld [tilespmem:$0x8C20]  }
0xaf: {  	v37 =	vld [tilespmem:$0x8C30]  }
0xb0: {  	[tilespmem:$0x1FD90] =	vst v7;
	v7 =	vld [tilespmem:$0x8AD0];
	vm15 =	veq.s32 v16, $0x0  }
0xb1: {  	v4 =	vld [tilespmem:$0x1FDA0];
	v2 =	vnsel vm15, $0xFF800000, v2  }
0xb2: {  	[tilespmem:$0x1FFD0] =	vst v2;
	v2 =	vld [tilespmem:$0x1FD90]  }
0xb3: {  	v49 =	vld [tilespmem:$0x8C40]  }
0xb4: {  	v50 =	vld [tilespmem:$0x8C50]  }
0xb5: {  	v42 =	vld [tilespmem:$0x8DC0]  }
0xb6: {  	v56 =	vld [tilespmem:$0x8E40];
	[tilespmem:$0x1FDB0] =	vst v7;
	vm14 =	vnez.u8 v4  }
0xb7: {  	vm3 =	veq.s32 v44, $0x0;
	v44 =	vnsel vm14, $0xFF800000, v2;
	v2 =	vld [tilespmem:$0x1FDB0]  }
0xb8: {  	v17 =	vld [tilespmem:$0x8CC0]  }
0xb9: {  	v60 =	vld [tilespmem:$0x840]  }
0xba: {  	[tilespmem:$0x1FF80] =	vst v32;
	v32 =	vld [tilespmem:$0x8C70]  }
0xbb: {  	[tilespmem:$0x50] =	vst v61;
	v61 =	vld [tilespmem:$0x8F0]  }
0xbc: {  	[tilespmem:$0x1FEC0] =	vst v1;
	v1 =	vld [tilespmem:$0x7E0];
	vm15 =	veq.s32 v10, $0x0;
	v59 =	vnsel vm4, $0xFF800000, v2;
	v2 =	vimm.s32 $0x0  }
0xbd: {  	v7 =	vld [tilespmem:$0x6E0];
	v2 =	vsel vm15, $0xFFFFFFFF, v2  }
0xbe: {  	[tilespmem:$0x1FED0] =	vst v2;
	v2 =	vld [tilespmem:$0x1FDC0]  }
0xbf: {  	v51 =	vld [tilespmem:$0x8C60]  }
0xc0: {  	v29 =	vld [tilespmem:$0x830]  }
0xc1: {  	v26 =	vld [tilespmem:$0x850]  }
0xc2: {  	[tilespmem:$0x90] =	vst v63;
	v63 =	vld [tilespmem:$0x8D50];
	vm8 =	veq.s32 v7, $0x0  }
0xc3: {  	[tilespmem:$0x1FE70] =	vst v25;
	v25 =	vld [tilespmem:$0x7A0];
	v2 =	vnsel vm8, $0xFF800000, v2;
	vm8 =	veq.s32 v1, $0x0;
	v1 =	vimm.s32 $0x0  }
0xc4: {  	[tilespmem:$0x1FF60] =	vst v2;
	v1 =	vsel vm8, $0xFFFFFFFF, v1;
	v2 =	vld [tilespmem:$0x1FE00]  }
0xc5: {  	[tilespmem:$0x1FEE0] =	vst v1;
	v1 =	vld [tilespmem:$0x1FDD0]  }
0xc6: {  	[tilespmem:$0x1FE90] =	vst v28;
	v28 =	vld [tilespmem:$0x7B0]  }
0xc7: {  	[tilespmem:$0x1FEA0] =	vst v30;
	v30 =	vld [tilespmem:$0x7C0]  }
0xc8: {  	vm1 =	veq.s32 v9, $0x0;
	v9 =	vld [tilespmem:$0x8B0]  }
0xc9: {  	vm5 =	veq.s32 v8, $0x0;
	v8 =	vld [tilespmem:$0x8C0]  }
0xca: {  	vm2 =	veq.s32 v52, $0x0;
	v52 =	vnsel vm10, $0xFF800000, v2;
	v2 =	vld [tilespmem:$0x1FE10];
	v1 =	vnsel vm5, $0xFF800000, v1  }
0xcb: {  	v7 =	vld [tilespmem:$0x8D00];
	vm15 =	veq.s32 v53, $0x0;
	[tilespmem:$0x1FFE0] =	vst v1;
	v1 =	vimm.s32 $0x0  }
0xcc: {  	v16 =	vld [tilespmem:$0x860];
	v1 =	vsel vm15, $0xFFFFFFFF, v1  }
0xcd: {  	[tilespmem:$0x1FEF0] =	vst v1;
	v1 =	vld [tilespmem:$0x1FDE0]  }
0xce: {  	v58 =	vld [tilespmem:$0x8E80]  }
0xcf: {  	v54 =	vld [tilespmem:$0x8E00];
	v2 =	vnsel vm1, $0xFF800000, v2  }
0xd0: {  	[tilespmem:$0x1FFF0] =	vst v2;
	v2 =	vld [tilespmem:$0x1FE20]  }
0xd1: {  	[tilespmem:$0x110] =	vst v45;
	v45 =	vld [tilespmem:$0x8DD0]  }
0xd2: {  	vm9 =	veq.s32 v18, $0x0;
	v18 =	vnsel vm2, $0xFF800000, v1;
	v1 =	vld [tilespmem:$0x1FDF0]  }
0xd3: {  	vm11 =	veq.s32 v20, $0x0;
	v20 =	vld [tilespmem:$0x880]  }
0xd4: {  	vm13 =	veq.s32 v28, $0x0;
	v28 =	vld [tilespmem:$0x8C80]  }
0xd5: {  	v7 =	vadd.f32 $0.0e+00, v7;
	v19 =	vnsel vm0, $0xFF800000, v2;
	v2 =	vld [tilespmem:$0x1FE30]  }
0xd6: {  	vm6 =	veq.s32 v12, $0x0;
	vm7 =	veq.s32 v13, $0x0;
	vm12 =	veq.s32 v25, $0x0;
	v25 =	vld [tilespmem:$0x8CA0]  }
0xd7: {  	vm14 =	veq.s32 v30, $0x0;
	vm4 =	vlt.f32 v38, $-Inf;
	v31 =	vnsel vm3, $0xFF800000, v1;
	v1 =	vld [tilespmem:$0x8D40]  }
0xd8: {  	v4 =	vld [tilespmem:$0x8A0];
	vm8 =	vlt.f32 v35, $-Inf;
	vm10 =	vgt.f32 v35, $-Inf;
	vm5 =	vgt.f32 v38, $-Inf  }
0xd9: {  	vm8 =	vmor vm10, vm8;
	vm10 =	vlt.f32 v40, $-Inf;
	vm2 =	veq.s32 v34, $0x0;
	v34 =	vld [tilespmem:$0x8D80]  }
0xda: {  	vm15 =	veq.s32 v57, $0x0;
	vm0 =	vmor vm5, vm4;
	v13 =	vnsel vm6, $0xFF800000, v2;
	v2 =	vld [tilespmem:$0x1FE40]  }
0xdb: {  	v10 =	vld [tilespmem:$0x890];
	vm4 =	veq.s32 v24, $0x0;
	vm5 =	vgt.f32 v40, $-Inf;
	v7 =	vnsel vm0, $0x0, v7  }
0xdc: {  	v30 =	vld [tilespmem:$0x8D0];
	vm0 =	vmor vm5, vm10;
	vm10 =	vgt.f32 v27, $-Inf;
	v1 =	vnsel vm8, $0x0, v1  }
0xdd: {  	v53 =	vld [tilespmem:$0x8C90];
	vm6 =	vlt.f32 v47, $-Inf;
	vm8 =	vlt.f32 v27, $-Inf;
	v1 =	vadd.f32 v1, v7  }
0xde: {  	v57 =	vld [tilespmem:$0x8CB0];
	v7 =	vnsel vm0, $0x0, v34;
	vm0 =	vmor vm10, vm8;
	vm8 =	vgt.f32 v47, $-Inf  }
0xdf: {  	[tilespmem:$0x210] =	vst v31;
	vm10 =	vgt.f32 v23, $-Inf;
	v22 =	vnsel vm0, $0x0, v42;
	v34 =	vnsel vm7, $0xFF800000, v2;
	v2 =	vld [tilespmem:$0x1FE50]  }
0xe0: {  	[tilespmem:$0x1D0] =	vst v59;
	v59 =	vld [tilespmem:$0x210];
	vm0 =	vmor vm8, vm6;
	vm6 =	veq.s32 v60, $0x0;
	v1 =	vadd.f32 v7, v1  }
0xe1: {  	vm7 =	vlt.f32 v21, $-Inf;
	v60 =	vld [tilespmem:$0x8CD0];
	v42 =	vnsel vm0, $0x0, v54;
	vm0 =	vlt.f32 v23, $-Inf  }
0xe2: {  	vm8 =	vgt.f32 v21, $-Inf;
	v54 =	vld [tilespmem:$0x8EC0];
	vm0 =	vmor vm10, vm0;
	v1 =	vadd.f32 v22, v1  }
0xe3: {  	v7 =	vld [tilespmem:$0x8E0];
	vm10 =	vgt.f32 v44, $-Inf;
	v12 =	vnsel vm0, $0x0, v56;
	vm0 =	vmor vm8, vm7  }
0xe4: {  	[tilespmem:$0x260] =	vst v34;
	v34 =	vld [tilespmem:$0x8F20];
	v1 =	vadd.f32 v42, v1;
	v22 =	vnsel vm9, $0xFF800000, v2;
	vm9 =	vlt.f32 v44, $-Inf  }
0xe5: {  	vm5 =	veq.s32 v29, $0x0;
	v56 =	vld [tilespmem:$0x8F00];
	v29 =	vnsel vm0, $0x0, v58;
	vm0 =	vmor vm10, vm9  }
0xe6: {  	v58 =	vld [tilespmem:$0x1FEB0];
	vm9 =	vlt.f32 v18, $-Inf;
	vm10 =	vgt.f32 v18, $-Inf;
	v1 =	vadd.f32 v12, v1  }
0xe7: {  	v24 =	vnsel vm0, $0x0, v54;
	vm0 =	vmor vm10, vm9;
	vm10 =	veq.s32 v20, $0x0;
	v20 =	vld [tilespmem:$0x1FE90]  }
0xe8: {  	v2 =	vld [tilespmem:$0x1FE70]  }
0xe9: {  	v29 =	vadd.f32 v29, v1;
	v1 =	vld [tilespmem:$0x1FE60]  }
0xea: {  	[tilespmem:$0x10] =	vst v48;
	vm8 =	veq.s32 v16, $0x0;
	v54 =	vld [tilespmem:$0x8D10]  }
0xeb: {  	vm9 =	veq.s32 v55, $0x0;
	v55 =	vnsel vm14, $0xFF800000, v58;
	v58 =	vld [tilespmem:$0x10];
	v16 =	vadd.f32 v24, v29  }
0xec: {  	v12 =	vnsel vm0, $0x0, v56;
	v48 =	vnsel vm12, $0xFF800000, v20;
	v20 =	vld [tilespmem:$0x1FEA0]  }
0xed: {  	v12 =	vadd.f32 v12, v16;
	v16 =	vld [tilespmem:$0x1FE80]  }
0xee: {  	v24 =	vnsel vm11, $0xFF800000, v1;
	v1 =	vld [tilespmem:$0x8F80]  }
0xef: {  	v62 =	vnsel vm15, $0xFF800000, v62;
	vm15 =	vlt.f32 v19, $-Inf;
	vm7 =	veq.s32 v26, $0x0;
	v26 =	vld [tilespmem:$0x8CE0]  }
0xf0: {  	[tilespmem:$0xD0] =	vst v14;
	v42 =	vld [tilespmem:$0x90];
	vm14 =	vlt.f32 v55, $-Inf;
	v14 =	vadd.f32 $0.0e+00, v54;
	vm3 =	vlt.f32 v58, $-Inf  }
0xf1: {  	v29 =	vld [tilespmem:$0x8F40];
	vm12 =	vlt.f32 v24, $-Inf;
	v20 =	vnsel vm13, $0xFF800000, v20;
	vm13 =	vgt.f32 v24, $-Inf  }
0xf2: {  	v56 =	vld [tilespmem:$0x50];
	vm11 =	vnez.u8 v16;
	vm1 =	vmor vm13, vm12;
	vm12 =	vgt.f32 v58, $-Inf  }
0xf3: {  	v16 =	vnsel vm11, $0xFF800000, v2;
	v2 =	vld [tilespmem:$0x8FC0];
	vm11 =	vgt.f32 v19, $-Inf;
	v1 =	vnsel vm1, $0x0, v1  }
0xf4: {  	v54 =	vld [tilespmem:$0x8D90];
	[tilespmem:$0x2A0] =	vst v48;
	vm1 =	vgt.f32 v62, $-Inf;
	vm12 =	vmor vm12, vm3;
	vm0 =	vmor vm11, vm15  }
0xf5: {  	v48 =	vld [tilespmem:$0x2A0];
	vm15 =	vgt.f32 v55, $-Inf;
	v14 =	vnsel vm12, $0x0, v14;
	vm12 =	veq.s32 v4, $0x0;
	[tilespmem:$0x290] =	vst v16  }
0xf6: {  	v29 =	vnsel vm0, $0x0, v29;
	vm11 =	vmor vm15, vm14;
	vm0 =	vlt.f32 v62, $-Inf;
	v16 =	vld [tilespmem:$0x290]  }
0xf7: {  	vm13 =	vmor vm1, vm0;
	vm0 =	vlt.f32 v56, $-Inf;
	v4 =	vadd.f32 v29, v12;
	v12 =	vld [tilespmem:$0x110]  }
0xf8: {  	vm1 =	vgt.f32 v56, $-Inf;
	v2 =	vnsel vm11, $0x0, v2;
	vm11 =	veq.s32 v10, $0x0;
	v10 =	vld [tilespmem:$0xD0]  }
0xf9: {  	vm14 =	vlt.f32 v42, $-Inf;
	v29 =	vld [tilespmem:$0x8E10];
	vm0 =	vmor vm1, vm0  }
0xfa: {  	[tilespmem:$0x150] =	vst v15;
	vm15 =	vgt.f32 v42, $-Inf;
	v15 =	vnsel vm0, $0x0, v63;
	v63 =	vmax.f32 v58, v56;
	v56 =	vld [tilespmem:$0x8CF0]  }
0xfb: {  	v1 =	vadd.f32 v1, v4;
	vm0 =	vmor vm15, vm14;
	v4 =	vadd.f32 v15, v14;
	v14 =	vld [tilespmem:$0x150]  }
0xfc: {  	[tilespmem:$0x190] =	vst v11;
	v11 =	vnsel vm0, $0x0, v54;
	v15 =	vld [tilespmem:$0x8E50];
	v42 =	vmax.f32 v63, v42;
	v54 =	vnsel vm7, $0xFF800000, v50  }
0xfd: {  	v4 =	vadd.f32 v11, v4;
	v11 =	vld [tilespmem:$0x190];
	vm14 =	vlt.f32 v10, $-Inf;
	vm15 =	vgt.f32 v10, $-Inf  }
0xfe: {  	v58 =	vld [tilespmem:$0x8E90];
	[tilespmem:$0x350] =	vst v54;
	v10 =	vmax.f32 v42, v10;
	vm0 =	vmor vm15, vm14;
	vm14 =	vlt.f32 v12, $-Inf  }
0xff: {  	v50 =	vld [tilespmem:$0x350];
	vm15 =	vgt.f32 v12, $-Inf;
	v63 =	vmax.f32 v10, v12;
	v45 =	vnsel vm0, $0x0, v45  }
0x100: {  	v42 =	vld [tilespmem:$0x9080];
	vm0 =	vmor vm15, vm14;
	vm14 =	vlt.f32 v14, $-Inf;
	vm15 =	vgt.f32 v14, $-Inf  }
0x101: {  	v4 =	vadd.f32 v45, v4;
	v45 =	vld [tilespmem:$0x9000];
	v29 =	vnsel vm0, $0x0, v29;
	vm0 =	vmor vm15, vm14  }
0x102: {  	[tilespmem:$0x250] =	vst v13;
	v12 =	vld [tilespmem:$0x1D0];
	vm14 =	vlt.f32 v11, $-Inf;
	vm15 =	vgt.f32 v11, $-Inf;
	v15 =	vnsel vm0, $0x0, v15  }
0x103: {  	vm0 =	vmor vm15, vm14;
	vm15 =	veq.s32 v30, $0x0;
	v30 =	vld [tilespmem:$0x250];
	v4 =	vadd.f32 v29, v4  }
0x104: {  	v29 =	vld [tilespmem:$0x9040]  }
0x105: {  	v1 =	vadd.f32 v2, v1;
	v4 =	vadd.f32 v15, v4;
	v15 =	vld [tilespmem:$0x90C0]  }
0x106: {  	v31 =	vnsel vm13, $0x0, v45;
	vm13 =	veq.s32 v8, $0x0;
	v8 =	vnsel vm0, $0x0, v58;
	v58 =	vld [tilespmem:$0x8ED0]  }
0x107: {  	v2 =	vmax.f32 v63, v14;
	v45 =	vld [tilespmem:$0x8FD0]  }
0x108: {  	v31 =	vadd.f32 v31, v1;
	v1 =	vmax.f32 v2, v11;
	v2 =	vld [tilespmem:$0x1FEC0]  }
0x109: {  	v33 =	vnsel vm2, $0xFF800000, v33;
	v4 =	vadd.f32 v8, v4;
	v8 =	vld [tilespmem:$0x1FED0]  }
0x10a: {  	[tilespmem:$0x310] =	vst v33;
	vm14 =	veq.s32 v9, $0x0;
	v33 =	vnsel vm13, $0xFF800000, v17;
	v17 =	vld [tilespmem:$0x9050]  }
0x10b: {  	v11 =	vnsel vm4, $0xFF800000, v36;
	v36 =	vnsel vm14, $0xFF800000, v57;
	v57 =	vld [tilespmem:$0x8D20]  }
0x10c: {  	v63 =	vmax.f32 v1, v12;
	v1 =	vld [tilespmem:$0x1FEF0]  }
0x10d: {  	[tilespmem:$0x60] =	vst v46;
	v9 =	vmax.f32 v63, v59;
	v63 =	vnsel vm15, $0xFF800000, v60;
	v60 =	vld [tilespmem:$0x1FF10]  }
0x10e: {  	[tilespmem:$0x320] =	vst v11;
	vm0 =	vnez.u8 v8;
	v8 =	vld [tilespmem:$0x1FEE0]  }
0x10f: {  	[tilespmem:$0x220] =	vst v52;
	vm2 =	vlt.f32 v59, $-Inf;
	vm3 =	vgt.f32 v12, $-Inf;
	v52 =	vld [tilespmem:$0x320]  }
0x110: {  	vm13 =	vlt.f32 v16, $-Inf;
	vm14 =	vgt.f32 v16, $-Inf;
	v9 =	vmax.f32 v9, v30;
	[tilespmem:$0x3D0] =	vst v63;
	v63 =	vld [tilespmem:$0x8DA0]  }
0x111: {  	v9 =	vmax.f32 v9, v16;
	v16 =	vld [tilespmem:$0x60];
	v2 =	vnsel vm0, $0xFF800000, v2;
	vm1 =	vnez.u8 v1  }
0x112: {  	v14 =	vnsel vm1, $0xFF800000, v41;
	vm1 =	veq.s32 v7, $0x0;
	v7 =	vld [tilespmem:$0x8F50];
	[tilespmem:$0x2D0] =	vst v2;
	v2 =	vnsel vm5, $0xFF800000, v37  }
0x113: {  	v41 =	vld [tilespmem:$0x8F90];
	v37 =	vnsel vm9, $0xFF800000, v32;
	v32 =	vnsel vm10, $0xFF800000, v28;
	vm0 =	vnez.u8 v8  }
0x114: {  	vm7 =	vlt.f32 v30, $-Inf;
	v28 =	vld [tilespmem:$0x9010];
	vm15 =	vlt.f32 v32, $-Inf;
	v10 =	vnsel vm0, $0xFF800000, v43  }
0x115: {  	[tilespmem:$0xA0] =	vst v60;
	v60 =	vld [tilespmem:$0x1FF40];
	vm0 =	vlt.f32 v12, $-Inf;
	v12 =	vnsel vm1, $0xFF800000, v26;
	vm1 =	vmor vm14, vm13  }
0x116: {  	v8 =	vld [tilespmem:$0x8F10];
	v26 =	vadd.f32 $0.0e+00, v57;
	vm13 =	vlt.f32 v16, $-Inf;
	vm3 =	vmor vm3, vm0  }
0x117: {  	v43 =	vld [tilespmem:$0x2D0];
	vm14 =	vgt.f32 v16, $-Inf;
	vm0 =	veq.s32 v61, $0x0;
	v1 =	vnsel vm3, $0x0, v58  }
0x118: {  	v61 =	vnsel vm11, $0xFF800000, v53;
	v58 =	vld [tilespmem:$0x8D60];
	v4 =	vadd.f32 v1, v4;
	v1 =	vnsel vm6, $0xFF800000, v49  }
0x119: {  	[tilespmem:$0x390] =	vst v61;
	v61 =	vld [tilespmem:$0x1FF20];
	vm6 =	vgt.f32 v59, $-Inf;
	v59 =	vnsel vm8, $0xFF800000, v51;
	vm8 =	vgt.f32 v30, $-Inf  }
0x11a: {  	v53 =	vnsel vm12, $0xFF800000, v25;
	v49 =	vld [tilespmem:$0x310];
	vm2 =	vmor vm6, vm2;
	vm9 =	vmor vm8, vm7  }
0x11b: {  	v51 =	vld [tilespmem:$0x390];
	vm10 =	vlt.f32 v1, $-Inf;
	vm11 =	vgt.f32 v1, $-Inf;
	v8 =	vnsel vm2, $0x0, v8  }
0x11c: {  	vm8 =	vgt.f32 v32, $-Inf;
	vm12 =	vmor vm11, vm10;
	v8 =	vadd.f32 v8, v4;
	v4 =	vld [tilespmem:$0x1FF00]  }
0x11d: {  	vm6 =	vlt.f32 v33, $-Inf;
	vm7 =	vgt.f32 v33, $-Inf;
	v46 =	vnsel vm12, $0x0, v29;
	v29 =	vld [tilespmem:$0xA0]  }
0x11e: {  	v7 =	vnsel vm9, $0x0, v7;
	vm9 =	vmor vm8, vm15;
	vm15 =	vmor vm14, vm13;
	[tilespmem:$0xE0] =	vst v61;
	v61 =	vld [tilespmem:$0x1FF50]  }
0x11f: {  	vm10 =	vgt.f32 v43, $-Inf;
	v13 =	vnsel vm15, $0x0, v58;
	v58 =	vld [tilespmem:$0x1FF30];
	v7 =	vadd.f32 v7, v8  }
0x120: {  	vm13 =	vlt.f32 v50, $-Inf;
	v8 =	vnsel vm1, $0x0, v41;
	vm1 =	vlt.f32 v43, $-Inf;
	v41 =	vld [tilespmem:$0x3D0]  }
0x121: {  	v8 =	vadd.f32 v8, v7;
	v7 =	vmax.f32 v9, v43;
	v9 =	vnsel vm9, $0x0, v42;
	v42 =	vld [tilespmem:$0xE0];
	[tilespmem:$0x20] =	vst v4  }
0x122: {  	[tilespmem:$0x160] =	vst v60;
	vm1 =	vmor vm10, vm1;
	vm8 =	vlt.f32 v29, $-Inf;
	vm9 =	vgt.f32 v29, $-Inf;
	v54 =	vld [tilespmem:$0x20]  }
0x123: {  	v60 =	vld [tilespmem:$0x8EA0];
	v4 =	vnsel vm0, $0xFF800000, v56;
	vm0 =	vmor vm7, vm6;
	vm10 =	vmor vm9, vm8;
	[tilespmem:$0x1A0] =	vst v61  }
0x124: {  	v7 =	vmax.f32 v7, v49;
	vm8 =	vgt.f32 v50, $-Inf;
	v25 =	vnsel vm10, $0x0, v63;
	v57 =	vld [tilespmem:$0x1A0]  }
0x125: {  	[tilespmem:$0x3A0] =	vst v53;
	v30 =	vld [tilespmem:$0x9090];
	vm9 =	vmor vm8, vm13;
	vm10 =	vlt.f32 v51, $-Inf;
	vm13 =	vgt.f32 v51, $-Inf  }
0x126: {  	v53 =	vld [tilespmem:$0x3A0];
	[tilespmem:$0x120] =	vst v58;
	v17 =	vnsel vm9, $0x0, v17;
	vm9 =	vlt.f32 v41, $-Inf;
	vm14 =	vlt.f32 v42, $-Inf  }
0x127: {  	v56 =	vld [tilespmem:$0x120];
	vm11 =	vlt.f32 v54, $-Inf;
	vm12 =	vgt.f32 v54, $-Inf;
	v16 =	vmax.f32 v54, v16  }
0x128: {  	[tilespmem:$0x360] =	vst v59;
	v63 =	vld [tilespmem:$0x1FF60];
	vm15 =	vgt.f32 v42, $-Inf;
	vm3 =	vmor vm12, vm11;
	v16 =	vmax.f32 v16, v29  }
0x129: {  	v59 =	vld [tilespmem:$0x360];
	vm11 =	vlt.f32 v49, $-Inf;
	vm12 =	vgt.f32 v49, $-Inf;
	vm4 =	vlt.f32 v57, $-Inf  }
0x12a: {  	v43 =	vld [tilespmem:$0x90D0];
	vm5 =	vgt.f32 v57, $-Inf;
	v26 =	vnsel vm3, $0x0, v26;
	vm3 =	vmor vm15, vm14  }
0x12b: {  	v54 =	vld [tilespmem:$0x8DE0];
	v16 =	vmax.f32 v16, v42;
	vm6 =	vmor vm5, vm4;
	vm4 =	vgt.f32 v48, $-Inf  }
0x12c: {  	v61 =	vld [tilespmem:$0x8EE0];
	v26 =	vadd.f32 v13, v26;
	v13 =	vnsel vm0, $0x0, v15;
	v15 =	vnsel vm1, $0x0, v45  }
0x12d: {  	v29 =	vld [tilespmem:$0x8E20];
	[tilespmem:$0x1E0] =	vst v63;
	vm0 =	vmor vm12, vm11;
	vm11 =	vlt.f32 v56, $-Inf;
	vm12 =	vgt.f32 v56, $-Inf  }
0x12e: {  	[tilespmem:$0x2E0] =	vst v10;
	v58 =	vld [tilespmem:$0x1E0];
	v16 =	vmax.f32 v16, v56;
	v63 =	vnsel vm6, $0x0, v60;
	v28 =	vnsel vm0, $0x0, v28  }
0x12f: {  	v42 =	vld [tilespmem:$0x2E0];
	vm1 =	vmor vm12, vm11;
	vm0 =	vmor vm13, vm10;
	vm12 =	vgt.f32 v41, $-Inf  }
0x130: {  	v45 =	vld [tilespmem:$0x160];
	v8 =	vadd.f32 v15, v8;
	v25 =	vadd.f32 v25, v26;
	v54 =	vnsel vm3, $0x0, v54  }
0x131: {  	v56 =	vld [tilespmem:$0x260];
	v10 =	vnsel vm0, $0x0, v30;
	vm2 =	vmor vm12, vm9;
	vm9 =	vlt.f32 v59, $-Inf  }
0x132: {  	[tilespmem:$0x3E0] =	vst v12;
	v49 =	vld [tilespmem:$0x1FFD0];
	vm12 =	vlt.f32 v53, $-Inf;
	v29 =	vnsel vm1, $0x0, v29;
	v12 =	vnsel vm2, $0x0, v43  }
0x133: {  	v26 =	vld [tilespmem:$0x8E60];
	v8 =	vadd.f32 v28, v8;
	v25 =	vadd.f32 v54, v25;
	vm7 =	vlt.f32 v58, $-Inf  }
0x134: {  	v30 =	vld [tilespmem:$0x9020];
	vm8 =	vgt.f32 v58, $-Inf;
	vm5 =	vlt.f32 v42, $-Inf;
	vm6 =	vgt.f32 v42, $-Inf  }
0x135: {  	v54 =	vld [tilespmem:$0x220];
	vm14 =	vlt.f32 v45, $-Inf;
	vm15 =	vgt.f32 v45, $-Inf;
	vm0 =	vmor vm8, vm7  }
0x136: {  	v43 =	vld [tilespmem:$0x3E0];
	vm13 =	vlt.f32 v56, $-Inf;
	v16 =	vmax.f32 v16, v45;
	vm7 =	vlt.f32 v52, $-Inf  }
0x137: {  	v8 =	vadd.f32 v17, v8;
	v17 =	vld [tilespmem:$0x8D70];
	v25 =	vadd.f32 v29, v25;
	vm1 =	vmor vm15, vm14  }
0x138: {  	vm8 =	vgt.f32 v52, $-Inf;
	v29 =	vld [tilespmem:$0x8F60];
	v16 =	vmax.f32 v16, v57;
	v26 =	vnsel vm1, $0x0, v26  }
0x139: {  	v61 =	vnsel vm0, $0x0, v61;
	v15 =	vmax.f32 v16, v58;
	v58 =	vld [tilespmem:$0x8DB0];
	v25 =	vadd.f32 v26, v25  }
0x13a: {  	vm14 =	vgt.f32 v56, $-Inf;
	v16 =	vadd.f32 v46, v31;
	v26 =	vld [tilespmem:$0x8FA0];
	vm10 =	vlt.f32 v54, $-Inf  }
0x13b: {  	vm11 =	vgt.f32 v54, $-Inf;
	v15 =	vmax.f32 v15, v54;
	v54 =	vld [tilespmem:$0x8D30];
	v60 =	vadd.f32 v63, v25  }
0x13c: {  	vm15 =	vlt.f32 v48, $-Inf;
	v8 =	vadd.f32 v10, v8;
	v9 =	vadd.f32 v9, v16;
	v25 =	vld [tilespmem:$0x8FE0]  }
0x13d: {  	v16 =	vmax.f32 v7, v50;
	vm0 =	vmor vm11, vm10;
	v63 =	vld [tilespmem:$0x1FF80];
	v11 =	vadd.f32 v61, v60  }
0x13e: {  	v15 =	vmax.f32 v15, v56;
	v56 =	vmax.f32 v16, v51;
	v16 =	vld [tilespmem:$0x1FFA0];
	v34 =	vnsel vm0, $0x0, v34  }
0x13f: {  	v46 =	vmax.f32 v38, v35;
	vm0 =	vmor vm14, vm13;
	v60 =	vld [tilespmem:$0x1FF70];
	v11 =	vadd.f32 v34, v11  }
0x140: {  	vm10 =	vgt.f32 v59, $-Inf;
	v7 =	vmax.f32 v15, v48;
	v15 =	vld [tilespmem:$0x1FF90];
	v29 =	vnsel vm0, $0x0, v29  }
0x141: {  	v51 =	vld [tilespmem:$0x1FFE0];
	vm11 =	vmor vm10, vm9;
	vm0 =	vmor vm4, vm15;
	v11 =	vadd.f32 v29, v11  }
0x142: {  	vm13 =	vgt.f32 v53, $-Inf;
	vm14 =	vlt.f32 v43, $-Inf;
	v26 =	vnsel vm0, $0x0, v26;
	v34 =	vld [tilespmem:$0x9060]  }
0x143: {  	v10 =	vmax.f32 v56, v41;
	vm0 =	vmor vm6, vm5;
	[tilespmem:$0x70] =	vst v63;
	v29 =	vld [tilespmem:$0x90A0];
	v11 =	vadd.f32 v26, v11  }
0x144: {  	vm15 =	vgt.f32 v43, $-Inf;
	vm5 =	vmor vm13, vm12;
	v25 =	vnsel vm0, $0x0, v25;
	[tilespmem:$0x30] =	vst v60;
	v60 =	vld [tilespmem:$0x70]  }
0x145: {  	vm0 =	vmor vm8, vm7;
	[tilespmem:$0xB0] =	vst v15;
	v15 =	vmax.f32 v7, v42;
	v45 =	vld [tilespmem:$0x30];
	v11 =	vadd.f32 v25, v11  }
0x146: {  	v41 =	vld [tilespmem:$0x1FFB0];
	vm6 =	vmor vm15, vm14;
	v30 =	vnsel vm0, $0x0, v30;
	v57 =	vmax.f32 v15, v52  }
0x147: {  	[tilespmem:$0xF0] =	vst v16;
	v7 =	vadd.f32 v13, v9;
	v26 =	vld [tilespmem:$0x90E0];
	v13 =	vmax.f32 v57, v59;
	v11 =	vadd.f32 v30, v11  }
0x148: {  	v61 =	vadd.f32 $0.0e+00, v54;
	v63 =	vld [tilespmem:$0xF0];
	v34 =	vnsel vm11, $0x0, v34;
	v59 =	vmax.f32 v13, v53  }
0x149: {  	[tilespmem:$0x1F0] =	vst v51;
	v15 =	vld [tilespmem:$0xB0];
	v9 =	vmax.f32 v59, v43;
	v29 =	vnsel vm5, $0x0, v29;
	v11 =	vadd.f32 v34, v11  }
0x14a: {  	v52 =	vld [tilespmem:$0x1F0];
	vm9 =	vlt.f32 v60, $-Inf;
	vm10 =	vgt.f32 v60, $-Inf;
	vm7 =	vlt.f32 v45, $-Inf  }
0x14b: {  	[tilespmem:$0x270] =	vst v22;
	vm8 =	vgt.f32 v45, $-Inf;
	v43 =	vmax.f32 v45, v60;
	v45 =	vld [tilespmem:$0x1FFC0];
	v16 =	vadd.f32 v29, v11  }
0x14c: {  	v57 =	vld [tilespmem:$0x270];
	v26 =	vnsel vm6, $0x0, v26;
	vm11 =	vmor vm10, vm9;
	vm1 =	vmor vm8, vm7  }
0x14d: {  	v34 =	vadd.f32 v12, v8;
	v8 =	vadd.f32 v26, v16;
	v16 =	vnsel vm11, $0x0, v17;
	v17 =	vld [tilespmem:$0x8DF0]  }
0x14e: {  	v50 =	vld [tilespmem:$0x8E70];
	[tilespmem:$0x130] =	vst v41;
	vm12 =	vlt.f32 v15, $-Inf;
	vm13 =	vgt.f32 v15, $-Inf;
	v42 =	vnsel vm1, $0x0, v61  }
0x14f: {  	vm14 =	vlt.f32 v63, $-Inf;
	vm0 =	vmor vm13, vm12;
	v12 =	vadd.f32 v16, v42;
	v16 =	vld [tilespmem:$0x130]  }
0x150: {  	vm15 =	vgt.f32 v63, $-Inf;
	v13 =	vmax.f32 v43, v15;
	v15 =	vld [tilespmem:$0x8E30];
	v28 =	vnsel vm0, $0x0, v58;
	[tilespmem:$0x170] =	vst v45  }
0x151: {  	vm10 =	vlt.f32 v52, $-Inf;
	vm0 =	vmor vm15, vm14;
	v48 =	vld [tilespmem:$0x170];
	v12 =	vadd.f32 v28, v12  }
0x152: {  	[tilespmem:$0x1B0] =	vst v49;
	v53 =	vld [tilespmem:$0x1FFF0];
	vm14 =	vlt.f32 v57, $-Inf;
	v13 =	vmax.f32 v13, v63;
	v17 =	vnsel vm0, $0x0, v17  }
0x153: {  	[tilespmem:$0x0] =	vst v38;
	v26 =	vmax.f32 v46, v40;
	vm11 =	vgt.f32 v52, $-Inf;
	v12 =	vadd.f32 v17, v12;
	v17 =	vld [tilespmem:$0x1B0]  }
0x154: {  	[tilespmem:$0x40] =	vst v35;
	v26 =	vmax.f32 v26, v27;
	vm4 =	vlt.f32 v16, $-Inf;
	vm5 =	vgt.f32 v16, $-Inf  }
0x155: {  	[tilespmem:$0x80] =	vst v40;
	v26 =	vmax.f32 v26, v47;
	v13 =	vmax.f32 v13, v16;
	v16 =	vld [tilespmem:$0x8EB0];
	vm0 =	vmor vm5, vm4  }
0x156: {  	[tilespmem:$0xC0] =	vst v27;
	vm6 =	vlt.f32 v48, $-Inf;
	vm7 =	vgt.f32 v48, $-Inf;
	v15 =	vnsel vm0, $0x0, v15  }
0x157: {  	v54 =	vld [tilespmem:$0x8EF0];
	[tilespmem:$0x230] =	vst v53;
	v13 =	vmax.f32 v13, v48;
	vm0 =	vmor vm7, vm6;
	v12 =	vadd.f32 v15, v12  }
0x158: {  	[tilespmem:$0x100] =	vst v47;
	v56 =	vld [tilespmem:$0x230];
	v25 =	vnsel vm0, $0x0, v50;
	vm8 =	vlt.f32 v17, $-Inf;
	vm9 =	vgt.f32 v17, $-Inf  }
0x159: {  	[tilespmem:$0x140] =	vst v23;
	v15 =	vmax.f32 v26, v23;
	v12 =	vadd.f32 v25, v12;
	vm0 =	vmor vm9, vm8  }
0x15a: {  	[tilespmem:$0x2B0] =	vst v20;
	v15 =	vmax.f32 v15, v21;
	v13 =	vmax.f32 v13, v17;
	v17 =	vld [tilespmem:$0x8F30];
	v16 =	vnsel vm0, $0x0, v16  }
0x15b: {  	v20 =	vld [tilespmem:$0x8F70];
	[tilespmem:$0x2F0] =	vst v14;
	v15 =	vmax.f32 v15, v44;
	vm0 =	vmor vm11, vm10;
	v12 =	vadd.f32 v16, v12  }
0x15c: {  	[tilespmem:$0x200] =	vst v18;
	vm15 =	vgt.f32 v57, $-Inf;
	v15 =	vmax.f32 v15, v18;
	v18 =	vld [tilespmem:$0x2F0];
	v16 =	vnsel vm0, $0x0, v54  }
0x15d: {  	[tilespmem:$0x330] =	vst v2;
	vm12 =	vlt.f32 v56, $-Inf;
	vm13 =	vgt.f32 v56, $-Inf;
	v12 =	vadd.f32 v16, v12;
	v16 =	vld [tilespmem:$0x2B0]  }
0x15e: {  	[tilespmem:$0x240] =	vst v19;
	v13 =	vmax.f32 v13, v52;
	v15 =	vmax.f32 v15, v19;
	v19 =	vld [tilespmem:$0x330];
	vm0 =	vmor vm13, vm12  }
0x15f: {  	[tilespmem:$0x180] =	vst v21;
	v13 =	vmax.f32 v13, v56;
	v58 =	vmax.f32 v15, v24;
	v15 =	vld [tilespmem:$0x8FB0];
	v17 =	vnsel vm0, $0x0, v17  }
0x160: {  	[tilespmem:$0x1C0] =	vst v44;
	v13 =	vmax.f32 v13, v57;
	vm0 =	vmor vm15, vm14;
	v2 =	vadd.f32 v17, v12  }
0x161: {  	[tilespmem:$0x300] =	vst v62;
	v60 =	vld [tilespmem:$0x8FF0];
	v59 =	vmax.f32 v58, v55;
	vm6 =	vlt.f32 v18, $-Inf;
	v17 =	vnsel vm0, $0x0, v20  }
0x162: {  	[tilespmem:$0x370] =	vst v37;
	v2 =	vadd.f32 v17, v2;
	v17 =	vld [tilespmem:$0x9030];
	vm4 =	vlt.f32 v16, $-Inf;
	vm5 =	vgt.f32 v16, $-Inf  }
0x163: {  	[tilespmem:$0x2C0] =	vst v55;
	vm7 =	vgt.f32 v18, $-Inf;
	v13 =	vmax.f32 v13, v16;
	v16 =	vld [tilespmem:$0x370];
	vm0 =	vmor vm5, vm4  }
0x164: {  	[tilespmem:$0x3B0] =	vst v36;
	v12 =	vmax.f32 v59, v62;
	v20 =	vld [tilespmem:$0x9070];
	vm8 =	vlt.f32 v19, $-Inf;
	v15 =	vnsel vm0, $0x0, v15  }
0x165: {  	[tilespmem:$0x280] =	vst v24;
	v12 =	vmax.f32 v12, v1;
	vm0 =	vmor vm7, vm6;
	v2 =	vadd.f32 v15, v2;
	v15 =	vld [tilespmem:$0x3B0]  }
0x166: {  	[tilespmem:$0x3F0] =	vst v4;
	v61 =	vld [tilespmem:$0x90B0];
	vm9 =	vgt.f32 v19, $-Inf;
	v12 =	vmax.f32 v12, v32;
	v4 =	vnsel vm0, $0x0, v60  }
0x167: {  	[tilespmem:$0x340] =	vst v1;
	v13 =	vmax.f32 v13, v18;
	vm0 =	vmor vm9, vm8;
	v1 =	vadd.f32 v4, v2;
	v4 =	vld [tilespmem:$0x3F0]  }
0x168: {  	[tilespmem:$0x3C0] =	vst v33;
	v62 =	vnsel vm0, $0x0, v17;
	vm10 =	vlt.f32 v16, $-Inf;
	vm11 =	vgt.f32 v16, $-Inf  }
0x169: {  	[tilespmem:$0x380] =	vst v32;
	v63 =	vld [tilespmem:$0x90F0];
	v2 =	vmax.f32 v12, v33;
	vm0 =	vmor vm11, vm10;
	v1 =	vadd.f32 v62, v1  }
0x16a: {  	[tilespmem:$0x400] =	vst v2;
	v2 =	vnsel vm0, $0x0, v20;
	vm12 =	vlt.f32 v15, $-Inf;
	vm13 =	vgt.f32 v15, $-Inf  }
0x16b: {  	[tilespmem:$0x480] =	vst v7;
	v7 =	vmax.f32 v13, v19;
	v1 =	vadd.f32 v2, v1;
	vm0 =	vmor vm13, vm12  }
0x16c: {  	[tilespmem:$0x410] =	vst v10;
	v2 =	vnsel vm0, $0x0, v61;
	vm14 =	vlt.f32 v4, $-Inf;
	vm15 =	vgt.f32 v4, $-Inf  }
.Ltmp3:
0x16d: {  	[tilespmem:$0x420] =	vst v9;
	v7 =	vmax.f32 v7, v16;
	v1 =	vadd.f32 v2, v1;
	vm0 =	vmor vm15, vm14;
	(pc) =	sbr.rel .LBB2_3-.Ltmp3, $4  }
0x16e: {  	[tilespmem:$0x490] =	vst v34;
	v2 =	vmax.f32 v7, v15;
	v7 =	vnsel vm0, $0x0, v63  }
0x16f: {  	[tilespmem:$0x4A0] =	vst v8;
	v2 =	vmax.f32 v2, v4;
	v1 =	vadd.f32 v7, v1  }
0x170: {  	[tilespmem:$0x430] =	vst v2  }
0x171: {  	s20 =	simm.s32 $0x0;
	v18 =	vimm.f32 $-Inf;
	v17 =	vimm.s32 $0x2;
	[tilespmem:$0x4B0] =	vst v1  }
.LBB2_5:
0x172: {  	v11 =	vmov v9  }
.LBB2_9:
0x173: {  	_ =	sdelay $0x4  }
0x174: {  	[tilespmem:v12+s18+$0x0] =	vst.idx.add.f32.msk @p0 vm1, v13  }
0x175: {  	v1 =	vld.idx.msk [tilespmem:v10+s13+$0x0], vm0;
	_ =	sdelay $0x1  }
0x176: {  	v2 =	vand.u32 @p0 v11, v14  }
0x177: {  	v4 =	vand.u32 $0x2F, v10;
	v2 =	vpsel p0, v2, v9  }
0x178: {  	v8 =	vsub.s32 $0x0, v2  }
0x179: {  	v8 =	vand.u32 v8, v2;
	v1 =	vadd.s32 $0xFFFFFFFF, v1  }
0x17a: {  	v8 =	vcvt.s32.f32 v8;
	vm14 =	veq.s32 v1, $0x0  }
0x17b: {  	v61 =	vld.idx.msk [tilespmem:v10+s10+$0x0], vm0;
	vm1 =	vmand vm0, vm14  }
0x17c: {  	v62 =	vld.idx.msk [tilespmem:v4+s17+$0x0], vm0;
	v8 =	vshrl.u32 v8, $0x12  }
0x17d: {  	v8 =	vand.u32 $0x1FE0, v8  }
0x17e: {  	v12 =	vld.idx.msk [tilespmem:v10+s12+$0x0], vm0;
	vm2 =	vne.s32 v0, v2;
	v2 =	vadd.s32 v7, v8  }
0x17f: {  	v2 =	vnsel vm2, $0x0, v2  }
0x180: {  	[tilespmem:v10+s13+$0x0] =	vst.idx.msk vm0, v1  }
0x181: {  	v1 =	vmax.f32 v62, v61;
	[tilespmem:v10+s9+$0x0] =	vst.idx.msk vm1, v61  }
0x182: {  	[tilespmem:v4+s17+$0x0] =	vst.idx.msk vm1, v1  }
0x183: {  	[tilespmem:v4+s18+$0x0] =	vst.idx.add.f32.msk vm1, v12  }
0x184: {  	v1 =	vld.idx.msk [tilespmem:v2+s13+$0x0], vm2;
	_ =	sdelay $0x2  }
0x185: {  	v4 =	vand.u32 $0x3F, v2;
	_ =	sdelay $0x1  }
0x186: {  	v1 =	vadd.s32 $0xFFFFFFFF, v1  }
0x187: {  	vm15 =	veq.s32 v1, $0x0  }
0x188: {  	v7 =	vld.idx.msk [tilespmem:v2+s10+$0x0], vm2;
	vm0 =	vmand vm2, vm15  }
0x189: {  	v8 =	vld.idx.msk [tilespmem:v4+s17+$0x0], vm2;
	_ =	sdelay $0x1  }
0x18a: {  	v63 =	vld.idx.msk [tilespmem:v2+s12+$0x0], vm2;
	_ =	sdelay $0x1  }
0x18b: {  	[tilespmem:v2+s13+$0x0] =	vst.idx.msk vm2, v1  }
0x18c: {  	v1 =	vmax.f32 v8, v7;
	[tilespmem:v2+s9+$0x0] =	vst.idx.msk vm0, v7  }
0x18d: {  	[tilespmem:v4+s17+$0x0] =	vst.idx.msk vm0, v1  }
0x18e: {  	[tilespmem:v4+s18+$0x0] =	vst.idx.add.f32.msk vm0, v63  }
.LBB2_10:
0x18f: {  	s20 =	sadd.s32 $0x1, s20  }
0x190: {  	p0 =	sne.s32 s20, $0x400  }
.Ltmp4:
0x191: {  	_ = 	snop;
	(pc) =	sbr.rel @!p0 .LBB2_11-.Ltmp4, $1  }
0x192: {  	_ =	sdelay $0x3  }
.LBB2_3:
0x193: {  	v1 =	vld [tilespmem:$0x400]  }
0x194: {  	v2 =	vld [tilespmem:$0x410]  }
0x195: {  	v4 =	vld [tilespmem:$0x420]  }
0x196: {  	v7 =	vld [tilespmem:$0x430];
	_ =	sdelay $0x4  }
0x197: {  	vm0 =	vgt.f32 v2, v1;
	vm1 =	vgt.f32 v7, v4  }
0x198: {  	v1 =	vsel vm0, v2, v1;
	v2 =	vsel vm1, v7, v4  }
0x199: {  	vm2 =	vgt.f32 v2, v1  }
0x19a: {  	v1 =	vsel vm2, v2, v1  }
0x19b: {  	(xrf0) =	vmax.scan.msk.f32 $0xffff, v1;
	_ =	sdelay $0x5  }
0x19c: {  	v2, _, _ =	vpop (xrf0)  }
0x19d: {  	v2 =	vperm.xlane v2, v39;
	_ =	sdelay $0x1  }
0x19e: {  	vm3 =	veq.f32 v1, v2  }
0x19f: {  	v1 =	vmctz.xlane vm3  }
0x1a0: {  	v4 =	vsel vm0, $0x1, v0;
	v7 =	vsel vm1, $0x3, v17  }
0x1a1: {  	v4 =	vsel vm2, v7, v4;
	v7 =	vadd.s32 $0x10, v1  }
0x1a2: {  	v4 =	vperm.xlane v4, v7;
	_ =	sdelay $0x1  }
0x1a3: {  	v7 =	vmul.u32 $0x40, v3;
	v4 =	vshll.u32 v4, $0x4  }
0x1a4: {  	v1 =	vadd.s32 v1, v4  }
0x1a5: {  	v4 =	vadd.s32 v7, v1;
	_ =	sdelay $0x4  }
0x1a6: {  	v4 =	vld.idx.msk [tilespmem:v4+s9+$0x0], $0xffff;
	_ =	sdelay $0x3  }
0x1a7: {  	v9 =	vld [tilespmem:$0x4A0]  }
0x1a8: {  	v10 =	vld [tilespmem:$0x4B0];
	vm11 =	veq.f32 v4, v2  }
0x1a9: {  	v7 =	vld [tilespmem:$0x480];
	v8 =	vmctz.xlane vm11  }
0x1aa: {  	v2 =	vld [tilespmem:$0x490]  }
0x1ab: {  	vm0 =	veq.s32 v8, v3  }
0x1ac: {  	v8 =	vshll.u32 v8, $0x6;
	v4 =	vsel vm0, $0xFF800000, v4  }
0x1ad: {  	v11 =	vadd.s32 v1, v8;
	(xrf0) =	vmax.scan.msk.f32 $0xffff, v4  }
0x1ae: {  	v4 =	vshll.u32 v11, $0x4  }
0x1af: {  	v2 =	vadd.f32 v2, v7;
	v7 =	vadd.f32 v10, v9;
	v4 =	vor.u32 v3, v4;
	_ =	sdelay $0x2  }
0x1b0: {  	v2 =	vadd.f32 v7, v2  }
0x1b1: {  	v7, _, _ =	vpop (xrf0)  }
0x1b2: {  	[tilespmem:v4+s16+$0x0] =	vst.idx.msk $0xffff, v2;
	v2 =	vperm.xlane v7, v39  }
0x1b3: {  	[tilespmem:v11+s9+$0x0] =	vst.idx.msk $0x1, v18  }
0x1b4: {  	[tilespmem:v1+s17+$0x0] =	vst.idx.msk $0x1, v2  }
0x1b5: {  	v4 =	vshll.u32 v11, $0x3;
	v2 =	vld.idx.msk [tilespmem:v11+s12+$0x0], $0xffff  }
0x1b6: {  	v7 =	vand.u32 $0x7F, v11;
	v4 =	vand.u32 $0xFFFFFC00, v4  }
0x1b7: {  	v4 =	vor.u32 v7, v4  }
0x1b8: {  	v7 =	vadd.s32 v5, v4;
	_ =	sdelay $0x1  }
0x1b9: {  	v2 =	vsub.f32 $0.0e+00, v2;
	_ =	sdelay $0x1  }
0x1ba: {  	[tilespmem:v1+s18+$0x0] =	vst.idx.add.f32.msk $0x1, v2  }
0x1bb: {  	v9 =	vld.idx.msk [tilespmem:v7+s14+$0x0], $0xffff;
	_ =	sdelay $0x4  }
0x1bc: {  	v1 =	vsub.s32 $0x0, v9  }
0x1bd: {  	v1 =	vand.u32 v1, v9  }
0x1be: {  	v2 =	vadd.s32 v6, v4;
	v1 =	vcvt.s32.f32 v1;
	_ =	sdelay $0x1  }
0x1bf: {  	v1 =	vshrl.u32 v1, $0x12  }
0x1c0: {  	v8 =	vor.u32 $0xFFFFF020, v3;
	v1 =	vand.u32 $0x1FE0, v1  }
0x1c1: {  	vm12 =	vne.s32 v0, v9;
	v1 =	vadd.s32 v8, v1  }
0x1c2: {  	v4 =	vnsel vm12, $0x0, v1;
	v1 =	vld.idx.msk [tilespmem:v2+s14+$0x0], $0xffff  }
0x1c3: {  	v2 =	vld.idx.msk [tilespmem:v11+s15+$0x0], $0xffff;
	_ =	sdelay $0x3  }
0x1c4: {  	v7 =	vld.idx.msk [tilespmem:v4+s13+$0x0], vm12  }
0x1c5: {  	v2 =	vxor.u32 $0x80000000, v2  }
0x1c6: {  	v10 =	vand.u32 $0x2F, v4;
	(xrf0) =	vmax.scan.msk.u32 $0xffff, v2;
	_ =	sdelay $0x1  }
0x1c7: {  	v11 =	vsub.s32 $0x0, v1  }
0x1c8: {  	v12 =	vadd.s32 $0xFFFFFFFF, v7;
	v7 =	vand.u32 v11, v1  }
0x1c9: {  	vm13 =	veq.s32 v12, $0x0;
	v2 =	vcvt.s32.f32 v7  }
0x1ca: {  	v13 =	vld.idx.msk [tilespmem:v10+s17+$0x0], vm12;
	vm1 =	vmand vm12, vm13  }
0x1cb: {  	v11 =	vld.idx.msk [tilespmem:v4+s10+$0x0], vm12;
	v61, _, _ =	vpop (xrf0);
	v2 =	vshrl.u32 v2, $0x12  }
0x1cc: {  	v7 =	vor.u32 $0xFFFFF030, v3;
	(v2sf) =	vpush v61, $0xF;
	v2 =	vand.u32 $0x1FE0, v2  }
0x1cd: {  	v14 =	vld.idx.msk [tilespmem:v4+s12+$0x0], vm12;
	vm14 =	vne.s32 v0, v1;
	v2 =	vadd.s32 v7, v2  }
0x1ce: {  	v2 =	vnsel vm14, $0x0, v2  }
0x1cf: {  	[tilespmem:v4+s13+$0x0] =	vst.idx.msk vm12, v12  }
0x1d0: {  	[tilespmem:v4+s9+$0x0] =	vst.idx.msk vm1, v11;
	v4 =	vmax.f32 v13, v11  }
0x1d1: {  	[tilespmem:v10+s17+$0x0] =	vst.idx.msk vm1, v4  }
0x1d2: {  	[tilespmem:v10+s18+$0x0] =	vst.idx.add.f32.msk vm1, v14  }
0x1d3: {  	v4 =	vld.idx.msk [tilespmem:v2+s13+$0x0], vm14;
	_ =	sdelay $0x2  }
0x1d4: {  	v10 =	vand.u32 $0x3F, v2;
	_ =	sdelay $0x1  }
0x1d5: {  	v4 =	vadd.s32 $0xFFFFFFFF, v4  }
0x1d6: {  	vm15 =	veq.s32 v4, $0x0  }
0x1d7: {  	v11 =	vld.idx.msk [tilespmem:v2+s10+$0x0], vm14;
	vm0 =	vmand vm14, vm15  }
0x1d8: {  	v62 =	vld.idx.msk [tilespmem:v10+s17+$0x0], vm14;
	s21 =	spop (v2sf)  }
0x1d9: {  	s22 =	sxor.u32 $0x80000000, s21  }
0x1da: {  	v63 =	vld.idx.msk [tilespmem:v2+s12+$0x0], vm14;
	p0 =	slt.s32 s22, $0x2  }
.Ltmp5:
0x1db: {  	_ = 	snop;
	(pc) =	sbr.rel @p0 .LBB2_10-.Ltmp5, $4  }
0x1dc: {  	[tilespmem:v2+s13+$0x0] =	vst.idx.msk vm14, v4  }
0x1dd: {  	[tilespmem:v2+s9+$0x0] =	vst.idx.msk vm0, v11;
	v2 =	vmax.f32 v62, v11  }
0x1de: {  	[tilespmem:v10+s17+$0x0] =	vst.idx.msk vm0, v2  }
0x1df: {  	[tilespmem:v10+s18+$0x0] =	vst.idx.add.f32.msk vm0, v63  }
0x1e0: {  	v2 =	vadd.s32 $0xFFFFFFFF, v9  }
0x1e1: {  	v11 =	vand.u32 v9, v2  }
0x1e2: {  	s21 =	sadd.s32 $0x80000001, s21;
	v2 =	vsub.s32 $0x0, v11  }
0x1e3: {  	s21 =	sadd.s32 $0xFFFFFFFF, s21;
	v2 =	vand.u32 v2, v11  }
0x1e4: {  	p1 =	sgt.u32 s21, $0x2;
	v2 =	vcvt.s32.f32 v2  }
.Ltmp6:
0x1e5: {  	_ = 	snop;
	(pc) =	sbr.rel @!p1 .LBB2_5-.Ltmp6, $4  }
0x1e6: {  	v2 =	vshrl.u32 v2, $0x12  }
0x1e7: {  	v2 =	vand.u32 $0x1FE0, v2  }
0x1e8: {  	v4 =	vadd.s32 $0xFFFFFFFF, v1;
	vm0 =	vne.s32 v0, v11;
	v2 =	vadd.s32 v8, v2  }
0x1e9: {  	p0 =	por $0x0, $0x0;
	v9 =	vand.u32 v1, v4;
	v10 =	vnsel vm0, $0x0, v2  }
0x1ea: {  	_ =	sdelay $0x4  }
0x1eb: {  	v1 =	vld.idx.msk [tilespmem:v10+s13+$0x0], vm0;
	_ =	sdelay $0x2  }
0x1ec: {  	v2 =	vand.u32 $0x2F, v10  }
0x1ed: {  	v4 =	vsub.s32 $0x0, v9  }
0x1ee: {  	v4 =	vand.u32 v4, v9;
	v1 =	vadd.s32 $0xFFFFFFFF, v1  }
0x1ef: {  	v4 =	vcvt.s32.f32 v4;
	vm1 =	veq.s32 v1, $0x0  }
0x1f0: {  	v12 =	vld.idx.msk [tilespmem:v10+s10+$0x0], vm0;
	vm1 =	vmand vm0, vm1  }
0x1f1: {  	v4 =	vshrl.u32 v4, $0x12;
	v13 =	vld.idx.msk [tilespmem:v2+s17+$0x0], vm0  }
0x1f2: {  	v4 =	vand.u32 $0x1FE0, v4  }
0x1f3: {  	v14 =	vld.idx.msk [tilespmem:v10+s12+$0x0], vm0;
	vm2 =	vne.s32 v0, v9;
	v4 =	vadd.s32 v7, v4  }
0x1f4: {  	v4 =	vnsel vm2, $0x0, v4  }
0x1f5: {  	[tilespmem:v10+s13+$0x0] =	vst.idx.msk vm0, v1  }
0x1f6: {  	v1 =	vmax.f32 v13, v12;
	[tilespmem:v10+s9+$0x0] =	vst.idx.msk vm1, v12  }
0x1f7: {  	[tilespmem:v2+s17+$0x0] =	vst.idx.msk vm1, v1  }
0x1f8: {  	[tilespmem:v2+s18+$0x0] =	vst.idx.add.f32.msk vm1, v14  }
0x1f9: {  	v1 =	vld.idx.msk [tilespmem:v4+s13+$0x0], vm2;
	_ =	sdelay $0x3  }
0x1fa: {  	v12 =	vand.u32 $0x3F, v4;
	v2 =	vadd.s32 $0xFFFFFFFE, v11  }
0x1fb: {  	v10 =	vadd.s32 $0xFFFFFFFF, v1;
	v1 =	vand.u32 v11, v2  }
0x1fc: {  	v11 =	vsub.s32 $0x0, v1  }
0x1fd: {  	v11 =	vand.u32 v11, v1  }
0x1fe: {  	vm0 =	veq.s32 v10, $0x0;
	v11 =	vcvt.s32.f32 v11  }
0x1ff: {  	v14 =	vld.idx.msk [tilespmem:v12+s17+$0x0], vm2;
	vm1 =	vmand vm2, vm0  }
0x200: {  	s21 =	sadd.s32 $0xFFFFFFFF, s21;
	v2 =	vld.idx.msk [tilespmem:v4+s10+$0x0], vm2;
	v11 =	vshrl.u32 v11, $0x12  }
0x201: {  	p1 =	sgt.u32 s21, $0x2;
	v13 =	vld.idx.msk [tilespmem:v4+s12+$0x0], vm2;
	[tilespmem:v4+s13+$0x0] =	vst.idx.msk vm2, v10;
	v10 =	vand.u32 $0x1FE0, v11  }
.Ltmp7:
0x202: {  	vm0 =	vne.s32 v0, v1;
	v10 =	vadd.s32 v8, v10;
	(pc) =	sbr.rel @!p1 .LBB2_7-.Ltmp7, $3  }
0x203: {  	v10 =	vnsel vm0, $0x0, v10;
	_ =	sdelay $0x1  }
0x204: {  	[tilespmem:v4+s9+$0x0] =	vst.idx.msk vm1, v2;
	v2 =	vmax.f32 v14, v2  }
0x205: {  	p0 =	por $0x1, $0x1;
	v14 =	vadd.s32 $0xFFFFFFFE, v9;
	v11 =	vmov v9;
	[tilespmem:v12+s17+$0x0] =	vst.idx.msk vm1, v2  }
.LBB2_8:
0x206: {  	s21 =	sadd.s32 $0xFFFFFFFF, s21;
	[tilespmem:v12+s18+$0x0] =	vst.idx.add.f32.msk vm1, v13;
	v11 =	vand.u32 v11, v14  }
0x207: {  	p1 =	sgt.u32 s21, $0x2;
	v2 =	vld.idx.msk [tilespmem:v10+s13+$0x0], vm0;
	_ =	sdelay $0x2  }
0x208: {  	v4 =	vand.u32 $0x2F, v10;
	_ =	sdelay $0x1  }
0x209: {  	v12 =	vsub.s32 $0x0, v11  }
0x20a: {  	v12 =	vand.u32 v12, v11;
	v2 =	vadd.s32 $0xFFFFFFFF, v2  }
0x20b: {  	v12 =	vcvt.s32.f32 v12;
	vm1 =	veq.s32 v2, $0x0;
	v13 =	vld.idx.msk [tilespmem:v10+s10+$0x0], vm0  }
0x20c: {  	vm2 =	vmand vm0, vm1;
	v14 =	vld.idx.msk [tilespmem:v4+s17+$0x0], vm0  }
0x20d: {  	v12 =	vshrl.u32 v12, $0x12  }
0x20e: {  	v12 =	vand.u32 $0x1FE0, v12;
	v15 =	vld.idx.msk [tilespmem:v10+s12+$0x0], vm0  }
0x20f: {  	v12 =	vadd.s32 v7, v12;
	vm1 =	vne.s32 v0, v11  }
0x210: {  	v16 =	vnsel vm1, $0x0, v12  }
0x211: {  	[tilespmem:v10+s13+$0x0] =	vst.idx.msk vm0, v2  }
0x212: {  	v2 =	vmax.f32 v14, v13;
	[tilespmem:v10+s9+$0x0] =	vst.idx.msk vm2, v13  }
0x213: {  	[tilespmem:v4+s17+$0x0] =	vst.idx.msk vm2, v2  }
0x214: {  	[tilespmem:v4+s18+$0x0] =	vst.idx.add.f32.msk vm2, v15  }
0x215: {  	v2 =	vld.idx.msk [tilespmem:v16+s13+$0x0], vm1  }
0x216: {  	v12 =	vand.u32 $0x3F, v16;
	_ =	sdelay $0x1  }
0x217: {  	v4 =	vadd.s32 $0xFFFFFFFE, v1  }
0x218: {  	v1 =	vand.u32 v1, v4;
	v4 =	vld.idx.msk [tilespmem:v16+s10+$0x0], vm1  }
0x219: {  	v10 =	vsub.s32 $0x0, v1;
	v13 =	vld.idx.msk [tilespmem:v16+s12+$0x0], vm1  }
0x21a: {  	v10 =	vand.u32 v10, v1;
	v2 =	vadd.s32 $0xFFFFFFFF, v2;
	v14 =	vld.idx.msk [tilespmem:v12+s17+$0x0], vm1  }
0x21b: {  	v10 =	vcvt.s32.f32 v10;
	vm0 =	veq.s32 v2, $0x0;
	[tilespmem:v16+s13+$0x0] =	vst.idx.msk vm1, v2  }
0x21c: {  	vm1 =	vmand vm1, vm0  }
0x21d: {  	v2 =	vshrl.u32 v10, $0x12  }
0x21e: {  	v2 =	vand.u32 $0x1FE0, v2  }
.Ltmp8:
0x21f: {  	vm0 =	vne.s32 v0, v1;
	v2 =	vadd.s32 v8, v2;
	(pc) =	sbr.rel @p1 .LBB2_8-.Ltmp8, $3  }
0x220: {  	v10 =	vnsel vm0, $0x0, v2;
	_ =	sdelay $0x1  }
0x221: {  	v2 =	vmax.f32 v14, v4;
	[tilespmem:v16+s9+$0x0] =	vst.idx.msk vm1, v4  }
0x222: {  	v14 =	vadd.s32 $0xFFFFFFFE, v11;
	[tilespmem:v12+s17+$0x0] =	vst.idx.msk vm1, v2  }
.Ltmp9:
0x223: {  	_ = 	snop;
	(pc) =	sbr.rel .LBB2_9-.Ltmp9, $1  }
0x224: {  	_ =	sdelay $0x3  }
.LBB2_7:
.Ltmp10:
0x225: {  	(pc) =	sbr.rel .LBB2_9-.Ltmp10, $2  }
0x226: {  	_ =	sdelay $0x2  }
0x227: {  	v11 =	vmov v9  }
.Lfunc_end2:
_tile_overlayer_lowered:
.L_overlay_start_2:
0x228: {  	(tag) =	ssettag $0x2  }
0x229: {  	s0 =	rddreg [dreg:$0x0];
	s2 =	stileid.u32  }
0x22a: {  	s1 =	rddreg [dreg:$0x1];
	p0 =	sne.s32 s2, $0x0  }
0x22b: {  	s3 =	rddreg [dreg:$0x2];
	[bflag:$0x3] =	sbarrier.arrive $0xFFFF;
	s2 =	simm.s32 @!p0 $0x1C01  }
0x22c: {  	[timem:s3], [sflag:s2] =	dma.local @!p0 [hbm:s0], s1  }
0x22d: {  	s0 =	simm.s32 @!p0 $0x1  }
0x22e: {  	_ =	swait.ge @!p0 [sflag:s0], s1  }
0x22f: {  	s1 =	ssub.s32 @!p0 $0x0, s1;
	[sflag:s0] =	ssyncset.done @!p0 $0x0  }
0x230: {  	[sflag:s0] =	ssyncadd.s32 @!p0 s1  }
0x231: {  	[bflag:$0x3] =	sbarrier.arrive $0xFFFF  }
0x232: {  	_ =	shalt  }

</sc_bundles>
